<compile_context>
chip_gen: v7x
topology: tpu7x:2x2x1
jax: 0.10.2.dev20260603
libtpu: 0.0.44.dev20260713+nightly
codegen_flags: <defaults>
</compile_context>

<pallas_src>
import functools

import jax
import jax.numpy as jnp
from jax import lax
from jax.experimental import pallas as pl
from jax.experimental.pallas import tpu as pltpu
from jax.experimental.pallas import tpu_sc as plsc

_BETA_THRESHOLD = 0.3
_DISTANCE_THRESHOLD = 0.5
_N = 20000
_ROWS = 160
_COLS = 128
_P = _ROWS * _COLS

_NW = 32
_BW = _P // _NW
_NCH = _BW // 128


def _greedy_body(cx_ref, cy_ref, cz_ref, t2_ref, b_ref,
                 assign_ref, alpha_ref, mb_ref):
    shape = (_ROWS, _COLS)
    neg1 = jnp.full(shape, -1.0, jnp.float32)
    assign_ref[...] = neg1
    alpha_ref[...] = neg1
    mb_ref[...] = b_ref[...]

    row = lax.broadcasted_iota(jnp.int32, shape, 0)
    col = lax.broadcasted_iota(jnp.int32, shape, 1)
    idxf = (row * _COLS + col).astype(jnp.float32)

    cx = cx_ref[...]
    cy = cy_ref[...]
    cz = cz_ref[...]
    t2 = t2_ref[...]

    def cond_fn(carry):
        _, m = carry
        return m > _BETA_THRESHOLD

    def body_fn(carry):
        k, m = carry
        mb = mb_ref[...]
        a = jnp.min(jnp.where(mb >= m, idxf, jnp.float32(_P)))
        sel = idxf == a
        ninf = jnp.float32(-jnp.inf)
        cxa = jnp.max(jnp.where(sel, cx, ninf))
        cya = jnp.max(jnp.where(sel, cy, ninf))
        cza = jnp.max(jnp.where(sel, cz, ninf))
        t2a = jnp.max(jnp.where(sel, t2, ninf))
        dx = cx - cxa
        dy = cy - cya
        dz = cz - cza
        d2 = (dx * dx + dy * dy) + dz * dz
        within = (d2 <= t2a) & (mb >= 0.0)
        assign_ref[...] = jnp.where(within, k, assign_ref[...])
        alpha_ref[...] = jnp.where(within, a, alpha_ref[...])
        mb2 = jnp.where(within, jnp.float32(-2.0), mb)
        mb_ref[...] = mb2
        return k + jnp.float32(1.0), jnp.max(mb2)

    m0 = jnp.max(b_ref[...])
    lax.while_loop(cond_fn, body_fn, (jnp.float32(0.0), m0))


def _sc_gather_body(aidx_hbm, cx_hbm, cy_hbm, cz_hbm,
                    ox_hbm, oy_hbm, oz_hbm,
                    aidx_v, idx_v, gx_v, gy_v, gz_v, sem):
    wid = lax.axis_index("s") * 2 + lax.axis_index("c")
    pltpu.sync_copy(aidx_hbm.at[wid], aidx_v)
    for j in range(_BW // 16):
        r, c = j // 8, (j % 8) * 16
        a = aidx_v[r, pl.ds(c, 16)]
        idx_v[r, pl.ds(c, 16)] = jnp.maximum(a, 0)
    for r in range(_NCH):
        pltpu.async_copy(cx_hbm.at[idx_v.at[r]], gx_v.at[r], sem).wait()
        pltpu.async_copy(cy_hbm.at[idx_v.at[r]], gy_v.at[r], sem).wait()
        pltpu.async_copy(cz_hbm.at[idx_v.at[r]], gz_v.at[r], sem).wait()
    zero = jnp.zeros((16,), jnp.float32)
    for j in range(_BW // 16):
        r, c = j // 8, (j % 8) * 16
        noise = aidx_v[r, pl.ds(c, 16)] < 0
        gx_v[r, pl.ds(c, 16)] = jnp.where(noise, zero, gx_v[r, pl.ds(c, 16)])
        gy_v[r, pl.ds(c, 16)] = jnp.where(noise, zero, gy_v[r, pl.ds(c, 16)])
        gz_v[r, pl.ds(c, 16)] = jnp.where(noise, zero, gz_v[r, pl.ds(c, 16)])
    pltpu.sync_copy(gx_v, ox_hbm.at[wid])
    pltpu.sync_copy(gy_v, oy_hbm.at[wid])
    pltpu.sync_copy(gz_v, oz_hbm.at[wid])


@functools.cache
def _build_sc_gather():
    @functools.partial(
        pl.kernel,
        out_type=(
            jax.ShapeDtypeStruct((_NW, _NCH, 128), jnp.float32),
            jax.ShapeDtypeStruct((_NW, _NCH, 128), jnp.float32),
            jax.ShapeDtypeStruct((_NW, _NCH, 128), jnp.float32),
        ),
        mesh=plsc.VectorSubcoreMesh(core_axis_name="c", subcore_axis_name="s"),
        scratch_types=[
            pltpu.VMEM((_NCH, 128), jnp.int32),
            pltpu.VMEM((_NCH, 128), jnp.int32),
            pltpu.VMEM((_NCH, 128), jnp.float32),
            pltpu.VMEM((_NCH, 128), jnp.float32),
            pltpu.VMEM((_NCH, 128), jnp.float32),
            pltpu.SemaphoreType.DMA,
        ],
    )
    def sc_gather(aidx, cx, cy, cz, ox, oy, oz,
                  aidx_v, idx_v, gx, gy, gz, sem):
        _sc_gather_body(aidx, cx, cy, cz, ox, oy, oz,
                        aidx_v, idx_v, gx, gy, gz, sem)
    return sc_gather


def _sc_gather(aidx, cx, cy, cz):
    return _build_sc_gather()(aidx, cx, cy, cz)


def _thr2(radius):
    r2 = radius * radius
    bits = r2.view(jnp.int32)
    best = jnp.full_like(r2, -1.0)
    for j in range(-8, 9):
        c = jnp.maximum(bits + j, 0).view(jnp.float32)
        keep = jnp.sqrt(c) <= radius
        best = jnp.maximum(best, jnp.where(keep, c, -1.0))
    return best


@jax.jit
def kernel(pred_ccoords, pred_beta, pred_dist):
    pad = _P - _N

    def to2d(flat):
        return flat.reshape(_ROWS, _COLS)

    coords = jnp.pad(pred_ccoords, ((0, pad), (0, 0)), constant_values=1e9)
    cxf = coords[:, 0]
    cyf = coords[:, 1]
    czf = coords[:, 2]
    cx = to2d(cxf)
    cy = to2d(cyf)
    cz = to2d(czf)
    beta = jnp.pad(pred_beta.reshape(-1), (0, pad), constant_values=-1.0)
    beta = to2d(beta)
    radius = pred_dist.reshape(-1) * _DISTANCE_THRESHOLD
    t2 = to2d(jnp.pad(_thr2(radius), (0, pad), constant_values=-1.0))

    shape = (_ROWS, _COLS)
    out_shapes = (
        jax.ShapeDtypeStruct(shape, jnp.float32),
        jax.ShapeDtypeStruct(shape, jnp.float32),
    )
    assign, alpha = pl.pallas_call(
        _greedy_body,
        out_shape=out_shapes,
        scratch_shapes=[pltpu.VMEM(shape, jnp.float32)],
    )(cx, cy, cz, t2, beta)

    assign = assign.reshape(-1).astype(jnp.int32)
    alpha = alpha.reshape(-1).astype(jnp.int32)
    aidx = alpha.reshape(_NW, _NCH, 128)
    ox, oy, oz = _sc_gather(aidx, cxf, cyf, czf)

    assign = assign[:_N]
    alpha = alpha[:_N]
    cond = jnp.stack([ox.reshape(-1)[:_N], oy.reshape(-1)[:_N],
                      oz.reshape(-1)[:_N]], axis=-1)
    return assign, alpha, cond

# --- scband reference (transcript-rebuilt; emitter-appended) ---
"""Pipeline reference for scband-ochits2-showers-layer-26173530702550 (READ-ONLY COPY).

The authoritative reference and input builder live on the scoring server;
editing this copy changes nothing except your own understanding.
"""

import jax, jax.numpy as jnp
import numpy as np

BETA_THRESHOLD = 0.3
DISTANCE_THRESHOLD = 0.5
N_HITS = 20000


def setup_inputs(seed: int = 0) -> dict:
    key = jax.random.key(seed)
    k1, k2, k3 = jax.random.split(key, 3)
    pred_ccoords = jax.random.normal(k1, (N_HITS, 3), dtype=jnp.float32)
    pred_beta = jax.random.uniform(k2, (N_HITS, 1), dtype=jnp.float32)
    pred_dist = jax.random.uniform(k3, (N_HITS, 1), dtype=jnp.float32)
    return {"pred_ccoords": pred_ccoords, "pred_beta": pred_beta, "pred_dist": pred_dist}


def _build_and_assign(coords, beta, dist, beta_threshold, distance_threshold):
    # Greedy object-condensation assignment (NMS-like):
    # repeatedly pick the highest-beta unassigned hit above beta_threshold
    # (assign_by_max_beta=True), and assign all unassigned hits within its
    # local distance radius (use_local_distance_thresholding=True) to it.
    N = coords.shape[0]
    beta_f = beta.reshape(-1)
    radius = dist.reshape(-1) * distance_threshold

    def cond_fn(state):
        assign, alpha_assign, k = state
        avail = jnp.where(assign < 0, beta_f, -1.0)
        return jnp.max(avail) > beta_threshold

    def body_fn(state):
        assign, alpha_assign, k = state
        avail = jnp.where(assign < 0, beta_f, -1.0)
        a = jnp.argmax(avail)
        d = jnp.sqrt(jnp.sum((coords - coords[a]) ** 2, axis=-1))
        within = (d <= radius[a]) & (assign < 0)
        assign = jnp.where(within, k, assign)
        alpha_assign = jnp.where(within, a.astype(jnp.int32), alpha_assign)
        return assign, alpha_assign, k + jnp.int32(1)

    init = (jnp.full((N,), -1, jnp.int32), jnp.full((N,), -1, jnp.int32), jnp.int32(0))
    return jax.lax.while_loop(cond_fn, body_fn, init)


_build_and_assign_jit = jax.jit(_build_and_assign, static_argnums=(3, 4))


def reference(pred_ccoords, pred_beta, pred_dist):
    assign, alpha_idx, n_cond = _build_and_assign_jit(
        pred_ccoords, pred_beta, pred_dist, BETA_THRESHOLD, DISTANCE_THRESHOLD)
    # gather the condensate (alpha) coordinates for every assigned hit;
    # noise hits (alpha_idx == -1) get zeros
    safe_alpha = jnp.where(alpha_idx < 0, 0, alpha_idx)
    cond_coords = jnp.take(pred_ccoords, safe_alpha, axis=0)
    cond_coords = jnp.where((alpha_idx >= 0)[:, None], cond_coords, jnp.zeros_like(cond_coords))
    return assign, alpha_idx, cond_coords

if __name__ == "__main__":
    import jax
    _d = setup_inputs()
    print(jax.jit(kernel)(*tuple(_d.values())))

</pallas_src>

<mosaic_0001>
#map = affine_map<(d0, d1) -> (0, 0, 0)>
#map1 = affine_map<(d0, d1) -> (0)>
module attributes {stable_mosaic.version = 14 : i64} {
  func.func @sc_gather(%arg0: i32, %arg1: i32, %arg2: memref<32x5x128xi32, #tpu.memory_space<hbm>>, %arg3: memref<20480xf32, #tpu.memory_space<hbm>>, %arg4: memref<20480xf32, #tpu.memory_space<hbm>>, %arg5: memref<20480xf32, #tpu.memory_space<hbm>>, %arg6: memref<32x5x128xf32, #tpu.memory_space<hbm>>, %arg7: memref<32x5x128xf32, #tpu.memory_space<hbm>>, %arg8: memref<32x5x128xf32, #tpu.memory_space<hbm>>, %arg9: memref<5x128xi32, #tpu.memory_space<vmem>>, %arg10: memref<5x128xi32, #tpu.memory_space<vmem>>, %arg11: memref<5x128xf32, #tpu.memory_space<vmem>>, %arg12: memref<5x128xf32, #tpu.memory_space<vmem>>, %arg13: memref<5x128xf32, #tpu.memory_space<vmem>>, %arg14: memref<!tpu.dma_semaphore, #tpu.memory_space<semaphore_mem>>) attributes {dimension_semantics = [#tpu.dimension_semantics<core_parallel>, #tpu.dimension_semantics<subcore_parallel>], iteration_bounds = array<i64: 2, 16>, scalar_prefetch = 0 : i64, scratch_operands = 6 : i64, tpu.core_type = #tpu.core_type<sc_vector_subcore>, window_params = [{transform_indices = #map}, {transform_indices = #map1}, {transform_indices = #map1}, {transform_indices = #map1}, {transform_indices = #map}, {transform_indices = #map}, {transform_indices = #map}]} {
    %mul3A = arith.constant 2 : i32
    %mul3A_0 = arith.muli %arg1, %mul3A : i32
    %add3A = arith.addi %mul3A_0, %arg0 : i32
    "tpu.region"() ({
      %run_scoped3A = tpu.sem_alloc : memref<!tpu.dma_semaphore, #tpu.memory_space<semaphore_mem>>
      %dma_start3A_2615 = arith.constant 0 : i32
      %dma_start3A_2616 = arith.constant 0 : i32
      %dma_start3A_2617 = tpu.memref_slice %arg2[%add3A, %dma_start3A_2615, %dma_start3A_2616] : memref<32x5x128xi32, #tpu.memory_space<hbm>> -> memref<1x5x128xi32, #tpu.memory_space<hbm>>
      %dma_start3A_2618 = tpu.memref_squeeze %dma_start3A_2617 : memref<1x5x128xi32, #tpu.memory_space<hbm>> -> memref<5x128xi32, #tpu.memory_space<hbm>>
      %dma_start3A_2619 = arith.constant 0 : i32
      %dma_start3A_2620 = arith.constant 0 : i32
      %dma_start3A_2621 = tpu.memref_slice %arg2[%add3A, %dma_start3A_2619, %dma_start3A_2620] : memref<32x5x128xi32, #tpu.memory_space<hbm>> -> memref<1x5x128xi32, #tpu.memory_space<hbm>>
      %dma_start3A_2622 = tpu.memref_squeeze %dma_start3A_2621 : memref<1x5x128xi32, #tpu.memory_space<hbm>> -> memref<5x128xi32, #tpu.memory_space<hbm>>
      tpu.enqueue_dma source(%dma_start3A_2622 : memref<5x128xi32, #tpu.memory_space<hbm>>) target(%arg9 : memref<5x128xi32, #tpu.memory_space<vmem>>) target_semaphore(%run_scoped3A : memref<!tpu.dma_semaphore, #tpu.memory_space<semaphore_mem>>)
      %dma_wait3A_2623 = arith.constant 0 : i32
      %dma_wait3A_2624 = arith.constant 0 : i32
      %dma_wait3A_2625 = tpu.memref_slice %arg2[%add3A, %dma_wait3A_2623, %dma_wait3A_2624] : memref<32x5x128xi32, #tpu.memory_space<hbm>> -> memref<1x5x128xi32, #tpu.memory_space<hbm>>
      %dma_wait3A_2626 = tpu.memref_squeeze %dma_wait3A_2625 : memref<1x5x128xi32, #tpu.memory_space<hbm>> -> memref<5x128xi32, #tpu.memory_space<hbm>>
      %dma_wait3A_2627 = arith.constant 0 : i32
      %dma_wait3A_2628 = arith.constant 0 : i32
      %dma_wait3A_2629 = tpu.memref_slice %arg2[%add3A, %dma_wait3A_2627, %dma_wait3A_2628] : memref<32x5x128xi32, #tpu.memory_space<hbm>> -> memref<1x5x128xi32, #tpu.memory_space<hbm>>
      %dma_wait3A_2630 = tpu.memref_squeeze %dma_wait3A_2629 : memref<1x5x128xi32, #tpu.memory_space<hbm>> -> memref<5x128xi32, #tpu.memory_space<hbm>>
      tpu.wait_dma2 semaphore(%run_scoped3A : memref<!tpu.dma_semaphore, #tpu.memory_space<semaphore_mem>>) src(%dma_wait3A_2630 : memref<5x128xi32, #tpu.memory_space<hbm>>) dst(%arg9 : memref<5x128xi32, #tpu.memory_space<vmem>>)
      tpu.yield
    }) : () -> ()
    %get3A = arith.constant 0 : i32
    %get3A_1 = arith.index_cast %get3A : i32 to index
    %get3A_2 = arith.constant 0 : index
    %get3A_3 = tpu.vector_load %arg9[%get3A_1, %get3A_2] {strides = array<i32>} : memref<5x128xi32, #tpu.memory_space<vmem>>, vector<1x16xi32>,
    %get3A_4 = vector.shape_cast %get3A_3 : vector<1x16xi32> to vector<16xi32>
    %max3A = arith.constant 0 : i32
    %max3A_5 = vector.broadcast %max3A : i32 to vector<16xi32>
    %max3A_6 = arith.maxsi %get3A_4, %max3A_5 : vector<16xi32>
    %swap3A = arith.constant 0 : i32
    %swap3A_7 = arith.index_cast %swap3A : i32 to index
    %swap3A_8 = arith.constant 0 : index
    %swap3A_9 = tpu.vector_load %arg10[%swap3A_7, %swap3A_8] {strides = array<i32>} : memref<5x128xi32, #tpu.memory_space<vmem>>, vector<1x16xi32>,
    %swap3A_10 = vector.shape_cast %swap3A_9 : vector<1x16xi32> to vector<16xi32>
    %swap3A_11 = vector.shape_cast %max3A_6 : vector<16xi32> to vector<1x16xi32>
    tpu.vector_store %arg10[%swap3A_7, %swap3A_8], %swap3A_11 {strides = array<i32>} : memref<5x128xi32, #tpu.memory_space<vmem>>, vector<1x16xi32>,
    %get3A_12 = arith.constant 0 : i32
    %get3A_13 = arith.index_cast %get3A_12 : i32 to index
    %get3A_14 = arith.constant 16 : index
    %get3A_15 = tpu.vector_load %arg9[%get3A_13, %get3A_14] {strides = array<i32>} : memref<5x128xi32, #tpu.memory_space<vmem>>, vector<1x16xi32>,
    %get3A_16 = vector.shape_cast %get3A_15 : vector<1x16xi32> to vector<16xi32>
    %max3A_17 = arith.constant 0 : i32
    %max3A_18 = vector.broadcast %max3A_17 : i32 to vector<16xi32>
    %max3A_19 = arith.maxsi %get3A_16, %max3A_18 : vector<16xi32>
    %swap3A_20 = arith.constant 0 : i32
    %swap3A_21 = arith.index_cast %swap3A_20 : i32 to index
    %swap3A_22 = arith.constant 16 : index
    %swap3A_23 = tpu.vector_load %arg10[%swap3A_21, %swap3A_22] {strides = array<i32>} : memref<5x128xi32, #tpu.memory_space<vmem>>, vector<1x16xi32>,
    %swap3A_24 = vector.shape_cast %swap3A_23 : vector<1x16xi32> to vector<16xi32>
    %swap3A_25 = vector.shape_cast %max3A_19 : vector<16xi32> to vector<1x16xi32>
    tpu.vector_store %arg10[%swap3A_21, %swap3A_22], %swap3A_25 {strides = array<i32>} : memref<5x128xi32, #tpu.memory_space<vmem>>, vector<1x16xi32>,
    %get3A_26 = arith.constant 0 : i32
    %get3A_27 = arith.index_cast %get3A_26 : i32 to index
    %get3A_28 = arith.constant 32 : index
    %get3A_29 = tpu.vector_load %arg9[%get3A_27, %get3A_28] {strides = array<i32>} : memref<5x128xi32, #tpu.memory_space<vmem>>, vector<1x16xi32>,
    %get3A_30 = vector.shape_cast %get3A_29 : vector<1x16xi32> to vector<16xi32>
    %max3A_31 = arith.constant 0 : i32
    %max3A_32 = vector.broadcast %max3A_31 : i32 to vector<16xi32>
    %max3A_33 = arith.maxsi %get3A_30, %max3A_32 : vector<16xi32>
    %swap3A_34 = arith.constant 0 : i32
    %swap3A_35 = arith.index_cast %swap3A_34 : i32 to index
    %swap3A_36 = arith.constant 32 : index
    %swap3A_37 = tpu.vector_load %arg10[%swap3A_35, %swap3A_36] {strides = array<i32>} : memref<5x128xi32, #tpu.memory_space<vmem>>, vector<1x16xi32>,
    %swap3A_38 = vector.shape_cast %swap3A_37 : vector<1x16xi32> to vector<16xi32>
    %swap3A_39 = vector.shape_cast %max3A_33 : vector<16xi32> to vector<1x16xi32>
    tpu.vector_store %arg10[%swap3A_35, %swap3A_36], %swap3A_39 {strides = array<i32>} : memref<5x128xi32, #tpu.memory_space<vmem>>, vector<1x16xi32>,
    %get3A_40 = arith.constant 0 : i32
    %get3A_41 = arith.index_cast %get3A_40 : i32 to index
    %get3A_42 = arith.constant 48 : index
    %get3A_43 = tpu.vector_load %arg9[%get3A_41, %get3A_42] {strides = array<i32>} : memref<5x128xi32, #tpu.memory_space<vmem>>, vector<1x16xi32>,
    %get3A_44 = vector.shape_cast %get3A_43 : vector<1x16xi32> to vector<16xi32>
    %max3A_45 = arith.constant 0 : i32
    %max3A_46 = vector.broadcast %max3A_45 : i32 to vector<16xi32>
    %max3A_47 = arith.maxsi %get3A_44, %max3A_46 : vector<16xi32>
    %swap3A_48 = arith.constant 0 : i32
    %swap3A_49 = arith.index_cast %swap3A_48 : i32 to index
    %swap3A_50 = arith.constant 48 : index
    %swap3A_51 = tpu.vector_load %arg10[%swap3A_49, %swap3A_50] {strides = array<i32>} : memref<5x128xi32, #tpu.memory_space<vmem>>, vector<1x16xi32>,
    %swap3A_52 = vector.shape_cast %swap3A_51 : vector<1x16xi32> to vector<16xi32>
    %swap3A_53 = vector.shape_cast %max3A_47 : vector<16xi32> to vector<1x16xi32>
    tpu.vector_store %arg10[%swap3A_49, %swap3A_50], %swap3A_53 {strides = array<i32>} : memref<5x128xi32, #tpu.memory_space<vmem>>, vector<1x16xi32>,
    %get3A_54 = arith.constant 0 : i32
    %get3A_55 = arith.index_cast %get3A_54 : i32 to index
    %get3A_56 = arith.constant 64 : index
    %get3A_57 = tpu.vector_load %arg9[%get3A_55, %get3A_56] {strides = array<i32>} : memref<5x128xi32, #tpu.memory_space<vmem>>, vector<1x16xi32>,
    %get3A_58 = vector.shape_cast %get3A_57 : vector<1x16xi32> to vector<16xi32>
    %max3A_59 = arith.constant 0 : i32
    %max3A_60 = vector.broadcast %max3A_59 : i32 to vector<16xi32>
    %max3A_61 = arith.maxsi %get3A_58, %max3A_60 : vector<16xi32>
    %swap3A_62 = arith.constant 0 : i32
    %swap3A_63 = arith.index_cast %swap3A_62 : i32 to index
    %swap3A_64 = arith.constant 64 : index
    %swap3A_65 = tpu.vector_load %arg10[%swap3A_63, %swap3A_64] {strides = array<i32>} : memref<5x128xi32, #tpu.memory_space<vmem>>, vector<1x16xi32>,
    %swap3A_66 = vector.shape_cast %swap3A_65 : vector<1x16xi32> to vector<16xi32>
    %swap3A_67 = vector.shape_cast %max3A_61 : vector<16xi32> to vector<1x16xi32>
    tpu.vector_store %arg10[%swap3A_63, %swap3A_64], %swap3A_67 {strides = array<i32>} : memref<5x128xi32, #tpu.memory_space<vmem>>, vector<1x16xi32>,
    %get3A_68 = arith.constant 0 : i32
    %get3A_69 = arith.index_cast %get3A_68 : i32 to index
    %get3A_70 = arith.constant 80 : index
    %get3A_71 = tpu.vector_load %arg9[%get3A_69, %get3A_70] {strides = array<i32>} : memref<5x128xi32, #tpu.memory_space<vmem>>, vector<1x16xi32>,
    %get3A_72 = vector.shape_cast %get3A_71 : vector<1x16xi32> to vector<16xi32>
    %max3A_73 = arith.constant 0 : i32
    %max3A_74 = vector.broadcast %max3A_73 : i32 to vector<16xi32>
    %max3A_75 = arith.maxsi %get3A_72, %max3A_74 : vector<16xi32>
    %swap3A_76 = arith.constant 0 : i32
    %swap3A_77 = arith.index_cast %swap3A_76 : i32 to index
    %swap3A_78 = arith.constant 80 : index
    %swap3A_79 = tpu.vector_load %arg10[%swap3A_77, %swap3A_78] {strides = array<i32>} : memref<5x128xi32, #tpu.memory_space<vmem>>, vector<1x16xi32>,
    %swap3A_80 = vector.shape_cast %swap3A_79 : vector<1x16xi32> to vector<16xi32>
    %swap3A_81 = vector.shape_cast %max3A_75 : vector<16xi32> to vector<1x16xi32>
    tpu.vector_store %arg10[%swap3A_77, %swap3A_78], %swap3A_81 {strides = array<i32>} : memref<5x128xi32, #tpu.memory_space<vmem>>, vector<1x16xi32>,
    %get3A_82 = arith.constant 0 : i32
    %get3A_83 = arith.index_cast %get3A_82 : i32 to index
    %get3A_84 = arith.constant 96 : index
    %get3A_85 = tpu.vector_load %arg9[%get3A_83, %get3A_84] {strides = array<i32>} : memref<5x128xi32, #tpu.memory_space<vmem>>, vector<1x16xi32>,
    %get3A_86 = vector.shape_cast %get3A_85 : vector<1x16xi32> to vector<16xi32>
    %max3A_87 = arith.constant 0 : i32
    %max3A_88 = vector.broadcast %max3A_87 : i32 to vector<16xi32>
    %max3A_89 = arith.maxsi %get3A_86, %max3A_88 : vector<16xi32>
    %swap3A_90 = arith.constant 0 : i32
    %swap3A_91 = arith.index_cast %swap3A_90 : i32 to index
    %swap3A_92 = arith.constant 96 : index
    %swap3A_93 = tpu.vector_load %arg10[%swap3A_91, %swap3A_92] {strides = array<i32>} : memref<5x128xi32, #tpu.memory_space<vmem>>, vector<1x16xi32>,
    %swap3A_94 = vector.shape_cast %swap3A_93 : vector<1x16xi32> to vector<16xi32>
    %swap3A_95 = vector.shape_cast %max3A_89 : vector<16xi32> to vector<1x16xi32>
    tpu.vector_store %arg10[%swap3A_91, %swap3A_92], %swap3A_95 {strides = array<i32>} : memref<5x128xi32, #tpu.memory_space<vmem>>, vector<1x16xi32>,
    %get3A_96 = arith.constant 0 : i32
    %get3A_97 = arith.index_cast %get3A_96 : i32 to index
    %get3A_98 = arith.constant 112 : index
    %get3A_99 = tpu.vector_load %arg9[%get3A_97, %get3A_98] {strides = array<i32>} : memref<5x128xi32, #tpu.memory_space<vmem>>, vector<1x16xi32>,
    %get3A_100 = vector.shape_cast %get3A_99 : vector<1x16xi32> to vector<16xi32>
    %max3A_101 = arith.constant 0 : i32
    %max3A_102 = vector.broadcast %max3A_101 : i32 to vector<16xi32>
    %max3A_103 = arith.maxsi %get3A_100, %max3A_102 : vector<16xi32>
    %swap3A_104 = arith.constant 0 : i32
    %swap3A_105 = arith.index_cast %swap3A_104 : i32 to index
    %swap3A_106 = arith.constant 112 : index
    %swap3A_107 = tpu.vector_load %arg10[%swap3A_105, %swap3A_106] {strides = array<i32>} : memref<5x128xi32, #tpu.memory_space<vmem>>, vector<1x16xi32>,
    %swap3A_108 = vector.shape_cast %swap3A_107 : vector<1x16xi32> to vector<16xi32>
    %swap3A_109 = vector.shape_cast %max3A_103 : vector<16xi32> to vector<1x16xi32>
    tpu.vector_store %arg10[%swap3A_105, %swap3A_106], %swap3A_109 {strides = array<i32>} : memref<5x128xi32, #tpu.memory_space<vmem>>, vector<1x16xi32>,
    %get3A_110 = arith.constant 1 : i32
    %get3A_111 = arith.index_cast %get3A_110 : i32 to index
    %get3A_112 = arith.constant 0 : index
    %get3A_113 = tpu.vector_load %arg9[%get3A_111, %get3A_112] {strides = array<i32>} : memref<5x128xi32, #tpu.memory_space<vmem>>, vector<1x16xi32>,
    %get3A_114 = vector.shape_cast %get3A_113 : vector<1x16xi32> to vector<16xi32>
    %max3A_115 = arith.constant 0 : i32
    %max3A_116 = vector.broadcast %max3A_115 : i32 to vector<16xi32>
    %max3A_117 = arith.maxsi %get3A_114, %max3A_116 : vector<16xi32>
    %swap3A_118 = arith.constant 1 : i32
    %swap3A_119 = arith.index_cast %swap3A_118 : i32 to index
    %swap3A_120 = arith.constant 0 : index
    %swap3A_121 = tpu.vector_load %arg10[%swap3A_119, %swap3A_120] {strides = array<i32>} : memref<5x128xi32, #tpu.memory_space<vmem>>, vector<1x16xi32>,
    %swap3A_122 = vector.shape_cast %swap3A_121 : vector<1x16xi32> to vector<16xi32>
    %swap3A_123 = vector.shape_cast %max3A_117 : vector<16xi32> to vector<1x16xi32>
    tpu.vector_store %arg10[%swap3A_119, %swap3A_120], %swap3A_123 {strides = array<i32>} : memref<5x128xi32, #tpu.memory_space<vmem>>, vector<1x16xi32>,
    %get3A_124 = arith.constant 1 : i32
    %get3A_125 = arith.index_cast %get3A_124 : i32 to index
    %get3A_126 = arith.constant 16 : index
    %get3A_127 = tpu.vector_load %arg9[%get3A_125, %get3A_126] {strides = array<i32>} : memref<5x128xi32, #tpu.memory_space<vmem>>, vector<1x16xi32>,
    %get3A_128 = vector.shape_cast %get3A_127 : vector<1x16xi32> to vector<16xi32>
    %max3A_129 = arith.constant 0 : i32
    %max3A_130 = vector.broadcast %max3A_129 : i32 to vector<16xi32>
    %max3A_131 = arith.maxsi %get3A_128, %max3A_130 : vector<16xi32>
    %swap3A_132 = arith.constant 1 : i32
    %swap3A_133 = arith.index_cast %swap3A_132 : i32 to index
    %swap3A_134 = arith.constant 16 : index
    %swap3A_135 = tpu.vector_load %arg10[%swap3A_133, %swap3A_134] {strides = array<i32>} : memref<5x128xi32, #tpu.memory_space<vmem>>, vector<1x16xi32>,
    %swap3A_136 = vector.shape_cast %swap3A_135 : vector<1x16xi32> to vector<16xi32>
    %swap3A_137 = vector.shape_cast %max3A_131 : vector<16xi32> to vector<1x16xi32>
    tpu.vector_store %arg10[%swap3A_133, %swap3A_134], %swap3A_137 {strides = array<i32>} : memref<5x128xi32, #tpu.memory_space<vmem>>, vector<1x16xi32>,
    %get3A_138 = arith.constant 1 : i32
    %get3A_139 = arith.index_cast %get3A_138 : i32 to index
    %get3A_140 = arith.constant 32 : index
    %get3A_141 = tpu.vector_load %arg9[%get3A_139, %get3A_140] {strides = array<i32>} : memref<5x128xi32, #tpu.memory_space<vmem>>, vector<1x16xi32>,
    %get3A_142 = vector.shape_cast %get3A_141 : vector<1x16xi32> to vector<16xi32>
    %max3A_143 = arith.constant 0 : i32
    %max3A_144 = vector.broadcast %max3A_143 : i32 to vector<16xi32>
    %max3A_145 = arith.maxsi %get3A_142, %max3A_144 : vector<16xi32>
    %swap3A_146 = arith.constant 1 : i32
    %swap3A_147 = arith.index_cast %swap3A_146 : i32 to index
    %swap3A_148 = arith.constant 32 : index
    %swap3A_149 = tpu.vector_load %arg10[%swap3A_147, %swap3A_148] {strides = array<i32>} : memref<5x128xi32, #tpu.memory_space<vmem>>, vector<1x16xi32>,
    %swap3A_150 = vector.shape_cast %swap3A_149 : vector<1x16xi32> to vector<16xi32>
    %swap3A_151 = vector.shape_cast %max3A_145 : vector<16xi32> to vector<1x16xi32>
    tpu.vector_store %arg10[%swap3A_147, %swap3A_148], %swap3A_151 {strides = array<i32>} : memref<5x128xi32, #tpu.memory_space<vmem>>, vector<1x16xi32>,
    %get3A_152 = arith.constant 1 : i32
    %get3A_153 = arith.index_cast %get3A_152 : i32 to index
    %get3A_154 = arith.constant 48 : index
    %get3A_155 = tpu.vector_load %arg9[%get3A_153, %get3A_154] {strides = array<i32>} : memref<5x128xi32, #tpu.memory_space<vmem>>, vector<1x16xi32>,
    %get3A_156 = vector.shape_cast %get3A_155 : vector<1x16xi32> to vector<16xi32>
    %max3A_157 = arith.constant 0 : i32
    %max3A_158 = vector.broadcast %max3A_157 : i32 to vector<16xi32>
    %max3A_159 = arith.maxsi %get3A_156, %max3A_158 : vector<16xi32>
    %swap3A_160 = arith.constant 1 : i32
    %swap3A_161 = arith.index_cast %swap3A_160 : i32 to index
    %swap3A_162 = arith.constant 48 : index
    %swap3A_163 = tpu.vector_load %arg10[%swap3A_161, %swap3A_162] {strides = array<i32>} : memref<5x128xi32, #tpu.memory_space<vmem>>, vector<1x16xi32>,
    %swap3A_164 = vector.shape_cast %swap3A_163 : vector<1x16xi32> to vector<16xi32>
    %swap3A_165 = vector.shape_cast %max3A_159 : vector<16xi32> to vector<1x16xi32>
    tpu.vector_store %arg10[%swap3A_161, %swap3A_162], %swap3A_165 {strides = array<i32>} : memref<5x128xi32, #tpu.memory_space<vmem>>, vector<1x16xi32>,
    %get3A_166 = arith.constant 1 : i32
    %get3A_167 = arith.index_cast %get3A_166 : i32 to index
    %get3A_168 = arith.constant 64 : index
    %get3A_169 = tpu.vector_load %arg9[%get3A_167, %get3A_168] {strides = array<i32>} : memref<5x128xi32, #tpu.memory_space<vmem>>, vector<1x16xi32>,
    %get3A_170 = vector.shape_cast %get3A_169 : vector<1x16xi32> to vector<16xi32>
    %max3A_171 = arith.constant 0 : i32
    %max3A_172 = vector.broadcast %max3A_171 : i32 to vector<16xi32>
    %max3A_173 = arith.maxsi %get3A_170, %max3A_172 : vector<16xi32>
    %swap3A_174 = arith.constant 1 : i32
    %swap3A_175 = arith.index_cast %swap3A_174 : i32 to index
    %swap3A_176 = arith.constant 64 : index
    %swap3A_177 = tpu.vector_load %arg10[%swap3A_175, %swap3A_176] {strides = array<i32>} : memref<5x128xi32, #tpu.memory_space<vmem>>, vector<1x16xi32>,
    %swap3A_178 = vector.shape_cast %swap3A_177 : vector<1x16xi32> to vector<16xi32>
    %swap3A_179 = vector.shape_cast %max3A_173 : vector<16xi32> to vector<1x16xi32>
    tpu.vector_store %arg10[%swap3A_175, %swap3A_176], %swap3A_179 {strides = array<i32>} : memref<5x128xi32, #tpu.memory_space<vmem>>, vector<1x16xi32>,
    %get3A_180 = arith.constant 1 : i32
    %get3A_181 = arith.index_cast %get3A_180 : i32 to index
    %get3A_182 = arith.constant 80 : index
    %get3A_183 = tpu.vector_load %arg9[%get3A_181, %get3A_182] {strides = array<i32>} : memref<5x128xi32, #tpu.memory_space<vmem>>, vector<1x16xi32>,
    %get3A_184 = vector.shape_cast %get3A_183 : vector<1x16xi32> to vector<16xi32>
    %max3A_185 = arith.constant 0 : i32
    %max3A_186 = vector.broadcast %max3A_185 : i32 to vector<16xi32>
    %max3A_187 = arith.maxsi %get3A_184, %max3A_186 : vector<16xi32>
    %swap3A_188 = arith.constant 1 : i32
    %swap3A_189 = arith.index_cast %swap3A_188 : i32 to index
    %swap3A_190 = arith.constant 80 : index
    %swap3A_191 = tpu.vector_load %arg10[%swap3A_189, %swap3A_190] {strides = array<i32>} : memref<5x128xi32, #tpu.memory_space<vmem>>, vector<1x16xi32>,
    %swap3A_192 = vector.shape_cast %swap3A_191 : vector<1x16xi32> to vector<16xi32>
    %swap3A_193 = vector.shape_cast %max3A_187 : vector<16xi32> to vector<1x16xi32>
    tpu.vector_store %arg10[%swap3A_189, %swap3A_190], %swap3A_193 {strides = array<i32>} : memref<5x128xi32, #tpu.memory_space<vmem>>, vector<1x16xi32>,
    %get3A_194 = arith.constant 1 : i32
    %get3A_195 = arith.index_cast %get3A_194 : i32 to index
    %get3A_196 = arith.constant 96 : index
    %get3A_197 = tpu.vector_load %arg9[%get3A_195, %get3A_196] {strides = array<i32>} : memref<5x128xi32, #tpu.memory_space<vmem>>, vector<1x16xi32>,
    %get3A_198 = vector.shape_cast %get3A_197 : vector<1x16xi32> to vector<16xi32>
    %max3A_199 = arith.constant 0 : i32
    %max3A_200 = vector.broadcast %max3A_199 : i32 to vector<16xi32>
    %max3A_201 = arith.maxsi %get3A_198, %max3A_200 : vector<16xi32>
    %swap3A_202 = arith.constant 1 : i32
    %swap3A_203 = arith.index_cast %swap3A_202 : i32 to index
    %swap3A_204 = arith.constant 96 : index
    %swap3A_205 = tpu.vector_load %arg10[%swap3A_203, %swap3A_204] {strides = array<i32>} : memref<5x128xi32, #tpu.memory_space<vmem>>, vector<1x16xi32>,
    %swap3A_206 = vector.shape_cast %swap3A_205 : vector<1x16xi32> to vector<16xi32>
    %swap3A_207 = vector.shape_cast %max3A_201 : vector<16xi32> to vector<1x16xi32>
    tpu.vector_store %arg10[%swap3A_203, %swap3A_204], %swap3A_207 {strides = array<i32>} : memref<5x128xi32, #tpu.memory_space<vmem>>, vector<1x16xi32>,
    %get3A_208 = arith.constant 1 : i32
    %get3A_209 = arith.index_cast %get3A_208 : i32 to index
    %get3A_210 = arith.constant 112 : index
    %get3A_211 = tpu.vector_load %arg9[%get3A_209, %get3A_210] {strides = array<i32>} : memref<5x128xi32, #tpu.memory_space<vmem>>, vector<1x16xi32>,
    %get3A_212 = vector.shape_cast %get3A_211 : vector<1x16xi32> to vector<16xi32>
    %max3A_213 = arith.constant 0 : i32
    %max3A_214 = vector.broadcast %max3A_213 : i32 to vector<16xi32>
    %max3A_215 = arith.maxsi %get3A_212, %max3A_214 : vector<16xi32>
    %swap3A_216 = arith.constant 1 : i32
    %swap3A_217 = arith.index_cast %swap3A_216 : i32 to index
    %swap3A_218 = arith.constant 112 : index
    %swap3A_219 = tpu.vector_load %arg10[%swap3A_217, %swap3A_218] {strides = array<i32>} : memref<5x128xi32, #tpu.memory_space<vmem>>, vector<1x16xi32>,
    %swap3A_220 = vector.shape_cast %swap3A_219 : vector<1x16xi32> to vector<16xi32>
    %swap3A_221 = vector.shape_cast %max3A_215 : vector<16xi32> to vector<1x16xi32>
    tpu.vector_store %arg10[%swap3A_217, %swap3A_218], %swap3A_221 {strides = array<i32>} : memref<5x128xi32, #tpu.memory_space<vmem>>, vector<1x16xi32>,
    %get3A_222 = arith.constant 2 : i32
    %get3A_223 = arith.index_cast %get3A_222 : i32 to index
    %get3A_224 = arith.constant 0 : index
    %get3A_225 = tpu.vector_load %arg9[%get3A_223, %get3A_224] {strides = array<i32>} : memref<5x128xi32, #tpu.memory_space<vmem>>, vector<1x16xi32>,
    %get3A_226 = vector.shape_cast %get3A_225 : vector<1x16xi32> to vector<16xi32>
    %max3A_227 = arith.constant 0 : i32
    %max3A_228 = vector.broadcast %max3A_227 : i32 to vector<16xi32>
    %max3A_229 = arith.maxsi %get3A_226, %max3A_228 : vector<16xi32>
    %swap3A_230 = arith.constant 2 : i32
    %swap3A_231 = arith.index_cast %swap3A_230 : i32 to index
    %swap3A_232 = arith.constant 0 : index
    %swap3A_233 = tpu.vector_load %arg10[%swap3A_231, %swap3A_232] {strides = array<i32>} : memref<5x128xi32, #tpu.memory_space<vmem>>, vector<1x16xi32>,
    %swap3A_234 = vector.shape_cast %swap3A_233 : vector<1x16xi32> to vector<16xi32>
    %swap3A_235 = vector.shape_cast %max3A_229 : vector<16xi32> to vector<1x16xi32>
    tpu.vector_store %arg10[%swap3A_231, %swap3A_232], %swap3A_235 {strides = array<i32>} : memref<5x128xi32, #tpu.memory_space<vmem>>, vector<1x16xi32>,
    %get3A_236 = arith.constant 2 : i32
    %get3A_237 = arith.index_cast %get3A_236 : i32 to index
    %get3A_238 = arith.constant 16 : index
    %get3A_239 = tpu.vector_load %arg9[%get3A_237, %get3A_238] {strides = array<i32>} : memref<5x128xi32, #tpu.memory_space<vmem>>, vector<1x16xi32>,
    %get3A_240 = vector.shape_cast %get3A_239 : vector<1x16xi32> to vector<16xi32>
    %max3A_241 = arith.constant 0 : i32
    %max3A_242 = vector.broadcast %max3A_241 : i32 to vector<16xi32>
    %max3A_243 = arith.maxsi %get3A_240, %max3A_242 : vector<16xi32>
    %swap3A_244 = arith.constant 2 : i32
    %swap3A_245 = arith.index_cast %swap3A_244 : i32 to index
    %swap3A_246 = arith.constant 16 : index
    %swap3A_247 = tpu.vector_load %arg10[%swap3A_245, %swap3A_246] {strides = array<i32>} : memref<5x128xi32, #tpu.memory_space<vmem>>, vector<1x16xi32>,
    %swap3A_248 = vector.shape_cast %swap3A_247 : vector<1x16xi32> to vector<16xi32>
    %swap3A_249 = vector.shape_cast %max3A_243 : vector<16xi32> to vector<1x16xi32>
    tpu.vector_store %arg10[%swap3A_245, %swap3A_246], %swap3A_249 {strides = array<i32>} : memref<5x128xi32, #tpu.memory_space<vmem>>, vector<1x16xi32>,
    %get3A_250 = arith.constant 2 : i32
    %get3A_251 = arith.index_cast %get3A_250 : i32 to index
    %get3A_252 = arith.constant 32 : index
    %get3A_253 = tpu.vector_load %arg9[%get3A_251, %get3A_252] {strides = array<i32>} : memref<5x128xi32, #tpu.memory_space<vmem>>, vector<1x16xi32>,
    %get3A_254 = vector.shape_cast %get3A_253 : vector<1x16xi32> to vector<16xi32>
    %max3A_255 = arith.constant 0 : i32
    %max3A_256 = vector.broadcast %max3A_255 : i32 to vector<16xi32>
    %max3A_257 = arith.maxsi %get3A_254, %max3A_256 : vector<16xi32>
    %swap3A_258 = arith.constant 2 : i32
    %swap3A_259 = arith.index_cast %swap3A_258 : i32 to index
    %swap3A_260 = arith.constant 32 : index
    %swap3A_261 = tpu.vector_load %arg10[%swap3A_259, %swap3A_260] {strides = array<i32>} : memref<5x128xi32, #tpu.memory_space<vmem>>, vector<1x16xi32>,
    %swap3A_262 = vector.shape_cast %swap3A_261 : vector<1x16xi32> to vector<16xi32>
    %swap3A_263 = vector.shape_cast %max3A_257 : vector<16xi32> to vector<1x16xi32>
    tpu.vector_store %arg10[%swap3A_259, %swap3A_260], %swap3A_263 {strides = array<i32>} : memref<5x128xi32, #tpu.memory_space<vmem>>, vector<1x16xi32>,
    %get3A_264 = arith.constant 2 : i32
    %get3A_265 = arith.index_cast %get3A_264 : i32 to index
    %get3A_266 = arith.constant 48 : index
    %get3A_267 = tpu.vector_load %arg9[%get3A_265, %get3A_266] {strides = array<i32>} : memref<5x128xi32, #tpu.memory_space<vmem>>, vector<1x16xi32>,
    %get3A_268 = vector.shape_cast %get3A_267 : vector<1x16xi32> to vector<16xi32>
    %max3A_269 = arith.constant 0 : i32
    %max3A_270 = vector.broadcast %max3A_269 : i32 to vector<16xi32>
    %max3A_271 = arith.maxsi %get3A_268, %max3A_270 : vector<16xi32>
    %swap3A_272 = arith.constant 2 : i32
    %swap3A_273 = arith.index_cast %swap3A_272 : i32 to index
    %swap3A_274 = arith.constant 48 : index
    %swap3A_275 = tpu.vector_load %arg10[%swap3A_273, %swap3A_274] {strides = array<i32>} : memref<5x128xi32, #tpu.memory_space<vmem>>, vector<1x16xi32>,
    %swap3A_276 = vector.shape_cast %swap3A_275 : vector<1x16xi32> to vector<16xi32>
    %swap3A_277 = vector.shape_cast %max3A_271 : vector<16xi32> to vector<1x16xi32>
    tpu.vector_store %arg10[%swap3A_273, %swap3A_274], %swap3A_277 {strides = array<i32>} : memref<5x128xi32, #tpu.memory_space<vmem>>, vector<1x16xi32>,
    %get3A_278 = arith.constant 2 : i32
    %get3A_279 = arith.index_cast %get3A_278 : i32 to index
    %get3A_280 = arith.constant 64 : index
    %get3A_281 = tpu.vector_load %arg9[%get3A_279, %get3A_280] {strides = array<i32>} : memref<5x128xi32, #tpu.memory_space<vmem>>, vector<1x16xi32>,
    %get3A_282 = vector.shape_cast %get3A_281 : vector<1x16xi32> to vector<16xi32>
    %max3A_283 = arith.constant 0 : i32
    %max3A_284 = vector.broadcast %max3A_283 : i32 to vector<16xi32>
    %max3A_285 = arith.maxsi %get3A_282, %max3A_284 : vector<16xi32>
    %swap3A_286 = arith.constant 2 : i32
    %swap3A_287 = arith.index_cast %swap3A_286 : i32 to index
    %swap3A_288 = arith.constant 64 : index
    %swap3A_289 = tpu.vector_load %arg10[%swap3A_287, %swap3A_288] {strides = array<i32>} : memref<5x128xi32, #tpu.memory_space<vmem>>, vector<1x16xi32>,
    %swap3A_290 = vector.shape_cast %swap3A_289 : vector<1x16xi32> to vector<16xi32>
    %swap3A_291 = vector.shape_cast %max3A_285 : vector<16xi32> to vector<1x16xi32>
    tpu.vector_store %arg10[%swap3A_287, %swap3A_288], %swap3A_291 {strides = array<i32>} : memref<5x128xi32, #tpu.memory_space<vmem>>, vector<1x16xi32>,
    %get3A_292 = arith.constant 2 : i32
    %get3A_293 = arith.index_cast %get3A_292 : i32 to index
    %get3A_294 = arith.constant 80 : index
    %get3A_295 = tpu.vector_load %arg9[%get3A_293, %get3A_294] {strides = array<i32>} : memref<5x128xi32, #tpu.memory_space<vmem>>, vector<1x16xi32>,
    %get3A_296 = vector.shape_cast %get3A_295 : vector<1x16xi32> to vector<16xi32>
    %max3A_297 = arith.constant 0 : i32
    %max3A_298 = vector.broadcast %max3A_297 : i32 to vector<16xi32>
    %max3A_299 = arith.maxsi %get3A_296, %max3A_298 : vector<16xi32>
    %swap3A_300 = arith.constant 2 : i32
    %swap3A_301 = arith.index_cast %swap3A_300 : i32 to index
    %swap3A_302 = arith.constant 80 : index
    %swap3A_303 = tpu.vector_load %arg10[%swap3A_301, %swap3A_302] {strides = array<i32>} : memref<5x128xi32, #tpu.memory_space<vmem>>, vector<1x16xi32>,
    %swap3A_304 = vector.shape_cast %swap3A_303 : vector<1x16xi32> to vector<16xi32>
    %swap3A_305 = vector.shape_cast %max3A_299 : vector<16xi32> to vector<1x16xi32>
    tpu.vector_store %arg10[%swap3A_301, %swap3A_302], %swap3A_305 {strides = array<i32>} : memref<5x128xi32, #tpu.memory_space<vmem>>, vector<1x16xi32>,
    %get3A_306 = arith.constant 2 : i32
    %get3A_307 = arith.index_cast %get3A_306 : i32 to index
    %get3A_308 = arith.constant 96 : index
    %get3A_309 = tpu.vector_load %arg9[%get3A_307, %get3A_308] {strides = array<i32>} : memref<5x128xi32, #tpu.memory_space<vmem>>, vector<1x16xi32>,
    %get3A_310 = vector.shape_cast %get3A_309 : vector<1x16xi32> to vector<16xi32>
    %max3A_311 = arith.constant 0 : i32
    %max3A_312 = vector.broadcast %max3A_311 : i32 to vector<16xi32>
    %max3A_313 = arith.maxsi %get3A_310, %max3A_312 : vector<16xi32>
    %swap3A_314 = arith.constant 2 : i32
    %swap3A_315 = arith.index_cast %swap3A_314 : i32 to index
    %swap3A_316 = arith.constant 96 : index
    %swap3A_317 = tpu.vector_load %arg10[%swap3A_315, %swap3A_316] {strides = array<i32>} : memref<5x128xi32, #tpu.memory_space<vmem>>, vector<1x16xi32>,
    %swap3A_318 = vector.shape_cast %swap3A_317 : vector<1x16xi32> to vector<16xi32>
    %swap3A_319 = vector.shape_cast %max3A_313 : vector<16xi32> to vector<1x16xi32>
    tpu.vector_store %arg10[%swap3A_315, %swap3A_316], %swap3A_319 {strides = array<i32>} : memref<5x128xi32, #tpu.memory_space<vmem>>, vector<1x16xi32>,
    %get3A_320 = arith.constant 2 : i32
    %get3A_321 = arith.index_cast %get3A_320 : i32 to index
    %get3A_322 = arith.constant 112 : index
    %get3A_323 = tpu.vector_load %arg9[%get3A_321, %get3A_322] {strides = array<i32>} : memref<5x128xi32, #tpu.memory_space<vmem>>, vector<1x16xi32>,
    %get3A_324 = vector.shape_cast %get3A_323 : vector<1x16xi32> to vector<16xi32>
    %max3A_325 = arith.constant 0 : i32
    %max3A_326 = vector.broadcast %max3A_325 : i32 to vector<16xi32>
    %max3A_327 = arith.maxsi %get3A_324, %max3A_326 : vector<16xi32>
    %swap3A_328 = arith.constant 2 : i32
    %swap3A_329 = arith.index_cast %swap3A_328 : i32 to index
    %swap3A_330 = arith.constant 112 : index
    %swap3A_331 = tpu.vector_load %arg10[%swap3A_329, %swap3A_330] {strides = array<i32>} : memref<5x128xi32, #tpu.memory_space<vmem>>, vector<1x16xi32>,
    %swap3A_332 = vector.shape_cast %swap3A_331 : vector<1x16xi32> to vector<16xi32>
    %swap3A_333 = vector.shape_cast %max3A_327 : vector<16xi32> to vector<1x16xi32>
    tpu.vector_store %arg10[%swap3A_329, %swap3A_330], %swap3A_333 {strides = array<i32>} : memref<5x128xi32, #tpu.memory_space<vmem>>, vector<1x16xi32>,
    %get3A_334 = arith.constant 3 : i32
    %get3A_335 = arith.index_cast %get3A_334 : i32 to index
    %get3A_336 = arith.constant 0 : index
    %get3A_337 = tpu.vector_load %arg9[%get3A_335, %get3A_336] {strides = array<i32>} : memref<5x128xi32, #tpu.memory_space<vmem>>, vector<1x16xi32>,
    %get3A_338 = vector.shape_cast %get3A_337 : vector<1x16xi32> to vector<16xi32>
    %max3A_339 = arith.constant 0 : i32
    %max3A_340 = vector.broadcast %max3A_339 : i32 to vector<16xi32>
    %max3A_341 = arith.maxsi %get3A_338, %max3A_340 : vector<16xi32>
    %swap3A_342 = arith.constant 3 : i32
    %swap3A_343 = arith.index_cast %swap3A_342 : i32 to index
    %swap3A_344 = arith.constant 0 : index
    %swap3A_345 = tpu.vector_load %arg10[%swap3A_343, %swap3A_344] {strides = array<i32>} : memref<5x128xi32, #tpu.memory_space<vmem>>, vector<1x16xi32>,
    %swap3A_346 = vector.shape_cast %swap3A_345 : vector<1x16xi32> to vector<16xi32>
    %swap3A_347 = vector.shape_cast %max3A_341 : vector<16xi32> to vector<1x16xi32>
    tpu.vector_store %arg10[%swap3A_343, %swap3A_344], %swap3A_347 {strides = array<i32>} : memref<5x128xi32, #tpu.memory_space<vmem>>, vector<1x16xi32>,
    %get3A_348 = arith.constant 3 : i32
    %get3A_349 = arith.index_cast %get3A_348 : i32 to index
    %get3A_350 = arith.constant 16 : index
    %get3A_351 = tpu.vector_load %arg9[%get3A_349, %get3A_350] {strides = array<i32>} : memref<5x128xi32, #tpu.memory_space<vmem>>, vector<1x16xi32>,
    %get3A_352 = vector.shape_cast %get3A_351 : vector<1x16xi32> to vector<16xi32>
    %max3A_353 = arith.constant 0 : i32
    %max3A_354 = vector.broadcast %max3A_353 : i32 to vector<16xi32>
    %max3A_355 = arith.maxsi %get3A_352, %max3A_354 : vector<16xi32>
    %swap3A_356 = arith.constant 3 : i32
    %swap3A_357 = arith.index_cast %swap3A_356 : i32 to index
    %swap3A_358 = arith.constant 16 : index
    %swap3A_359 = tpu.vector_load %arg10[%swap3A_357, %swap3A_358] {strides = array<i32>} : memref<5x128xi32, #tpu.memory_space<vmem>>, vector<1x16xi32>,
    %swap3A_360 = vector.shape_cast %swap3A_359 : vector<1x16xi32> to vector<16xi32>
    %swap3A_361 = vector.shape_cast %max3A_355 : vector<16xi32> to vector<1x16xi32>
    tpu.vector_store %arg10[%swap3A_357, %swap3A_358], %swap3A_361 {strides = array<i32>} : memref<5x128xi32, #tpu.memory_space<vmem>>, vector<1x16xi32>,
    %get3A_362 = arith.constant 3 : i32
    %get3A_363 = arith.index_cast %get3A_362 : i32 to index
    %get3A_364 = arith.constant 32 : index
    %get3A_365 = tpu.vector_load %arg9[%get3A_363, %get3A_364] {strides = array<i32>} : memref<5x128xi32, #tpu.memory_space<vmem>>, vector<1x16xi32>,
    %get3A_366 = vector.shape_cast %get3A_365 : vector<1x16xi32> to vector<16xi32>
    %max3A_367 = arith.constant 0 : i32
    %max3A_368 = vector.broadcast %max3A_367 : i32 to vector<16xi32>
    %max3A_369 = arith.maxsi %get3A_366, %max3A_368 : vector<16xi32>
    %swap3A_370 = arith.constant 3 : i32
    %swap3A_371 = arith.index_cast %swap3A_370 : i32 to index
    %swap3A_372 = arith.constant 32 : index
    %swap3A_373 = tpu.vector_load %arg10[%swap3A_371, %swap3A_372] {strides = array<i32>} : memref<5x128xi32, #tpu.memory_space<vmem>>, vector<1x16xi32>,
    %swap3A_374 = vector.shape_cast %swap3A_373 : vector<1x16xi32> to vector<16xi32>
    %swap3A_375 = vector.shape_cast %max3A_369 : vector<16xi32> to vector<1x16xi32>
    tpu.vector_store %arg10[%swap3A_371, %swap3A_372], %swap3A_375 {strides = array<i32>} : memref<5x128xi32, #tpu.memory_space<vmem>>, vector<1x16xi32>,
    %get3A_376 = arith.constant 3 : i32
    %get3A_377 = arith.index_cast %get3A_376 : i32 to index
    %get3A_378 = arith.constant 48 : index
    %get3A_379 = tpu.vector_load %arg9[%get3A_377, %get3A_378] {strides = array<i32>} : memref<5x128xi32, #tpu.memory_space<vmem>>, vector<1x16xi32>,
    %get3A_380 = vector.shape_cast %get3A_379 : vector<1x16xi32> to vector<16xi32>
    %max3A_381 = arith.constant 0 : i32
    %max3A_382 = vector.broadcast %max3A_381 : i32 to vector<16xi32>
    %max3A_383 = arith.maxsi %get3A_380, %max3A_382 : vector<16xi32>
    %swap3A_384 = arith.constant 3 : i32
    %swap3A_385 = arith.index_cast %swap3A_384 : i32 to index
    %swap3A_386 = arith.constant 48 : index
    %swap3A_387 = tpu.vector_load %arg10[%swap3A_385, %swap3A_386] {strides = array<i32>} : memref<5x128xi32, #tpu.memory_space<vmem>>, vector<1x16xi32>,
    %swap3A_388 = vector.shape_cast %swap3A_387 : vector<1x16xi32> to vector<16xi32>
    %swap3A_389 = vector.shape_cast %max3A_383 : vector<16xi32> to vector<1x16xi32>
    tpu.vector_store %arg10[%swap3A_385, %swap3A_386], %swap3A_389 {strides = array<i32>} : memref<5x128xi32, #tpu.memory_space<vmem>>, vector<1x16xi32>,
    %get3A_390 = arith.constant 3 : i32
    %get3A_391 = arith.index_cast %get3A_390 : i32 to index
    %get3A_392 = arith.constant 64 : index
    %get3A_393 = tpu.vector_load %arg9[%get3A_391, %get3A_392] {strides = array<i32>} : memref<5x128xi32, #tpu.memory_space<vmem>>, vector<1x16xi32>,
    %get3A_394 = vector.shape_cast %get3A_393 : vector<1x16xi32> to vector<16xi32>
    %max3A_395 = arith.constant 0 : i32
    %max3A_396 = vector.broadcast %max3A_395 : i32 to vector<16xi32>
    %max3A_397 = arith.maxsi %get3A_394, %max3A_396 : vector<16xi32>
    %swap3A_398 = arith.constant 3 : i32
    %swap3A_399 = arith.index_cast %swap3A_398 : i32 to index
    %swap3A_400 = arith.constant 64 : index
    %swap3A_401 = tpu.vector_load %arg10[%swap3A_399, %swap3A_400] {strides = array<i32>} : memref<5x128xi32, #tpu.memory_space<vmem>>, vector<1x16xi32>,
    %swap3A_402 = vector.shape_cast %swap3A_401 : vector<1x16xi32> to vector<16xi32>
    %swap3A_403 = vector.shape_cast %max3A_397 : vector<16xi32> to vector<1x16xi32>
    tpu.vector_store %arg10[%swap3A_399, %swap3A_400], %swap3A_403 {strides = array<i32>} : memref<5x128xi32, #tpu.memory_space<vmem>>, vector<1x16xi32>,
    %get3A_404 = arith.constant 3 : i32
    %get3A_405 = arith.index_cast %get3A_404 : i32 to index
    %get3A_406 = arith.constant 80 : index
    %get3A_407 = tpu.vector_load %arg9[%get3A_405, %get3A_406] {strides = array<i32>} : memref<5x128xi32, #tpu.memory_space<vmem>>, vector<1x16xi32>,
    %get3A_408 = vector.shape_cast %get3A_407 : vector<1x16xi32> to vector<16xi32>
    %max3A_409 = arith.constant 0 : i32
    %max3A_410 = vector.broadcast %max3A_409 : i32 to vector<16xi32>
    %max3A_411 = arith.maxsi %get3A_408, %max3A_410 : vector<16xi32>
    %swap3A_412 = arith.constant 3 : i32
    %swap3A_413 = arith.index_cast %swap3A_412 : i32 to index
    %swap3A_414 = arith.constant 80 : index
    %swap3A_415 = tpu.vector_load %arg10[%swap3A_413, %swap3A_414] {strides = array<i32>} : memref<5x128xi32, #tpu.memory_space<vmem>>, vector<1x16xi32>,
    %swap3A_416 = vector.shape_cast %swap3A_415 : vector<1x16xi32> to vector<16xi32>
    %swap3A_417 = vector.shape_cast %max3A_411 : vector<16xi32> to vector<1x16xi32>
    tpu.vector_store %arg10[%swap3A_413, %swap3A_414], %swap3A_417 {strides = array<i32>} : memref<5x128xi32, #tpu.memory_space<vmem>>, vector<1x16xi32>,
    %get3A_418 = arith.constant 3 : i32
    %get3A_419 = arith.index_cast %get3A_418 : i32 to index
    %get3A_420 = arith.constant 96 : index
    %get3A_421 = tpu.vector_load %arg9[%get3A_419, %get3A_420] {strides = array<i32>} : memref<5x128xi32, #tpu.memory_space<vmem>>, vector<1x16xi32>,
    %get3A_422 = vector.shape_cast %get3A_421 : vector<1x16xi32> to vector<16xi32>
    %max3A_423 = arith.constant 0 : i32
    %max3A_424 = vector.broadcast %max3A_423 : i32 to vector<16xi32>
    %max3A_425 = arith.maxsi %get3A_422, %max3A_424 : vector<16xi32>
    %swap3A_426 = arith.constant 3 : i32
    %swap3A_427 = arith.index_cast %swap3A_426 : i32 to index
    %swap3A_428 = arith.constant 96 : index
    %swap3A_429 = tpu.vector_load %arg10[%swap3A_427, %swap3A_428] {strides = array<i32>} : memref<5x128xi32, #tpu.memory_space<vmem>>, vector<1x16xi32>,
    %swap3A_430 = vector.shape_cast %swap3A_429 : vector<1x16xi32> to vector<16xi32>
    %swap3A_431 = vector.shape_cast %max3A_425 : vector<16xi32> to vector<1x16xi32>
    tpu.vector_store %arg10[%swap3A_427, %swap3A_428], %swap3A_431 {strides = array<i32>} : memref<5x128xi32, #tpu.memory_space<vmem>>, vector<1x16xi32>,
    %get3A_432 = arith.constant 3 : i32
    %get3A_433 = arith.index_cast %get3A_432 : i32 to index
    %get3A_434 = arith.constant 112 : index
    %get3A_435 = tpu.vector_load %arg9[%get3A_433, %get3A_434] {strides = array<i32>} : memref<5x128xi32, #tpu.memory_space<vmem>>, vector<1x16xi32>,
    %get3A_436 = vector.shape_cast %get3A_435 : vector<1x16xi32> to vector<16xi32>
    %max3A_437 = arith.constant 0 : i32
    %max3A_438 = vector.broadcast %max3A_437 : i32 to vector<16xi32>
    %max3A_439 = arith.maxsi %get3A_436, %max3A_438 : vector<16xi32>
    %swap3A_440 = arith.constant 3 : i32
    %swap3A_441 = arith.index_cast %swap3A_440 : i32 to index
    %swap3A_442 = arith.constant 112 : index
    %swap3A_443 = tpu.vector_load %arg10[%swap3A_441, %swap3A_442] {strides = array<i32>} : memref<5x128xi32, #tpu.memory_space<vmem>>, vector<1x16xi32>,
    %swap3A_444 = vector.shape_cast %swap3A_443 : vector<1x16xi32> to vector<16xi32>
    %swap3A_445 = vector.shape_cast %max3A_439 : vector<16xi32> to vector<1x16xi32>
    tpu.vector_store %arg10[%swap3A_441, %swap3A_442], %swap3A_445 {strides = array<i32>} : memref<5x128xi32, #tpu.memory_space<vmem>>, vector<1x16xi32>,
    %get3A_446 = arith.constant 4 : i32
    %get3A_447 = arith.index_cast %get3A_446 : i32 to index
    %get3A_448 = arith.constant 0 : index
    %get3A_449 = tpu.vector_load %arg9[%get3A_447, %get3A_448] {strides = array<i32>} : memref<5x128xi32, #tpu.memory_space<vmem>>, vector<1x16xi32>,
    %get3A_450 = vector.shape_cast %get3A_449 : vector<1x16xi32> to vector<16xi32>
    %max3A_451 = arith.constant 0 : i32
    %max3A_452 = vector.broadcast %max3A_451 : i32 to vector<16xi32>
    %max3A_453 = arith.maxsi %get3A_450, %max3A_452 : vector<16xi32>
    %swap3A_454 = arith.constant 4 : i32
    %swap3A_455 = arith.index_cast %swap3A_454 : i32 to index
    %swap3A_456 = arith.constant 0 : index
    %swap3A_457 = tpu.vector_load %arg10[%swap3A_455, %swap3A_456] {strides = array<i32>} : memref<5x128xi32, #tpu.memory_space<vmem>>, vector<1x16xi32>,
    %swap3A_458 = vector.shape_cast %swap3A_457 : vector<1x16xi32> to vector<16xi32>
    %swap3A_459 = vector.shape_cast %max3A_453 : vector<16xi32> to vector<1x16xi32>
    tpu.vector_store %arg10[%swap3A_455, %swap3A_456], %swap3A_459 {strides = array<i32>} : memref<5x128xi32, #tpu.memory_space<vmem>>, vector<1x16xi32>,
    %get3A_460 = arith.constant 4 : i32
    %get3A_461 = arith.index_cast %get3A_460 : i32 to index
    %get3A_462 = arith.constant 16 : index
    %get3A_463 = tpu.vector_load %arg9[%get3A_461, %get3A_462] {strides = array<i32>} : memref<5x128xi32, #tpu.memory_space<vmem>>, vector<1x16xi32>,
    %get3A_464 = vector.shape_cast %get3A_463 : vector<1x16xi32> to vector<16xi32>
    %max3A_465 = arith.constant 0 : i32
    %max3A_466 = vector.broadcast %max3A_465 : i32 to vector<16xi32>
    %max3A_467 = arith.maxsi %get3A_464, %max3A_466 : vector<16xi32>
    %swap3A_468 = arith.constant 4 : i32
    %swap3A_469 = arith.index_cast %swap3A_468 : i32 to index
    %swap3A_470 = arith.constant 16 : index
    %swap3A_471 = tpu.vector_load %arg10[%swap3A_469, %swap3A_470] {strides = array<i32>} : memref<5x128xi32, #tpu.memory_space<vmem>>, vector<1x16xi32>,
    %swap3A_472 = vector.shape_cast %swap3A_471 : vector<1x16xi32> to vector<16xi32>
    %swap3A_473 = vector.shape_cast %max3A_467 : vector<16xi32> to vector<1x16xi32>
    tpu.vector_store %arg10[%swap3A_469, %swap3A_470], %swap3A_473 {strides = array<i32>} : memref<5x128xi32, #tpu.memory_space<vmem>>, vector<1x16xi32>,
    %get3A_474 = arith.constant 4 : i32
    %get3A_475 = arith.index_cast %get3A_474 : i32 to index
    %get3A_476 = arith.constant 32 : index
    %get3A_477 = tpu.vector_load %arg9[%get3A_475, %get3A_476] {strides = array<i32>} : memref<5x128xi32, #tpu.memory_space<vmem>>, vector<1x16xi32>,
    %get3A_478 = vector.shape_cast %get3A_477 : vector<1x16xi32> to vector<16xi32>
    %max3A_479 = arith.constant 0 : i32
    %max3A_480 = vector.broadcast %max3A_479 : i32 to vector<16xi32>
    %max3A_481 = arith.maxsi %get3A_478, %max3A_480 : vector<16xi32>
    %swap3A_482 = arith.constant 4 : i32
    %swap3A_483 = arith.index_cast %swap3A_482 : i32 to index
    %swap3A_484 = arith.constant 32 : index
    %swap3A_485 = tpu.vector_load %arg10[%swap3A_483, %swap3A_484] {strides = array<i32>} : memref<5x128xi32, #tpu.memory_space<vmem>>, vector<1x16xi32>,
    %swap3A_486 = vector.shape_cast %swap3A_485 : vector<1x16xi32> to vector<16xi32>
    %swap3A_487 = vector.shape_cast %max3A_481 : vector<16xi32> to vector<1x16xi32>
    tpu.vector_store %arg10[%swap3A_483, %swap3A_484], %swap3A_487 {strides = array<i32>} : memref<5x128xi32, #tpu.memory_space<vmem>>, vector<1x16xi32>,
    %get3A_488 = arith.constant 4 : i32
    %get3A_489 = arith.index_cast %get3A_488 : i32 to index
    %get3A_490 = arith.constant 48 : index
    %get3A_491 = tpu.vector_load %arg9[%get3A_489, %get3A_490] {strides = array<i32>} : memref<5x128xi32, #tpu.memory_space<vmem>>, vector<1x16xi32>,
    %get3A_492 = vector.shape_cast %get3A_491 : vector<1x16xi32> to vector<16xi32>
    %max3A_493 = arith.constant 0 : i32
    %max3A_494 = vector.broadcast %max3A_493 : i32 to vector<16xi32>
    %max3A_495 = arith.maxsi %get3A_492, %max3A_494 : vector<16xi32>
    %swap3A_496 = arith.constant 4 : i32
    %swap3A_497 = arith.index_cast %swap3A_496 : i32 to index
    %swap3A_498 = arith.constant 48 : index
    %swap3A_499 = tpu.vector_load %arg10[%swap3A_497, %swap3A_498] {strides = array<i32>} : memref<5x128xi32, #tpu.memory_space<vmem>>, vector<1x16xi32>,
    %swap3A_500 = vector.shape_cast %swap3A_499 : vector<1x16xi32> to vector<16xi32>
    %swap3A_501 = vector.shape_cast %max3A_495 : vector<16xi32> to vector<1x16xi32>
    tpu.vector_store %arg10[%swap3A_497, %swap3A_498], %swap3A_501 {strides = array<i32>} : memref<5x128xi32, #tpu.memory_space<vmem>>, vector<1x16xi32>,
    %get3A_502 = arith.constant 4 : i32
    %get3A_503 = arith.index_cast %get3A_502 : i32 to index
    %get3A_504 = arith.constant 64 : index
    %get3A_505 = tpu.vector_load %arg9[%get3A_503, %get3A_504] {strides = array<i32>} : memref<5x128xi32, #tpu.memory_space<vmem>>, vector<1x16xi32>,
    %get3A_506 = vector.shape_cast %get3A_505 : vector<1x16xi32> to vector<16xi32>
    %max3A_507 = arith.constant 0 : i32
    %max3A_508 = vector.broadcast %max3A_507 : i32 to vector<16xi32>
    %max3A_509 = arith.maxsi %get3A_506, %max3A_508 : vector<16xi32>
    %swap3A_510 = arith.constant 4 : i32
    %swap3A_511 = arith.index_cast %swap3A_510 : i32 to index
    %swap3A_512 = arith.constant 64 : index
    %swap3A_513 = tpu.vector_load %arg10[%swap3A_511, %swap3A_512] {strides = array<i32>} : memref<5x128xi32, #tpu.memory_space<vmem>>, vector<1x16xi32>,
    %swap3A_514 = vector.shape_cast %swap3A_513 : vector<1x16xi32> to vector<16xi32>
    %swap3A_515 = vector.shape_cast %max3A_509 : vector<16xi32> to vector<1x16xi32>
    tpu.vector_store %arg10[%swap3A_511, %swap3A_512], %swap3A_515 {strides = array<i32>} : memref<5x128xi32, #tpu.memory_space<vmem>>, vector<1x16xi32>,
    %get3A_516 = arith.constant 4 : i32
    %get3A_517 = arith.index_cast %get3A_516 : i32 to index
    %get3A_518 = arith.constant 80 : index
    %get3A_519 = tpu.vector_load %arg9[%get3A_517, %get3A_518] {strides = array<i32>} : memref<5x128xi32, #tpu.memory_space<vmem>>, vector<1x16xi32>,
    %get3A_520 = vector.shape_cast %get3A_519 : vector<1x16xi32> to vector<16xi32>
    %max3A_521 = arith.constant 0 : i32
    %max3A_522 = vector.broadcast %max3A_521 : i32 to vector<16xi32>
    %max3A_523 = arith.maxsi %get3A_520, %max3A_522 : vector<16xi32>
    %swap3A_524 = arith.constant 4 : i32
    %swap3A_525 = arith.index_cast %swap3A_524 : i32 to index
    %swap3A_526 = arith.constant 80 : index
    %swap3A_527 = tpu.vector_load %arg10[%swap3A_525, %swap3A_526] {strides = array<i32>} : memref<5x128xi32, #tpu.memory_space<vmem>>, vector<1x16xi32>,
    %swap3A_528 = vector.shape_cast %swap3A_527 : vector<1x16xi32> to vector<16xi32>
    %swap3A_529 = vector.shape_cast %max3A_523 : vector<16xi32> to vector<1x16xi32>
    tpu.vector_store %arg10[%swap3A_525, %swap3A_526], %swap3A_529 {strides = array<i32>} : memref<5x128xi32, #tpu.memory_space<vmem>>, vector<1x16xi32>,
    %get3A_530 = arith.constant 4 : i32
    %get3A_531 = arith.index_cast %get3A_530 : i32 to index
    %get3A_532 = arith.constant 96 : index
    %get3A_533 = tpu.vector_load %arg9[%get3A_531, %get3A_532] {strides = array<i32>} : memref<5x128xi32, #tpu.memory_space<vmem>>, vector<1x16xi32>,
    %get3A_534 = vector.shape_cast %get3A_533 : vector<1x16xi32> to vector<16xi32>
    %max3A_535 = arith.constant 0 : i32
    %max3A_536 = vector.broadcast %max3A_535 : i32 to vector<16xi32>
    %max3A_537 = arith.maxsi %get3A_534, %max3A_536 : vector<16xi32>
    %swap3A_538 = arith.constant 4 : i32
    %swap3A_539 = arith.index_cast %swap3A_538 : i32 to index
    %swap3A_540 = arith.constant 96 : index
    %swap3A_541 = tpu.vector_load %arg10[%swap3A_539, %swap3A_540] {strides = array<i32>} : memref<5x128xi32, #tpu.memory_space<vmem>>, vector<1x16xi32>,
    %swap3A_542 = vector.shape_cast %swap3A_541 : vector<1x16xi32> to vector<16xi32>
    %swap3A_543 = vector.shape_cast %max3A_537 : vector<16xi32> to vector<1x16xi32>
    tpu.vector_store %arg10[%swap3A_539, %swap3A_540], %swap3A_543 {strides = array<i32>} : memref<5x128xi32, #tpu.memory_space<vmem>>, vector<1x16xi32>,
    %get3A_544 = arith.constant 4 : i32
    %get3A_545 = arith.index_cast %get3A_544 : i32 to index
    %get3A_546 = arith.constant 112 : index
    %get3A_547 = tpu.vector_load %arg9[%get3A_545, %get3A_546] {strides = array<i32>} : memref<5x128xi32, #tpu.memory_space<vmem>>, vector<1x16xi32>,
    %get3A_548 = vector.shape_cast %get3A_547 : vector<1x16xi32> to vector<16xi32>
    %max3A_549 = arith.constant 0 : i32
    %max3A_550 = vector.broadcast %max3A_549 : i32 to vector<16xi32>
    %max3A_551 = arith.maxsi %get3A_548, %max3A_550 : vector<16xi32>
    %swap3A_552 = arith.constant 4 : i32
    %swap3A_553 = arith.index_cast %swap3A_552 : i32 to index
    %swap3A_554 = arith.constant 112 : index
    %swap3A_555 = tpu.vector_load %arg10[%swap3A_553, %swap3A_554] {strides = array<i32>} : memref<5x128xi32, #tpu.memory_space<vmem>>, vector<1x16xi32>,
    %swap3A_556 = vector.shape_cast %swap3A_555 : vector<1x16xi32> to vector<16xi32>
    %swap3A_557 = vector.shape_cast %max3A_551 : vector<16xi32> to vector<1x16xi32>
    tpu.vector_store %arg10[%swap3A_553, %swap3A_554], %swap3A_557 {strides = array<i32>} : memref<5x128xi32, #tpu.memory_space<vmem>>, vector<1x16xi32>,
    %dma_start3A = arith.constant 0 : i32
    %dma_start3A_558 = arith.constant 0 : i32
    %dma_start3A_559 = arith.constant 0 : i32
    %dma_start3A_560 = tpu.memref_slice %arg11[%dma_start3A_558, %dma_start3A_559] : memref<5x128xf32, #tpu.memory_space<vmem>> -> memref<1x128xf32, #tpu.memory_space<vmem>>
    %dma_start3A_561 = tpu.memref_squeeze %dma_start3A_560 : memref<1x128xf32, #tpu.memory_space<vmem>> -> memref<128xf32, #tpu.memory_space<vmem>>
    %dma_start3A_562 = arith.constant 0 : i32
    %dma_start3A_563 = tpu.memref_slice %arg10[%dma_start3A, %dma_start3A_562] : memref<5x128xi32, #tpu.memory_space<vmem>> -> memref<1x128xi32, #tpu.memory_space<vmem>>
    %dma_start3A_564 = tpu.memref_squeeze %dma_start3A_563 : memref<1x128xi32, #tpu.memory_space<vmem>> -> memref<128xi32, #tpu.memory_space<vmem>>
    %dma_start3A_565 = arith.constant 0 : i32
    %dma_start3A_566 = tpu.memref_slice %arg3[%dma_start3A_565] : memref<20480xf32, #tpu.memory_space<hbm>> -> memref<20480xf32, #tpu.memory_space<hbm>>
    tpu.enqueue_indirect_dma source(%dma_start3A_566 : memref<20480xf32, #tpu.memory_space<hbm>>) target(%dma_start3A_561 : memref<128xf32, #tpu.memory_space<vmem>>) offsets(%dma_start3A_564 : memref<128xi32, #tpu.memory_space<vmem>>) semaphore(%arg14 : memref<!tpu.dma_semaphore, #tpu.memory_space<semaphore_mem>>)
    %dma_wait3A = arith.constant 0 : i32
    %dma_wait3A_567 = arith.constant 0 : i32
    %dma_wait3A_568 = arith.constant 0 : i32
    %dma_wait3A_569 = tpu.memref_slice %arg11[%dma_wait3A_567, %dma_wait3A_568] : memref<5x128xf32, #tpu.memory_space<vmem>> -> memref<1x128xf32, #tpu.memory_space<vmem>>
    %dma_wait3A_570 = tpu.memref_squeeze %dma_wait3A_569 : memref<1x128xf32, #tpu.memory_space<vmem>> -> memref<128xf32, #tpu.memory_space<vmem>>
    %dma_wait3A_571 = arith.constant 0 : i32
    %dma_wait3A_572 = tpu.memref_slice %arg10[%dma_wait3A, %dma_wait3A_571] : memref<5x128xi32, #tpu.memory_space<vmem>> -> memref<1x128xi32, #tpu.memory_space<vmem>>
    %dma_wait3A_573 = tpu.memref_squeeze %dma_wait3A_572 : memref<1x128xi32, #tpu.memory_space<vmem>> -> memref<128xi32, #tpu.memory_space<vmem>>
    %dma_wait3A_574 = arith.constant 0 : i32
    %dma_wait3A_575 = tpu.memref_slice %arg3[%dma_wait3A_574] : memref<20480xf32, #tpu.memory_space<hbm>> -> memref<20480xf32, #tpu.memory_space<hbm>>
    tpu.wait_indirect_dma semaphore(%arg14 : memref<!tpu.dma_semaphore, #tpu.memory_space<semaphore_mem>>) src(%dma_wait3A_575 : memref<20480xf32, #tpu.memory_space<hbm>>) dst(%dma_wait3A_570 : memref<128xf32, #tpu.memory_space<vmem>>)
    %dma_start3A_576 = arith.constant 0 : i32
    %dma_start3A_577 = arith.constant 0 : i32
    %dma_start3A_578 = arith.constant 0 : i32
    %dma_start3A_579 = tpu.memref_slice %arg12[%dma_start3A_577, %dma_start3A_578] : memref<5x128xf32, #tpu.memory_space<vmem>> -> memref<1x128xf32, #tpu.memory_space<vmem>>
    %dma_start3A_580 = tpu.memref_squeeze %dma_start3A_579 : memref<1x128xf32, #tpu.memory_space<vmem>> -> memref<128xf32, #tpu.memory_space<vmem>>
    %dma_start3A_581 = arith.constant 0 : i32
    %dma_start3A_582 = tpu.memref_slice %arg10[%dma_start3A_576, %dma_start3A_581] : memref<5x128xi32, #tpu.memory_space<vmem>> -> memref<1x128xi32, #tpu.memory_space<vmem>>
    %dma_start3A_583 = tpu.memref_squeeze %dma_start3A_582 : memref<1x128xi32, #tpu.memory_space<vmem>> -> memref<128xi32, #tpu.memory_space<vmem>>
    %dma_start3A_584 = arith.constant 0 : i32
    %dma_start3A_585 = tpu.memref_slice %arg4[%dma_start3A_584] : memref<20480xf32, #tpu.memory_space<hbm>> -> memref<20480xf32, #tpu.memory_space<hbm>>
    tpu.enqueue_indirect_dma source(%dma_start3A_585 : memref<20480xf32, #tpu.memory_space<hbm>>) target(%dma_start3A_580 : memref<128xf32, #tpu.memory_space<vmem>>) offsets(%dma_start3A_583 : memref<128xi32, #tpu.memory_space<vmem>>) semaphore(%arg14 : memref<!tpu.dma_semaphore, #tpu.memory_space<semaphore_mem>>)
    %dma_wait3A_586 = arith.constant 0 : i32
    %dma_wait3A_587 = arith.constant 0 : i32
    %dma_wait3A_588 = arith.constant 0 : i32
    %dma_wait3A_589 = tpu.memref_slice %arg12[%dma_wait3A_587, %dma_wait3A_588] : memref<5x128xf32, #tpu.memory_space<vmem>> -> memref<1x128xf32, #tpu.memory_space<vmem>>
    %dma_wait3A_590 = tpu.memref_squeeze %dma_wait3A_589 : memref<1x128xf32, #tpu.memory_space<vmem>> -> memref<128xf32, #tpu.memory_space<vmem>>
    %dma_wait3A_591 = arith.constant 0 : i32
    %dma_wait3A_592 = tpu.memref_slice %arg10[%dma_wait3A_586, %dma_wait3A_591] : memref<5x128xi32, #tpu.memory_space<vmem>> -> memref<1x128xi32, #tpu.memory_space<vmem>>
    %dma_wait3A_593 = tpu.memref_squeeze %dma_wait3A_592 : memref<1x128xi32, #tpu.memory_space<vmem>> -> memref<128xi32, #tpu.memory_space<vmem>>
    %dma_wait3A_594 = arith.constant 0 : i32
    %dma_wait3A_595 = tpu.memref_slice %arg4[%dma_wait3A_594] : memref<20480xf32, #tpu.memory_space<hbm>> -> memref<20480xf32, #tpu.memory_space<hbm>>
    tpu.wait_indirect_dma semaphore(%arg14 : memref<!tpu.dma_semaphore, #tpu.memory_space<semaphore_mem>>) src(%dma_wait3A_595 : memref<20480xf32, #tpu.memory_space<hbm>>) dst(%dma_wait3A_590 : memref<128xf32, #tpu.memory_space<vmem>>)
    %dma_start3A_596 = arith.constant 0 : i32
    %dma_start3A_597 = arith.constant 0 : i32
    %dma_start3A_598 = arith.constant 0 : i32
    %dma_start3A_599 = tpu.memref_slice %arg13[%dma_start3A_597, %dma_start3A_598] : memref<5x128xf32, #tpu.memory_space<vmem>> -> memref<1x128xf32, #tpu.memory_space<vmem>>
    %dma_start3A_600 = tpu.memref_squeeze %dma_start3A_599 : memref<1x128xf32, #tpu.memory_space<vmem>> -> memref<128xf32, #tpu.memory_space<vmem>>
    %dma_start3A_601 = arith.constant 0 : i32
    %dma_start3A_602 = tpu.memref_slice %arg10[%dma_start3A_596, %dma_start3A_601] : memref<5x128xi32, #tpu.memory_space<vmem>> -> memref<1x128xi32, #tpu.memory_space<vmem>>
    %dma_start3A_603 = tpu.memref_squeeze %dma_start3A_602 : memref<1x128xi32, #tpu.memory_space<vmem>> -> memref<128xi32, #tpu.memory_space<vmem>>
    %dma_start3A_604 = arith.constant 0 : i32
    %dma_start3A_605 = tpu.memref_slice %arg5[%dma_start3A_604] : memref<20480xf32, #tpu.memory_space<hbm>> -> memref<20480xf32, #tpu.memory_space<hbm>>
    tpu.enqueue_indirect_dma source(%dma_start3A_605 : memref<20480xf32, #tpu.memory_space<hbm>>) target(%dma_start3A_600 : memref<128xf32, #tpu.memory_space<vmem>>) offsets(%dma_start3A_603 : memref<128xi32, #tpu.memory_space<vmem>>) semaphore(%arg14 : memref<!tpu.dma_semaphore, #tpu.memory_space<semaphore_mem>>)
    %dma_wait3A_606 = arith.constant 0 : i32
    %dma_wait3A_607 = arith.constant 0 : i32
    %dma_wait3A_608 = arith.constant 0 : i32
    %dma_wait3A_609 = tpu.memref_slice %arg13[%dma_wait3A_607, %dma_wait3A_608] : memref<5x128xf32, #tpu.memory_space<vmem>> -> memref<1x128xf32, #tpu.memory_space<vmem>>
    %dma_wait3A_610 = tpu.memref_squeeze %dma_wait3A_609 : memref<1x128xf32, #tpu.memory_space<vmem>> -> memref<128xf32, #tpu.memory_space<vmem>>
    %dma_wait3A_611 = arith.constant 0 : i32
    %dma_wait3A_612 = tpu.memref_slice %arg10[%dma_wait3A_606, %dma_wait3A_611] : memref<5x128xi32, #tpu.memory_space<vmem>> -> memref<1x128xi32, #tpu.memory_space<vmem>>
    %dma_wait3A_613 = tpu.memref_squeeze %dma_wait3A_612 : memref<1x128xi32, #tpu.memory_space<vmem>> -> memref<128xi32, #tpu.memory_space<vmem>>
    %dma_wait3A_614 = arith.constant 0 : i32
    %dma_wait3A_615 = tpu.memref_slice %arg5[%dma_wait3A_614] : memref<20480xf32, #tpu.memory_space<hbm>> -> memref<20480xf32, #tpu.memory_space<hbm>>
    tpu.wait_indirect_dma semaphore(%arg14 : memref<!tpu.dma_semaphore, #tpu.memory_space<semaphore_mem>>) src(%dma_wait3A_615 : memref<20480xf32, #tpu.memory_space<hbm>>) dst(%dma_wait3A_610 : memref<128xf32, #tpu.memory_space<vmem>>)
    %dma_start3A_616 = arith.constant 1 : i32
    %dma_start3A_617 = arith.constant 1 : i32
    %dma_start3A_618 = arith.constant 0 : i32
    %dma_start3A_619 = tpu.memref_slice %arg11[%dma_start3A_617, %dma_start3A_618] : memref<5x128xf32, #tpu.memory_space<vmem>> -> memref<1x128xf32, #tpu.memory_space<vmem>>
    %dma_start3A_620 = tpu.memref_squeeze %dma_start3A_619 : memref<1x128xf32, #tpu.memory_space<vmem>> -> memref<128xf32, #tpu.memory_space<vmem>>
    %dma_start3A_621 = arith.constant 0 : i32
    %dma_start3A_622 = tpu.memref_slice %arg10[%dma_start3A_616, %dma_start3A_621] : memref<5x128xi32, #tpu.memory_space<vmem>> -> memref<1x128xi32, #tpu.memory_space<vmem>>
    %dma_start3A_623 = tpu.memref_squeeze %dma_start3A_622 : memref<1x128xi32, #tpu.memory_space<vmem>> -> memref<128xi32, #tpu.memory_space<vmem>>
    %dma_start3A_624 = arith.constant 0 : i32
    %dma_start3A_625 = tpu.memref_slice %arg3[%dma_start3A_624] : memref<20480xf32, #tpu.memory_space<hbm>> -> memref<20480xf32, #tpu.memory_space<hbm>>
    tpu.enqueue_indirect_dma source(%dma_start3A_625 : memref<20480xf32, #tpu.memory_space<hbm>>) target(%dma_start3A_620 : memref<128xf32, #tpu.memory_space<vmem>>) offsets(%dma_start3A_623 : memref<128xi32, #tpu.memory_space<vmem>>) semaphore(%arg14 : memref<!tpu.dma_semaphore, #tpu.memory_space<semaphore_mem>>)
    %dma_wait3A_626 = arith.constant 1 : i32
    %dma_wait3A_627 = arith.constant 1 : i32
    %dma_wait3A_628 = arith.constant 0 : i32
    %dma_wait3A_629 = tpu.memref_slice %arg11[%dma_wait3A_627, %dma_wait3A_628] : memref<5x128xf32, #tpu.memory_space<vmem>> -> memref<1x128xf32, #tpu.memory_space<vmem>>
    %dma_wait3A_630 = tpu.memref_squeeze %dma_wait3A_629 : memref<1x128xf32, #tpu.memory_space<vmem>> -> memref<128xf32, #tpu.memory_space<vmem>>
    %dma_wait3A_631 = arith.constant 0 : i32
    %dma_wait3A_632 = tpu.memref_slice %arg10[%dma_wait3A_626, %dma_wait3A_631] : memref<5x128xi32, #tpu.memory_space<vmem>> -> memref<1x128xi32, #tpu.memory_space<vmem>>
    %dma_wait3A_633 = tpu.memref_squeeze %dma_wait3A_632 : memref<1x128xi32, #tpu.memory_space<vmem>> -> memref<128xi32, #tpu.memory_space<vmem>>
    %dma_wait3A_634 = arith.constant 0 : i32
    %dma_wait3A_635 = tpu.memref_slice %arg3[%dma_wait3A_634] : memref<20480xf32, #tpu.memory_space<hbm>> -> memref<20480xf32, #tpu.memory_space<hbm>>
    tpu.wait_indirect_dma semaphore(%arg14 : memref<!tpu.dma_semaphore, #tpu.memory_space<semaphore_mem>>) src(%dma_wait3A_635 : memref<20480xf32, #tpu.memory_space<hbm>>) dst(%dma_wait3A_630 : memref<128xf32, #tpu.memory_space<vmem>>)
    %dma_start3A_636 = arith.constant 1 : i32
    %dma_start3A_637 = arith.constant 1 : i32
    %dma_start3A_638 = arith.constant 0 : i32
    %dma_start3A_639 = tpu.memref_slice %arg12[%dma_start3A_637, %dma_start3A_638] : memref<5x128xf32, #tpu.memory_space<vmem>> -> memref<1x128xf32, #tpu.memory_space<vmem>>
    %dma_start3A_640 = tpu.memref_squeeze %dma_start3A_639 : memref<1x128xf32, #tpu.memory_space<vmem>> -> memref<128xf32, #tpu.memory_space<vmem>>
    %dma_start3A_641 = arith.constant 0 : i32
    %dma_start3A_642 = tpu.memref_slice %arg10[%dma_start3A_636, %dma_start3A_641] : memref<5x128xi32, #tpu.memory_space<vmem>> -> memref<1x128xi32, #tpu.memory_space<vmem>>
    %dma_start3A_643 = tpu.memref_squeeze %dma_start3A_642 : memref<1x128xi32, #tpu.memory_space<vmem>> -> memref<128xi32, #tpu.memory_space<vmem>>
    %dma_start3A_644 = arith.constant 0 : i32
    %dma_start3A_645 = tpu.memref_slice %arg4[%dma_start3A_644] : memref<20480xf32, #tpu.memory_space<hbm>> -> memref<20480xf32, #tpu.memory_space<hbm>>
    tpu.enqueue_indirect_dma source(%dma_start3A_645 : memref<20480xf32, #tpu.memory_space<hbm>>) target(%dma_start3A_640 : memref<128xf32, #tpu.memory_space<vmem>>) offsets(%dma_start3A_643 : memref<128xi32, #tpu.memory_space<vmem>>) semaphore(%arg14 : memref<!tpu.dma_semaphore, #tpu.memory_space<semaphore_mem>>)
    %dma_wait3A_646 = arith.constant 1 : i32
    %dma_wait3A_647 = arith.constant 1 : i32
    %dma_wait3A_648 = arith.constant 0 : i32
    %dma_wait3A_649 = tpu.memref_slice %arg12[%dma_wait3A_647, %dma_wait3A_648] : memref<5x128xf32, #tpu.memory_space<vmem>> -> memref<1x128xf32, #tpu.memory_space<vmem>>
    %dma_wait3A_650 = tpu.memref_squeeze %dma_wait3A_649 : memref<1x128xf32, #tpu.memory_space<vmem>> -> memref<128xf32, #tpu.memory_space<vmem>>
    %dma_wait3A_651 = arith.constant 0 : i32
    %dma_wait3A_652 = tpu.memref_slice %arg10[%dma_wait3A_646, %dma_wait3A_651] : memref<5x128xi32, #tpu.memory_space<vmem>> -> memref<1x128xi32, #tpu.memory_space<vmem>>
    %dma_wait3A_653 = tpu.memref_squeeze %dma_wait3A_652 : memref<1x128xi32, #tpu.memory_space<vmem>> -> memref<128xi32, #tpu.memory_space<vmem>>
    %dma_wait3A_654 = arith.constant 0 : i32
    %dma_wait3A_655 = tpu.memref_slice %arg4[%dma_wait3A_654] : memref<20480xf32, #tpu.memory_space<hbm>> -> memref<20480xf32, #tpu.memory_space<hbm>>
    tpu.wait_indirect_dma semaphore(%arg14 : memref<!tpu.dma_semaphore, #tpu.memory_space<semaphore_mem>>) src(%dma_wait3A_655 : memref<20480xf32, #tpu.memory_space<hbm>>) dst(%dma_wait3A_650 : memref<128xf32, #tpu.memory_space<vmem>>)
    %dma_start3A_656 = arith.constant 1 : i32
    %dma_start3A_657 = arith.constant 1 : i32
    %dma_start3A_658 = arith.constant 0 : i32
    %dma_start3A_659 = tpu.memref_slice %arg13[%dma_start3A_657, %dma_start3A_658] : memref<5x128xf32, #tpu.memory_space<vmem>> -> memref<1x128xf32, #tpu.memory_space<vmem>>
    %dma_start3A_660 = tpu.memref_squeeze %dma_start3A_659 : memref<1x128xf32, #tpu.memory_space<vmem>> -> memref<128xf32, #tpu.memory_space<vmem>>
    %dma_start3A_661 = arith.constant 0 : i32
    %dma_start3A_662 = tpu.memref_slice %arg10[%dma_start3A_656, %dma_start3A_661] : memref<5x128xi32, #tpu.memory_space<vmem>> -> memref<1x128xi32, #tpu.memory_space<vmem>>
    %dma_start3A_663 = tpu.memref_squeeze %dma_start3A_662 : memref<1x128xi32, #tpu.memory_space<vmem>> -> memref<128xi32, #tpu.memory_space<vmem>>
    %dma_start3A_664 = arith.constant 0 : i32
    %dma_start3A_665 = tpu.memref_slice %arg5[%dma_start3A_664] : memref<20480xf32, #tpu.memory_space<hbm>> -> memref<20480xf32, #tpu.memory_space<hbm>>
    tpu.enqueue_indirect_dma source(%dma_start3A_665 : memref<20480xf32, #tpu.memory_space<hbm>>) target(%dma_start3A_660 : memref<128xf32, #tpu.memory_space<vmem>>) offsets(%dma_start3A_663 : memref<128xi32, #tpu.memory_space<vmem>>) semaphore(%arg14 : memref<!tpu.dma_semaphore, #tpu.memory_space<semaphore_mem>>)
    %dma_wait3A_666 = arith.constant 1 : i32
    %dma_wait3A_667 = arith.constant 1 : i32
    %dma_wait3A_668 = arith.constant 0 : i32
    %dma_wait3A_669 = tpu.memref_slice %arg13[%dma_wait3A_667, %dma_wait3A_668] : memref<5x128xf32, #tpu.memory_space<vmem>> -> memref<1x128xf32, #tpu.memory_space<vmem>>
    %dma_wait3A_670 = tpu.memref_squeeze %dma_wait3A_669 : memref<1x128xf32, #tpu.memory_space<vmem>> -> memref<128xf32, #tpu.memory_space<vmem>>
    %dma_wait3A_671 = arith.constant 0 : i32
    %dma_wait3A_672 = tpu.memref_slice %arg10[%dma_wait3A_666, %dma_wait3A_671] : memref<5x128xi32, #tpu.memory_space<vmem>> -> memref<1x128xi32, #tpu.memory_space<vmem>>
    %dma_wait3A_673 = tpu.memref_squeeze %dma_wait3A_672 : memref<1x128xi32, #tpu.memory_space<vmem>> -> memref<128xi32, #tpu.memory_space<vmem>>
    %dma_wait3A_674 = arith.constant 0 : i32
    %dma_wait3A_675 = tpu.memref_slice %arg5[%dma_wait3A_674] : memref<20480xf32, #tpu.memory_space<hbm>> -> memref<20480xf32, #tpu.memory_space<hbm>>
    tpu.wait_indirect_dma semaphore(%arg14 : memref<!tpu.dma_semaphore, #tpu.memory_space<semaphore_mem>>) src(%dma_wait3A_675 : memref<20480xf32, #tpu.memory_space<hbm>>) dst(%dma_wait3A_670 : memref<128xf32, #tpu.memory_space<vmem>>)
    %dma_start3A_676 = arith.constant 2 : i32
    %dma_start3A_677 = arith.constant 2 : i32
    %dma_start3A_678 = arith.constant 0 : i32
    %dma_start3A_679 = tpu.memref_slice %arg11[%dma_start3A_677, %dma_start3A_678] : memref<5x128xf32, #tpu.memory_space<vmem>> -> memref<1x128xf32, #tpu.memory_space<vmem>>
    %dma_start3A_680 = tpu.memref_squeeze %dma_start3A_679 : memref<1x128xf32, #tpu.memory_space<vmem>> -> memref<128xf32, #tpu.memory_space<vmem>>
    %dma_start3A_681 = arith.constant 0 : i32
    %dma_start3A_682 = tpu.memref_slice %arg10[%dma_start3A_676, %dma_start3A_681] : memref<5x128xi32, #tpu.memory_space<vmem>> -> memref<1x128xi32, #tpu.memory_space<vmem>>
    %dma_start3A_683 = tpu.memref_squeeze %dma_start3A_682 : memref<1x128xi32, #tpu.memory_space<vmem>> -> memref<128xi32, #tpu.memory_space<vmem>>
    %dma_start3A_684 = arith.constant 0 : i32
    %dma_start3A_685 = tpu.memref_slice %arg3[%dma_start3A_684] : memref<20480xf32, #tpu.memory_space<hbm>> -> memref<20480xf32, #tpu.memory_space<hbm>>
    tpu.enqueue_indirect_dma source(%dma_start3A_685 : memref<20480xf32, #tpu.memory_space<hbm>>) target(%dma_start3A_680 : memref<128xf32, #tpu.memory_space<vmem>>) offsets(%dma_start3A_683 : memref<128xi32, #tpu.memory_space<vmem>>) semaphore(%arg14 : memref<!tpu.dma_semaphore, #tpu.memory_space<semaphore_mem>>)
    %dma_wait3A_686 = arith.constant 2 : i32
    %dma_wait3A_687 = arith.constant 2 : i32
    %dma_wait3A_688 = arith.constant 0 : i32
    %dma_wait3A_689 = tpu.memref_slice %arg11[%dma_wait3A_687, %dma_wait3A_688] : memref<5x128xf32, #tpu.memory_space<vmem>> -> memref<1x128xf32, #tpu.memory_space<vmem>>
    %dma_wait3A_690 = tpu.memref_squeeze %dma_wait3A_689 : memref<1x128xf32, #tpu.memory_space<vmem>> -> memref<128xf32, #tpu.memory_space<vmem>>
    %dma_wait3A_691 = arith.constant 0 : i32
    %dma_wait3A_692 = tpu.memref_slice %arg10[%dma_wait3A_686, %dma_wait3A_691] : memref<5x128xi32, #tpu.memory_space<vmem>> -> memref<1x128xi32, #tpu.memory_space<vmem>>
    %dma_wait3A_693 = tpu.memref_squeeze %dma_wait3A_692 : memref<1x128xi32, #tpu.memory_space<vmem>> -> memref<128xi32, #tpu.memory_space<vmem>>
    %dma_wait3A_694 = arith.constant 0 : i32
    %dma_wait3A_695 = tpu.memref_slice %arg3[%dma_wait3A_694] : memref<20480xf32, #tpu.memory_space<hbm>> -> memref<20480xf32, #tpu.memory_space<hbm>>
    tpu.wait_indirect_dma semaphore(%arg14 : memref<!tpu.dma_semaphore, #tpu.memory_space<semaphore_mem>>) src(%dma_wait3A_695 : memref<20480xf32, #tpu.memory_space<hbm>>) dst(%dma_wait3A_690 : memref<128xf32, #tpu.memory_space<vmem>>)
    %dma_start3A_696 = arith.constant 2 : i32
    %dma_start3A_697 = arith.constant 2 : i32
    %dma_start3A_698 = arith.constant 0 : i32
    %dma_start3A_699 = tpu.memref_slice %arg12[%dma_start3A_697, %dma_start3A_698] : memref<5x128xf32, #tpu.memory_space<vmem>> -> memref<1x128xf32, #tpu.memory_space<vmem>>
    %dma_start3A_700 = tpu.memref_squeeze %dma_start3A_699 : memref<1x128xf32, #tpu.memory_space<vmem>> -> memref<128xf32, #tpu.memory_space<vmem>>
    %dma_start3A_701 = arith.constant 0 : i32
    %dma_start3A_702 = tpu.memref_slice %arg10[%dma_start3A_696, %dma_start3A_701] : memref<5x128xi32, #tpu.memory_space<vmem>> -> memref<1x128xi32, #tpu.memory_space<vmem>>
    %dma_start3A_703 = tpu.memref_squeeze %dma_start3A_702 : memref<1x128xi32, #tpu.memory_space<vmem>> -> memref<128xi32, #tpu.memory_space<vmem>>
    %dma_start3A_704 = arith.constant 0 : i32
    %dma_start3A_705 = tpu.memref_slice %arg4[%dma_start3A_704] : memref<20480xf32, #tpu.memory_space<hbm>> -> memref<20480xf32, #tpu.memory_space<hbm>>
    tpu.enqueue_indirect_dma source(%dma_start3A_705 : memref<20480xf32, #tpu.memory_space<hbm>>) target(%dma_start3A_700 : memref<128xf32, #tpu.memory_space<vmem>>) offsets(%dma_start3A_703 : memref<128xi32, #tpu.memory_space<vmem>>) semaphore(%arg14 : memref<!tpu.dma_semaphore, #tpu.memory_space<semaphore_mem>>)
    %dma_wait3A_706 = arith.constant 2 : i32
    %dma_wait3A_707 = arith.constant 2 : i32
    %dma_wait3A_708 = arith.constant 0 : i32
    %dma_wait3A_709 = tpu.memref_slice %arg12[%dma_wait3A_707, %dma_wait3A_708] : memref<5x128xf32, #tpu.memory_space<vmem>> -> memref<1x128xf32, #tpu.memory_space<vmem>>
    %dma_wait3A_710 = tpu.memref_squeeze %dma_wait3A_709 : memref<1x128xf32, #tpu.memory_space<vmem>> -> memref<128xf32, #tpu.memory_space<vmem>>
    %dma_wait3A_711 = arith.constant 0 : i32
    %dma_wait3A_712 = tpu.memref_slice %arg10[%dma_wait3A_706, %dma_wait3A_711] : memref<5x128xi32, #tpu.memory_space<vmem>> -> memref<1x128xi32, #tpu.memory_space<vmem>>
    %dma_wait3A_713 = tpu.memref_squeeze %dma_wait3A_712 : memref<1x128xi32, #tpu.memory_space<vmem>> -> memref<128xi32, #tpu.memory_space<vmem>>
    %dma_wait3A_714 = arith.constant 0 : i32
    %dma_wait3A_715 = tpu.memref_slice %arg4[%dma_wait3A_714] : memref<20480xf32, #tpu.memory_space<hbm>> -> memref<20480xf32, #tpu.memory_space<hbm>>
    tpu.wait_indirect_dma semaphore(%arg14 : memref<!tpu.dma_semaphore, #tpu.memory_space<semaphore_mem>>) src(%dma_wait3A_715 : memref<20480xf32, #tpu.memory_space<hbm>>) dst(%dma_wait3A_710 : memref<128xf32, #tpu.memory_space<vmem>>)
    %dma_start3A_716 = arith.constant 2 : i32
    %dma_start3A_717 = arith.constant 2 : i32
    %dma_start3A_718 = arith.constant 0 : i32
    %dma_start3A_719 = tpu.memref_slice %arg13[%dma_start3A_717, %dma_start3A_718] : memref<5x128xf32, #tpu.memory_space<vmem>> -> memref<1x128xf32, #tpu.memory_space<vmem>>
    %dma_start3A_720 = tpu.memref_squeeze %dma_start3A_719 : memref<1x128xf32, #tpu.memory_space<vmem>> -> memref<128xf32, #tpu.memory_space<vmem>>
    %dma_start3A_721 = arith.constant 0 : i32
    %dma_start3A_722 = tpu.memref_slice %arg10[%dma_start3A_716, %dma_start3A_721] : memref<5x128xi32, #tpu.memory_space<vmem>> -> memref<1x128xi32, #tpu.memory_space<vmem>>
    %dma_start3A_723 = tpu.memref_squeeze %dma_start3A_722 : memref<1x128xi32, #tpu.memory_space<vmem>> -> memref<128xi32, #tpu.memory_space<vmem>>
    %dma_start3A_724 = arith.constant 0 : i32
    %dma_start3A_725 = tpu.memref_slice %arg5[%dma_start3A_724] : memref<20480xf32, #tpu.memory_space<hbm>> -> memref<20480xf32, #tpu.memory_space<hbm>>
    tpu.enqueue_indirect_dma source(%dma_start3A_725 : memref<20480xf32, #tpu.memory_space<hbm>>) target(%dma_start3A_720 : memref<128xf32, #tpu.memory_space<vmem>>) offsets(%dma_start3A_723 : memref<128xi32, #tpu.memory_space<vmem>>) semaphore(%arg14 : memref<!tpu.dma_semaphore, #tpu.memory_space<semaphore_mem>>)
    %dma_wait3A_726 = arith.constant 2 : i32
    %dma_wait3A_727 = arith.constant 2 : i32
    %dma_wait3A_728 = arith.constant 0 : i32
    %dma_wait3A_729 = tpu.memref_slice %arg13[%dma_wait3A_727, %dma_wait3A_728] : memref<5x128xf32, #tpu.memory_space<vmem>> -> memref<1x128xf32, #tpu.memory_space<vmem>>
    %dma_wait3A_730 = tpu.memref_squeeze %dma_wait3A_729 : memref<1x128xf32, #tpu.memory_space<vmem>> -> memref<128xf32, #tpu.memory_space<vmem>>
    %dma_wait3A_731 = arith.constant 0 : i32
    %dma_wait3A_732 = tpu.memref_slice %arg10[%dma_wait3A_726, %dma_wait3A_731] : memref<5x128xi32, #tpu.memory_space<vmem>> -> memref<1x128xi32, #tpu.memory_space<vmem>>
    %dma_wait3A_733 = tpu.memref_squeeze %dma_wait3A_732 : memref<1x128xi32, #tpu.memory_space<vmem>> -> memref<128xi32, #tpu.memory_space<vmem>>
    %dma_wait3A_734 = arith.constant 0 : i32
    %dma_wait3A_735 = tpu.memref_slice %arg5[%dma_wait3A_734] : memref<20480xf32, #tpu.memory_space<hbm>> -> memref<20480xf32, #tpu.memory_space<hbm>>
    tpu.wait_indirect_dma semaphore(%arg14 : memref<!tpu.dma_semaphore, #tpu.memory_space<semaphore_mem>>) src(%dma_wait3A_735 : memref<20480xf32, #tpu.memory_space<hbm>>) dst(%dma_wait3A_730 : memref<128xf32, #tpu.memory_space<vmem>>)
    %dma_start3A_736 = arith.constant 3 : i32
    %dma_start3A_737 = arith.constant 3 : i32
    %dma_start3A_738 = arith.constant 0 : i32
    %dma_start3A_739 = tpu.memref_slice %arg11[%dma_start3A_737, %dma_start3A_738] : memref<5x128xf32, #tpu.memory_space<vmem>> -> memref<1x128xf32, #tpu.memory_space<vmem>>
    %dma_start3A_740 = tpu.memref_squeeze %dma_start3A_739 : memref<1x128xf32, #tpu.memory_space<vmem>> -> memref<128xf32, #tpu.memory_space<vmem>>
    %dma_start3A_741 = arith.constant 0 : i32
    %dma_start3A_742 = tpu.memref_slice %arg10[%dma_start3A_736, %dma_start3A_741] : memref<5x128xi32, #tpu.memory_space<vmem>> -> memref<1x128xi32, #tpu.memory_space<vmem>>
    %dma_start3A_743 = tpu.memref_squeeze %dma_start3A_742 : memref<1x128xi32, #tpu.memory_space<vmem>> -> memref<128xi32, #tpu.memory_space<vmem>>
    %dma_start3A_744 = arith.constant 0 : i32
    %dma_start3A_745 = tpu.memref_slice %arg3[%dma_start3A_744] : memref<20480xf32, #tpu.memory_space<hbm>> -> memref<20480xf32, #tpu.memory_space<hbm>>
    tpu.enqueue_indirect_dma source(%dma_start3A_745 : memref<20480xf32, #tpu.memory_space<hbm>>) target(%dma_start3A_740 : memref<128xf32, #tpu.memory_space<vmem>>) offsets(%dma_start3A_743 : memref<128xi32, #tpu.memory_space<vmem>>) semaphore(%arg14 : memref<!tpu.dma_semaphore, #tpu.memory_space<semaphore_mem>>)
    %dma_wait3A_746 = arith.constant 3 : i32
    %dma_wait3A_747 = arith.constant 3 : i32
    %dma_wait3A_748 = arith.constant 0 : i32
    %dma_wait3A_749 = tpu.memref_slice %arg11[%dma_wait3A_747, %dma_wait3A_748] : memref<5x128xf32, #tpu.memory_space<vmem>> -> memref<1x128xf32, #tpu.memory_space<vmem>>
    %dma_wait3A_750 = tpu.memref_squeeze %dma_wait3A_749 : memref<1x128xf32, #tpu.memory_space<vmem>> -> memref<128xf32, #tpu.memory_space<vmem>>
    %dma_wait3A_751 = arith.constant 0 : i32
    %dma_wait3A_752 = tpu.memref_slice %arg10[%dma_wait3A_746, %dma_wait3A_751] : memref<5x128xi32, #tpu.memory_space<vmem>> -> memref<1x128xi32, #tpu.memory_space<vmem>>
    %dma_wait3A_753 = tpu.memref_squeeze %dma_wait3A_752 : memref<1x128xi32, #tpu.memory_space<vmem>> -> memref<128xi32, #tpu.memory_space<vmem>>
    %dma_wait3A_754 = arith.constant 0 : i32
    %dma_wait3A_755 = tpu.memref_slice %arg3[%dma_wait3A_754] : memref<20480xf32, #tpu.memory_space<hbm>> -> memref<20480xf32, #tpu.memory_space<hbm>>
    tpu.wait_indirect_dma semaphore(%arg14 : memref<!tpu.dma_semaphore, #tpu.memory_space<semaphore_mem>>) src(%dma_wait3A_755 : memref<20480xf32, #tpu.memory_space<hbm>>) dst(%dma_wait3A_750 : memref<128xf32, #tpu.memory_space<vmem>>)
    %dma_start3A_756 = arith.constant 3 : i32
    %dma_start3A_757 = arith.constant 3 : i32
    %dma_start3A_758 = arith.constant 0 : i32
    %dma_start3A_759 = tpu.memref_slice %arg12[%dma_start3A_757, %dma_start3A_758] : memref<5x128xf32, #tpu.memory_space<vmem>> -> memref<1x128xf32, #tpu.memory_space<vmem>>
    %dma_start3A_760 = tpu.memref_squeeze %dma_start3A_759 : memref<1x128xf32, #tpu.memory_space<vmem>> -> memref<128xf32, #tpu.memory_space<vmem>>
    %dma_start3A_761 = arith.constant 0 : i32
    %dma_start3A_762 = tpu.memref_slice %arg10[%dma_start3A_756, %dma_start3A_761] : memref<5x128xi32, #tpu.memory_space<vmem>> -> memref<1x128xi32, #tpu.memory_space<vmem>>
    %dma_start3A_763 = tpu.memref_squeeze %dma_start3A_762 : memref<1x128xi32, #tpu.memory_space<vmem>> -> memref<128xi32, #tpu.memory_space<vmem>>
    %dma_start3A_764 = arith.constant 0 : i32
    %dma_start3A_765 = tpu.memref_slice %arg4[%dma_start3A_764] : memref<20480xf32, #tpu.memory_space<hbm>> -> memref<20480xf32, #tpu.memory_space<hbm>>
    tpu.enqueue_indirect_dma source(%dma_start3A_765 : memref<20480xf32, #tpu.memory_space<hbm>>) target(%dma_start3A_760 : memref<128xf32, #tpu.memory_space<vmem>>) offsets(%dma_start3A_763 : memref<128xi32, #tpu.memory_space<vmem>>) semaphore(%arg14 : memref<!tpu.dma_semaphore, #tpu.memory_space<semaphore_mem>>)
    %dma_wait3A_766 = arith.constant 3 : i32
    %dma_wait3A_767 = arith.constant 3 : i32
    %dma_wait3A_768 = arith.constant 0 : i32
    %dma_wait3A_769 = tpu.memref_slice %arg12[%dma_wait3A_767, %dma_wait3A_768] : memref<5x128xf32, #tpu.memory_space<vmem>> -> memref<1x128xf32, #tpu.memory_space<vmem>>
    %dma_wait3A_770 = tpu.memref_squeeze %dma_wait3A_769 : memref<1x128xf32, #tpu.memory_space<vmem>> -> memref<128xf32, #tpu.memory_space<vmem>>
    %dma_wait3A_771 = arith.constant 0 : i32
    %dma_wait3A_772 = tpu.memref_slice %arg10[%dma_wait3A_766, %dma_wait3A_771] : memref<5x128xi32, #tpu.memory_space<vmem>> -> memref<1x128xi32, #tpu.memory_space<vmem>>
    %dma_wait3A_773 = tpu.memref_squeeze %dma_wait3A_772 : memref<1x128xi32, #tpu.memory_space<vmem>> -> memref<128xi32, #tpu.memory_space<vmem>>
    %dma_wait3A_774 = arith.constant 0 : i32
    %dma_wait3A_775 = tpu.memref_slice %arg4[%dma_wait3A_774] : memref<20480xf32, #tpu.memory_space<hbm>> -> memref<20480xf32, #tpu.memory_space<hbm>>
    tpu.wait_indirect_dma semaphore(%arg14 : memref<!tpu.dma_semaphore, #tpu.memory_space<semaphore_mem>>) src(%dma_wait3A_775 : memref<20480xf32, #tpu.memory_space<hbm>>) dst(%dma_wait3A_770 : memref<128xf32, #tpu.memory_space<vmem>>)
    %dma_start3A_776 = arith.constant 3 : i32
    %dma_start3A_777 = arith.constant 3 : i32
    %dma_start3A_778 = arith.constant 0 : i32
    %dma_start3A_779 = tpu.memref_slice %arg13[%dma_start3A_777, %dma_start3A_778] : memref<5x128xf32, #tpu.memory_space<vmem>> -> memref<1x128xf32, #tpu.memory_space<vmem>>
    %dma_start3A_780 = tpu.memref_squeeze %dma_start3A_779 : memref<1x128xf32, #tpu.memory_space<vmem>> -> memref<128xf32, #tpu.memory_space<vmem>>
    %dma_start3A_781 = arith.constant 0 : i32
    %dma_start3A_782 = tpu.memref_slice %arg10[%dma_start3A_776, %dma_start3A_781] : memref<5x128xi32, #tpu.memory_space<vmem>> -> memref<1x128xi32, #tpu.memory_space<vmem>>
    %dma_start3A_783 = tpu.memref_squeeze %dma_start3A_782 : memref<1x128xi32, #tpu.memory_space<vmem>> -> memref<128xi32, #tpu.memory_space<vmem>>
    %dma_start3A_784 = arith.constant 0 : i32
    %dma_start3A_785 = tpu.memref_slice %arg5[%dma_start3A_784] : memref<20480xf32, #tpu.memory_space<hbm>> -> memref<20480xf32, #tpu.memory_space<hbm>>
    tpu.enqueue_indirect_dma source(%dma_start3A_785 : memref<20480xf32, #tpu.memory_space<hbm>>) target(%dma_start3A_780 : memref<128xf32, #tpu.memory_space<vmem>>) offsets(%dma_start3A_783 : memref<128xi32, #tpu.memory_space<vmem>>) semaphore(%arg14 : memref<!tpu.dma_semaphore, #tpu.memory_space<semaphore_mem>>)
    %dma_wait3A_786 = arith.constant 3 : i32
    %dma_wait3A_787 = arith.constant 3 : i32
    %dma_wait3A_788 = arith.constant 0 : i32
    %dma_wait3A_789 = tpu.memref_slice %arg13[%dma_wait3A_787, %dma_wait3A_788] : memref<5x128xf32, #tpu.memory_space<vmem>> -> memref<1x128xf32, #tpu.memory_space<vmem>>
    %dma_wait3A_790 = tpu.memref_squeeze %dma_wait3A_789 : memref<1x128xf32, #tpu.memory_space<vmem>> -> memref<128xf32, #tpu.memory_space<vmem>>
    %dma_wait3A_791 = arith.constant 0 : i32
    %dma_wait3A_792 = tpu.memref_slice %arg10[%dma_wait3A_786, %dma_wait3A_791] : memref<5x128xi32, #tpu.memory_space<vmem>> -> memref<1x128xi32, #tpu.memory_space<vmem>>
    %dma_wait3A_793 = tpu.memref_squeeze %dma_wait3A_792 : memref<1x128xi32, #tpu.memory_space<vmem>> -> memref<128xi32, #tpu.memory_space<vmem>>
    %dma_wait3A_794 = arith.constant 0 : i32
    %dma_wait3A_795 = tpu.memref_slice %arg5[%dma_wait3A_794] : memref<20480xf32, #tpu.memory_space<hbm>> -> memref<20480xf32, #tpu.memory_space<hbm>>
    tpu.wait_indirect_dma semaphore(%arg14 : memref<!tpu.dma_semaphore, #tpu.memory_space<semaphore_mem>>) src(%dma_wait3A_795 : memref<20480xf32, #tpu.memory_space<hbm>>) dst(%dma_wait3A_790 : memref<128xf32, #tpu.memory_space<vmem>>)
    %dma_start3A_796 = arith.constant 4 : i32
    %dma_start3A_797 = arith.constant 4 : i32
    %dma_start3A_798 = arith.constant 0 : i32
    %dma_start3A_799 = tpu.memref_slice %arg11[%dma_start3A_797, %dma_start3A_798] : memref<5x128xf32, #tpu.memory_space<vmem>> -> memref<1x128xf32, #tpu.memory_space<vmem>>
    %dma_start3A_800 = tpu.memref_squeeze %dma_start3A_799 : memref<1x128xf32, #tpu.memory_space<vmem>> -> memref<128xf32, #tpu.memory_space<vmem>>
    %dma_start3A_801 = arith.constant 0 : i32
    %dma_start3A_802 = tpu.memref_slice %arg10[%dma_start3A_796, %dma_start3A_801] : memref<5x128xi32, #tpu.memory_space<vmem>> -> memref<1x128xi32, #tpu.memory_space<vmem>>
    %dma_start3A_803 = tpu.memref_squeeze %dma_start3A_802 : memref<1x128xi32, #tpu.memory_space<vmem>> -> memref<128xi32, #tpu.memory_space<vmem>>
    %dma_start3A_804 = arith.constant 0 : i32
    %dma_start3A_805 = tpu.memref_slice %arg3[%dma_start3A_804] : memref<20480xf32, #tpu.memory_space<hbm>> -> memref<20480xf32, #tpu.memory_space<hbm>>
    tpu.enqueue_indirect_dma source(%dma_start3A_805 : memref<20480xf32, #tpu.memory_space<hbm>>) target(%dma_start3A_800 : memref<128xf32, #tpu.memory_space<vmem>>) offsets(%dma_start3A_803 : memref<128xi32, #tpu.memory_space<vmem>>) semaphore(%arg14 : memref<!tpu.dma_semaphore, #tpu.memory_space<semaphore_mem>>)
    %dma_wait3A_806 = arith.constant 4 : i32
    %dma_wait3A_807 = arith.constant 4 : i32
    %dma_wait3A_808 = arith.constant 0 : i32
    %dma_wait3A_809 = tpu.memref_slice %arg11[%dma_wait3A_807, %dma_wait3A_808] : memref<5x128xf32, #tpu.memory_space<vmem>> -> memref<1x128xf32, #tpu.memory_space<vmem>>
    %dma_wait3A_810 = tpu.memref_squeeze %dma_wait3A_809 : memref<1x128xf32, #tpu.memory_space<vmem>> -> memref<128xf32, #tpu.memory_space<vmem>>
    %dma_wait3A_811 = arith.constant 0 : i32
    %dma_wait3A_812 = tpu.memref_slice %arg10[%dma_wait3A_806, %dma_wait3A_811] : memref<5x128xi32, #tpu.memory_space<vmem>> -> memref<1x128xi32, #tpu.memory_space<vmem>>
    %dma_wait3A_813 = tpu.memref_squeeze %dma_wait3A_812 : memref<1x128xi32, #tpu.memory_space<vmem>> -> memref<128xi32, #tpu.memory_space<vmem>>
    %dma_wait3A_814 = arith.constant 0 : i32
    %dma_wait3A_815 = tpu.memref_slice %arg3[%dma_wait3A_814] : memref<20480xf32, #tpu.memory_space<hbm>> -> memref<20480xf32, #tpu.memory_space<hbm>>
    tpu.wait_indirect_dma semaphore(%arg14 : memref<!tpu.dma_semaphore, #tpu.memory_space<semaphore_mem>>) src(%dma_wait3A_815 : memref<20480xf32, #tpu.memory_space<hbm>>) dst(%dma_wait3A_810 : memref<128xf32, #tpu.memory_space<vmem>>)
    %dma_start3A_816 = arith.constant 4 : i32
    %dma_start3A_817 = arith.constant 4 : i32
    %dma_start3A_818 = arith.constant 0 : i32
    %dma_start3A_819 = tpu.memref_slice %arg12[%dma_start3A_817, %dma_start3A_818] : memref<5x128xf32, #tpu.memory_space<vmem>> -> memref<1x128xf32, #tpu.memory_space<vmem>>
    %dma_start3A_820 = tpu.memref_squeeze %dma_start3A_819 : memref<1x128xf32, #tpu.memory_space<vmem>> -> memref<128xf32, #tpu.memory_space<vmem>>
    %dma_start3A_821 = arith.constant 0 : i32
    %dma_start3A_822 = tpu.memref_slice %arg10[%dma_start3A_816, %dma_start3A_821] : memref<5x128xi32, #tpu.memory_space<vmem>> -> memref<1x128xi32, #tpu.memory_space<vmem>>
    %dma_start3A_823 = tpu.memref_squeeze %dma_start3A_822 : memref<1x128xi32, #tpu.memory_space<vmem>> -> memref<128xi32, #tpu.memory_space<vmem>>
    %dma_start3A_824 = arith.constant 0 : i32
    %dma_start3A_825 = tpu.memref_slice %arg4[%dma_start3A_824] : memref<20480xf32, #tpu.memory_space<hbm>> -> memref<20480xf32, #tpu.memory_space<hbm>>
    tpu.enqueue_indirect_dma source(%dma_start3A_825 : memref<20480xf32, #tpu.memory_space<hbm>>) target(%dma_start3A_820 : memref<128xf32, #tpu.memory_space<vmem>>) offsets(%dma_start3A_823 : memref<128xi32, #tpu.memory_space<vmem>>) semaphore(%arg14 : memref<!tpu.dma_semaphore, #tpu.memory_space<semaphore_mem>>)
    %dma_wait3A_826 = arith.constant 4 : i32
    %dma_wait3A_827 = arith.constant 4 : i32
    %dma_wait3A_828 = arith.constant 0 : i32
    %dma_wait3A_829 = tpu.memref_slice %arg12[%dma_wait3A_827, %dma_wait3A_828] : memref<5x128xf32, #tpu.memory_space<vmem>> -> memref<1x128xf32, #tpu.memory_space<vmem>>
    %dma_wait3A_830 = tpu.memref_squeeze %dma_wait3A_829 : memref<1x128xf32, #tpu.memory_space<vmem>> -> memref<128xf32, #tpu.memory_space<vmem>>
    %dma_wait3A_831 = arith.constant 0 : i32
    %dma_wait3A_832 = tpu.memref_slice %arg10[%dma_wait3A_826, %dma_wait3A_831] : memref<5x128xi32, #tpu.memory_space<vmem>> -> memref<1x128xi32, #tpu.memory_space<vmem>>
    %dma_wait3A_833 = tpu.memref_squeeze %dma_wait3A_832 : memref<1x128xi32, #tpu.memory_space<vmem>> -> memref<128xi32, #tpu.memory_space<vmem>>
    %dma_wait3A_834 = arith.constant 0 : i32
    %dma_wait3A_835 = tpu.memref_slice %arg4[%dma_wait3A_834] : memref<20480xf32, #tpu.memory_space<hbm>> -> memref<20480xf32, #tpu.memory_space<hbm>>
    tpu.wait_indirect_dma semaphore(%arg14 : memref<!tpu.dma_semaphore, #tpu.memory_space<semaphore_mem>>) src(%dma_wait3A_835 : memref<20480xf32, #tpu.memory_space<hbm>>) dst(%dma_wait3A_830 : memref<128xf32, #tpu.memory_space<vmem>>)
    %dma_start3A_836 = arith.constant 4 : i32
    %dma_start3A_837 = arith.constant 4 : i32
    %dma_start3A_838 = arith.constant 0 : i32
    %dma_start3A_839 = tpu.memref_slice %arg13[%dma_start3A_837, %dma_start3A_838] : memref<5x128xf32, #tpu.memory_space<vmem>> -> memref<1x128xf32, #tpu.memory_space<vmem>>
    %dma_start3A_840 = tpu.memref_squeeze %dma_start3A_839 : memref<1x128xf32, #tpu.memory_space<vmem>> -> memref<128xf32, #tpu.memory_space<vmem>>
    %dma_start3A_841 = arith.constant 0 : i32
    %dma_start3A_842 = tpu.memref_slice %arg10[%dma_start3A_836, %dma_start3A_841] : memref<5x128xi32, #tpu.memory_space<vmem>> -> memref<1x128xi32, #tpu.memory_space<vmem>>
    %dma_start3A_843 = tpu.memref_squeeze %dma_start3A_842 : memref<1x128xi32, #tpu.memory_space<vmem>> -> memref<128xi32, #tpu.memory_space<vmem>>
    %dma_start3A_844 = arith.constant 0 : i32
    %dma_start3A_845 = tpu.memref_slice %arg5[%dma_start3A_844] : memref<20480xf32, #tpu.memory_space<hbm>> -> memref<20480xf32, #tpu.memory_space<hbm>>
    tpu.enqueue_indirect_dma source(%dma_start3A_845 : memref<20480xf32, #tpu.memory_space<hbm>>) target(%dma_start3A_840 : memref<128xf32, #tpu.memory_space<vmem>>) offsets(%dma_start3A_843 : memref<128xi32, #tpu.memory_space<vmem>>) semaphore(%arg14 : memref<!tpu.dma_semaphore, #tpu.memory_space<semaphore_mem>>)
    %dma_wait3A_846 = arith.constant 4 : i32
    %dma_wait3A_847 = arith.constant 4 : i32
    %dma_wait3A_848 = arith.constant 0 : i32
    %dma_wait3A_849 = tpu.memref_slice %arg13[%dma_wait3A_847, %dma_wait3A_848] : memref<5x128xf32, #tpu.memory_space<vmem>> -> memref<1x128xf32, #tpu.memory_space<vmem>>
    %dma_wait3A_850 = tpu.memref_squeeze %dma_wait3A_849 : memref<1x128xf32, #tpu.memory_space<vmem>> -> memref<128xf32, #tpu.memory_space<vmem>>
    %dma_wait3A_851 = arith.constant 0 : i32
    %dma_wait3A_852 = tpu.memref_slice %arg10[%dma_wait3A_846, %dma_wait3A_851] : memref<5x128xi32, #tpu.memory_space<vmem>> -> memref<1x128xi32, #tpu.memory_space<vmem>>
    %dma_wait3A_853 = tpu.memref_squeeze %dma_wait3A_852 : memref<1x128xi32, #tpu.memory_space<vmem>> -> memref<128xi32, #tpu.memory_space<vmem>>
    %dma_wait3A_854 = arith.constant 0 : i32
    %dma_wait3A_855 = tpu.memref_slice %arg5[%dma_wait3A_854] : memref<20480xf32, #tpu.memory_space<hbm>> -> memref<20480xf32, #tpu.memory_space<hbm>>
    tpu.wait_indirect_dma semaphore(%arg14 : memref<!tpu.dma_semaphore, #tpu.memory_space<semaphore_mem>>) src(%dma_wait3A_855 : memref<20480xf32, #tpu.memory_space<hbm>>) dst(%dma_wait3A_850 : memref<128xf32, #tpu.memory_space<vmem>>)
    %broadcast_in_dim3A = arith.constant 0.000000e+00 : f32
    %broadcast_in_dim3A_856 = vector.broadcast %broadcast_in_dim3A : f32 to vector<16xf32>
    %get3A_857 = arith.constant 0 : i32
    %get3A_858 = arith.index_cast %get3A_857 : i32 to index
    %get3A_859 = arith.constant 0 : index
    %get3A_860 = tpu.vector_load %arg9[%get3A_858, %get3A_859] {strides = array<i32>} : memref<5x128xi32, #tpu.memory_space<vmem>>, vector<1x16xi32>,
    %get3A_861 = vector.shape_cast %get3A_860 : vector<1x16xi32> to vector<16xi32>
    %lt3A = arith.constant 0 : i32
    %lt3A_862 = vector.broadcast %lt3A : i32 to vector<16xi32>
    %lt3A_863 = arith.cmpi slt, %get3A_861, %lt3A_862 : vector<16xi32>
    %get3A_864 = arith.constant 0 : i32
    %get3A_865 = arith.index_cast %get3A_864 : i32 to index
    %get3A_866 = arith.constant 0 : index
    %get3A_867 = tpu.vector_load %arg11[%get3A_865, %get3A_866] {strides = array<i32>} : memref<5x128xf32, #tpu.memory_space<vmem>>, vector<1x16xf32>,
    %get3A_868 = vector.shape_cast %get3A_867 : vector<1x16xf32> to vector<16xf32>
    %select_n3A = arith.select %lt3A_863, %broadcast_in_dim3A_856, %get3A_868 : vector<16xi1>, vector<16xf32>
    %swap3A_869 = arith.constant 0 : i32
    %swap3A_870 = arith.index_cast %swap3A_869 : i32 to index
    %swap3A_871 = arith.constant 0 : index
    %swap3A_872 = tpu.vector_load %arg11[%swap3A_870, %swap3A_871] {strides = array<i32>} : memref<5x128xf32, #tpu.memory_space<vmem>>, vector<1x16xf32>,
    %swap3A_873 = vector.shape_cast %swap3A_872 : vector<1x16xf32> to vector<16xf32>
    %swap3A_874 = vector.shape_cast %select_n3A : vector<16xf32> to vector<1x16xf32>
    tpu.vector_store %arg11[%swap3A_870, %swap3A_871], %swap3A_874 {strides = array<i32>} : memref<5x128xf32, #tpu.memory_space<vmem>>, vector<1x16xf32>,
    %get3A_875 = arith.constant 0 : i32
    %get3A_876 = arith.index_cast %get3A_875 : i32 to index
    %get3A_877 = arith.constant 0 : index
    %get3A_878 = tpu.vector_load %arg12[%get3A_876, %get3A_877] {strides = array<i32>} : memref<5x128xf32, #tpu.memory_space<vmem>>, vector<1x16xf32>,
    %get3A_879 = vector.shape_cast %get3A_878 : vector<1x16xf32> to vector<16xf32>
    %select_n3A_880 = arith.select %lt3A_863, %broadcast_in_dim3A_856, %get3A_879 : vector<16xi1>, vector<16xf32>
    %swap3A_881 = arith.constant 0 : i32
    %swap3A_882 = arith.index_cast %swap3A_881 : i32 to index
    %swap3A_883 = arith.constant 0 : index
    %swap3A_884 = tpu.vector_load %arg12[%swap3A_882, %swap3A_883] {strides = array<i32>} : memref<5x128xf32, #tpu.memory_space<vmem>>, vector<1x16xf32>,
    %swap3A_885 = vector.shape_cast %swap3A_884 : vector<1x16xf32> to vector<16xf32>
    %swap3A_886 = vector.shape_cast %select_n3A_880 : vector<16xf32> to vector<1x16xf32>
    tpu.vector_store %arg12[%swap3A_882, %swap3A_883], %swap3A_886 {strides = array<i32>} : memref<5x128xf32, #tpu.memory_space<vmem>>, vector<1x16xf32>,
    %get3A_887 = arith.constant 0 : i32
    %get3A_888 = arith.index_cast %get3A_887 : i32 to index
    %get3A_889 = arith.constant 0 : index
    %get3A_890 = tpu.vector_load %arg13[%get3A_888, %get3A_889] {strides = array<i32>} : memref<5x128xf32, #tpu.memory_space<vmem>>, vector<1x16xf32>,
    %get3A_891 = vector.shape_cast %get3A_890 : vector<1x16xf32> to vector<16xf32>
    %select_n3A_892 = arith.select %lt3A_863, %broadcast_in_dim3A_856, %get3A_891 : vector<16xi1>, vector<16xf32>
    %swap3A_893 = arith.constant 0 : i32
    %swap3A_894 = arith.index_cast %swap3A_893 : i32 to index
    %swap3A_895 = arith.constant 0 : index
    %swap3A_896 = tpu.vector_load %arg13[%swap3A_894, %swap3A_895] {strides = array<i32>} : memref<5x128xf32, #tpu.memory_space<vmem>>, vector<1x16xf32>,
    %swap3A_897 = vector.shape_cast %swap3A_896 : vector<1x16xf32> to vector<16xf32>
    %swap3A_898 = vector.shape_cast %select_n3A_892 : vector<16xf32> to vector<1x16xf32>
    tpu.vector_store %arg13[%swap3A_894, %swap3A_895], %swap3A_898 {strides = array<i32>} : memref<5x128xf32, #tpu.memory_space<vmem>>, vector<1x16xf32>,
    %get3A_899 = arith.constant 0 : i32
    %get3A_900 = arith.index_cast %get3A_899 : i32 to index
    %get3A_901 = arith.constant 16 : index
    %get3A_902 = tpu.vector_load %arg9[%get3A_900, %get3A_901] {strides = array<i32>} : memref<5x128xi32, #tpu.memory_space<vmem>>, vector<1x16xi32>,
    %get3A_903 = vector.shape_cast %get3A_902 : vector<1x16xi32> to vector<16xi32>
    %lt3A_904 = arith.constant 0 : i32
    %lt3A_905 = vector.broadcast %lt3A_904 : i32 to vector<16xi32>
    %lt3A_906 = arith.cmpi slt, %get3A_903, %lt3A_905 : vector<16xi32>
    %get3A_907 = arith.constant 0 : i32
    %get3A_908 = arith.index_cast %get3A_907 : i32 to index
    %get3A_909 = arith.constant 16 : index
    %get3A_910 = tpu.vector_load %arg11[%get3A_908, %get3A_909] {strides = array<i32>} : memref<5x128xf32, #tpu.memory_space<vmem>>, vector<1x16xf32>,
    %get3A_911 = vector.shape_cast %get3A_910 : vector<1x16xf32> to vector<16xf32>
    %select_n3A_912 = arith.select %lt3A_906, %broadcast_in_dim3A_856, %get3A_911 : vector<16xi1>, vector<16xf32>
    %swap3A_913 = arith.constant 0 : i32
    %swap3A_914 = arith.index_cast %swap3A_913 : i32 to index
    %swap3A_915 = arith.constant 16 : index
    %swap3A_916 = tpu.vector_load %arg11[%swap3A_914, %swap3A_915] {strides = array<i32>} : memref<5x128xf32, #tpu.memory_space<vmem>>, vector<1x16xf32>,
    %swap3A_917 = vector.shape_cast %swap3A_916 : vector<1x16xf32> to vector<16xf32>
    %swap3A_918 = vector.shape_cast %select_n3A_912 : vector<16xf32> to vector<1x16xf32>
    tpu.vector_store %arg11[%swap3A_914, %swap3A_915], %swap3A_918 {strides = array<i32>} : memref<5x128xf32, #tpu.memory_space<vmem>>, vector<1x16xf32>,
    %get3A_919 = arith.constant 0 : i32
    %get3A_920 = arith.index_cast %get3A_919 : i32 to index
    %get3A_921 = arith.constant 16 : index
    %get3A_922 = tpu.vector_load %arg12[%get3A_920, %get3A_921] {strides = array<i32>} : memref<5x128xf32, #tpu.memory_space<vmem>>, vector<1x16xf32>,
    %get3A_923 = vector.shape_cast %get3A_922 : vector<1x16xf32> to vector<16xf32>
    %select_n3A_924 = arith.select %lt3A_906, %broadcast_in_dim3A_856, %get3A_923 : vector<16xi1>, vector<16xf32>
    %swap3A_925 = arith.constant 0 : i32
    %swap3A_926 = arith.index_cast %swap3A_925 : i32 to index
    %swap3A_927 = arith.constant 16 : index
    %swap3A_928 = tpu.vector_load %arg12[%swap3A_926, %swap3A_927] {strides = array<i32>} : memref<5x128xf32, #tpu.memory_space<vmem>>, vector<1x16xf32>,
    %swap3A_929 = vector.shape_cast %swap3A_928 : vector<1x16xf32> to vector<16xf32>
    %swap3A_930 = vector.shape_cast %select_n3A_924 : vector<16xf32> to vector<1x16xf32>
    tpu.vector_store %arg12[%swap3A_926, %swap3A_927], %swap3A_930 {strides = array<i32>} : memref<5x128xf32, #tpu.memory_space<vmem>>, vector<1x16xf32>,
    %get3A_931 = arith.constant 0 : i32
    %get3A_932 = arith.index_cast %get3A_931 : i32 to index
    %get3A_933 = arith.constant 16 : index
    %get3A_934 = tpu.vector_load %arg13[%get3A_932, %get3A_933] {strides = array<i32>} : memref<5x128xf32, #tpu.memory_space<vmem>>, vector<1x16xf32>,
    %get3A_935 = vector.shape_cast %get3A_934 : vector<1x16xf32> to vector<16xf32>
    %select_n3A_936 = arith.select %lt3A_906, %broadcast_in_dim3A_856, %get3A_935 : vector<16xi1>, vector<16xf32>
    %swap3A_937 = arith.constant 0 : i32
    %swap3A_938 = arith.index_cast %swap3A_937 : i32 to index
    %swap3A_939 = arith.constant 16 : index
    %swap3A_940 = tpu.vector_load %arg13[%swap3A_938, %swap3A_939] {strides = array<i32>} : memref<5x128xf32, #tpu.memory_space<vmem>>, vector<1x16xf32>,
    %swap3A_941 = vector.shape_cast %swap3A_940 : vector<1x16xf32> to vector<16xf32>
    %swap3A_942 = vector.shape_cast %select_n3A_936 : vector<16xf32> to vector<1x16xf32>
    tpu.vector_store %arg13[%swap3A_938, %swap3A_939], %swap3A_942 {strides = array<i32>} : memref<5x128xf32, #tpu.memory_space<vmem>>, vector<1x16xf32>,
    %get3A_943 = arith.constant 0 : i32
    %get3A_944 = arith.index_cast %get3A_943 : i32 to index
    %get3A_945 = arith.constant 32 : index
    %get3A_946 = tpu.vector_load %arg9[%get3A_944, %get3A_945] {strides = array<i32>} : memref<5x128xi32, #tpu.memory_space<vmem>>, vector<1x16xi32>,
    %get3A_947 = vector.shape_cast %get3A_946 : vector<1x16xi32> to vector<16xi32>
    %lt3A_948 = arith.constant 0 : i32
    %lt3A_949 = vector.broadcast %lt3A_948 : i32 to vector<16xi32>
    %lt3A_950 = arith.cmpi slt, %get3A_947, %lt3A_949 : vector<16xi32>
    %get3A_951 = arith.constant 0 : i32
    %get3A_952 = arith.index_cast %get3A_951 : i32 to index
    %get3A_953 = arith.constant 32 : index
    %get3A_954 = tpu.vector_load %arg11[%get3A_952, %get3A_953] {strides = array<i32>} : memref<5x128xf32, #tpu.memory_space<vmem>>, vector<1x16xf32>,
    %get3A_955 = vector.shape_cast %get3A_954 : vector<1x16xf32> to vector<16xf32>
    %select_n3A_956 = arith.select %lt3A_950, %broadcast_in_dim3A_856, %get3A_955 : vector<16xi1>, vector<16xf32>
    %swap3A_957 = arith.constant 0 : i32
    %swap3A_958 = arith.index_cast %swap3A_957 : i32 to index
    %swap3A_959 = arith.constant 32 : index
    %swap3A_960 = tpu.vector_load %arg11[%swap3A_958, %swap3A_959] {strides = array<i32>} : memref<5x128xf32, #tpu.memory_space<vmem>>, vector<1x16xf32>,
    %swap3A_961 = vector.shape_cast %swap3A_960 : vector<1x16xf32> to vector<16xf32>
    %swap3A_962 = vector.shape_cast %select_n3A_956 : vector<16xf32> to vector<1x16xf32>
    tpu.vector_store %arg11[%swap3A_958, %swap3A_959], %swap3A_962 {strides = array<i32>} : memref<5x128xf32, #tpu.memory_space<vmem>>, vector<1x16xf32>,
    %get3A_963 = arith.constant 0 : i32
    %get3A_964 = arith.index_cast %get3A_963 : i32 to index
    %get3A_965 = arith.constant 32 : index
    %get3A_966 = tpu.vector_load %arg12[%get3A_964, %get3A_965] {strides = array<i32>} : memref<5x128xf32, #tpu.memory_space<vmem>>, vector<1x16xf32>,
    %get3A_967 = vector.shape_cast %get3A_966 : vector<1x16xf32> to vector<16xf32>
    %select_n3A_968 = arith.select %lt3A_950, %broadcast_in_dim3A_856, %get3A_967 : vector<16xi1>, vector<16xf32>
    %swap3A_969 = arith.constant 0 : i32
    %swap3A_970 = arith.index_cast %swap3A_969 : i32 to index
    %swap3A_971 = arith.constant 32 : index
    %swap3A_972 = tpu.vector_load %arg12[%swap3A_970, %swap3A_971] {strides = array<i32>} : memref<5x128xf32, #tpu.memory_space<vmem>>, vector<1x16xf32>,
    %swap3A_973 = vector.shape_cast %swap3A_972 : vector<1x16xf32> to vector<16xf32>
    %swap3A_974 = vector.shape_cast %select_n3A_968 : vector<16xf32> to vector<1x16xf32>
    tpu.vector_store %arg12[%swap3A_970, %swap3A_971], %swap3A_974 {strides = array<i32>} : memref<5x128xf32, #tpu.memory_space<vmem>>, vector<1x16xf32>,
    %get3A_975 = arith.constant 0 : i32
    %get3A_976 = arith.index_cast %get3A_975 : i32 to index
    %get3A_977 = arith.constant 32 : index
    %get3A_978 = tpu.vector_load %arg13[%get3A_976, %get3A_977] {strides = array<i32>} : memref<5x128xf32, #tpu.memory_space<vmem>>, vector<1x16xf32>,
    %get3A_979 = vector.shape_cast %get3A_978 : vector<1x16xf32> to vector<16xf32>
    %select_n3A_980 = arith.select %lt3A_950, %broadcast_in_dim3A_856, %get3A_979 : vector<16xi1>, vector<16xf32>
    %swap3A_981 = arith.constant 0 : i32
    %swap3A_982 = arith.index_cast %swap3A_981 : i32 to index
    %swap3A_983 = arith.constant 32 : index
    %swap3A_984 = tpu.vector_load %arg13[%swap3A_982, %swap3A_983] {strides = array<i32>} : memref<5x128xf32, #tpu.memory_space<vmem>>, vector<1x16xf32>,
    %swap3A_985 = vector.shape_cast %swap3A_984 : vector<1x16xf32> to vector<16xf32>
    %swap3A_986 = vector.shape_cast %select_n3A_980 : vector<16xf32> to vector<1x16xf32>
    tpu.vector_store %arg13[%swap3A_982, %swap3A_983], %swap3A_986 {strides = array<i32>} : memref<5x128xf32, #tpu.memory_space<vmem>>, vector<1x16xf32>,
    %get3A_987 = arith.constant 0 : i32
    %get3A_988 = arith.index_cast %get3A_987 : i32 to index
    %get3A_989 = arith.constant 48 : index
    %get3A_990 = tpu.vector_load %arg9[%get3A_988, %get3A_989] {strides = array<i32>} : memref<5x128xi32, #tpu.memory_space<vmem>>, vector<1x16xi32>,
    %get3A_991 = vector.shape_cast %get3A_990 : vector<1x16xi32> to vector<16xi32>
    %lt3A_992 = arith.constant 0 : i32
    %lt3A_993 = vector.broadcast %lt3A_992 : i32 to vector<16xi32>
    %lt3A_994 = arith.cmpi slt, %get3A_991, %lt3A_993 : vector<16xi32>
    %get3A_995 = arith.constant 0 : i32
    %get3A_996 = arith.index_cast %get3A_995 : i32 to index
    %get3A_997 = arith.constant 48 : index
    %get3A_998 = tpu.vector_load %arg11[%get3A_996, %get3A_997] {strides = array<i32>} : memref<5x128xf32, #tpu.memory_space<vmem>>, vector<1x16xf32>,
    %get3A_999 = vector.shape_cast %get3A_998 : vector<1x16xf32> to vector<16xf32>
    %select_n3A_1000 = arith.select %lt3A_994, %broadcast_in_dim3A_856, %get3A_999 : vector<16xi1>, vector<16xf32>
    %swap3A_1001 = arith.constant 0 : i32
    %swap3A_1002 = arith.index_cast %swap3A_1001 : i32 to index
    %swap3A_1003 = arith.constant 48 : index
    %swap3A_1004 = tpu.vector_load %arg11[%swap3A_1002, %swap3A_1003] {strides = array<i32>} : memref<5x128xf32, #tpu.memory_space<vmem>>, vector<1x16xf32>,
    %swap3A_1005 = vector.shape_cast %swap3A_1004 : vector<1x16xf32> to vector<16xf32>
    %swap3A_1006 = vector.shape_cast %select_n3A_1000 : vector<16xf32> to vector<1x16xf32>
    tpu.vector_store %arg11[%swap3A_1002, %swap3A_1003], %swap3A_1006 {strides = array<i32>} : memref<5x128xf32, #tpu.memory_space<vmem>>, vector<1x16xf32>,
    %get3A_1007 = arith.constant 0 : i32
    %get3A_1008 = arith.index_cast %get3A_1007 : i32 to index
    %get3A_1009 = arith.constant 48 : index
    %get3A_1010 = tpu.vector_load %arg12[%get3A_1008, %get3A_1009] {strides = array<i32>} : memref<5x128xf32, #tpu.memory_space<vmem>>, vector<1x16xf32>,
    %get3A_1011 = vector.shape_cast %get3A_1010 : vector<1x16xf32> to vector<16xf32>
    %select_n3A_1012 = arith.select %lt3A_994, %broadcast_in_dim3A_856, %get3A_1011 : vector<16xi1>, vector<16xf32>
    %swap3A_1013 = arith.constant 0 : i32
    %swap3A_1014 = arith.index_cast %swap3A_1013 : i32 to index
    %swap3A_1015 = arith.constant 48 : index
    %swap3A_1016 = tpu.vector_load %arg12[%swap3A_1014, %swap3A_1015] {strides = array<i32>} : memref<5x128xf32, #tpu.memory_space<vmem>>, vector<1x16xf32>,
    %swap3A_1017 = vector.shape_cast %swap3A_1016 : vector<1x16xf32> to vector<16xf32>
    %swap3A_1018 = vector.shape_cast %select_n3A_1012 : vector<16xf32> to vector<1x16xf32>
    tpu.vector_store %arg12[%swap3A_1014, %swap3A_1015], %swap3A_1018 {strides = array<i32>} : memref<5x128xf32, #tpu.memory_space<vmem>>, vector<1x16xf32>,
    %get3A_1019 = arith.constant 0 : i32
    %get3A_1020 = arith.index_cast %get3A_1019 : i32 to index
    %get3A_1021 = arith.constant 48 : index
    %get3A_1022 = tpu.vector_load %arg13[%get3A_1020, %get3A_1021] {strides = array<i32>} : memref<5x128xf32, #tpu.memory_space<vmem>>, vector<1x16xf32>,
    %get3A_1023 = vector.shape_cast %get3A_1022 : vector<1x16xf32> to vector<16xf32>
    %select_n3A_1024 = arith.select %lt3A_994, %broadcast_in_dim3A_856, %get3A_1023 : vector<16xi1>, vector<16xf32>
    %swap3A_1025 = arith.constant 0 : i32
    %swap3A_1026 = arith.index_cast %swap3A_1025 : i32 to index
    %swap3A_1027 = arith.constant 48 : index
    %swap3A_1028 = tpu.vector_load %arg13[%swap3A_1026, %swap3A_1027] {strides = array<i32>} : memref<5x128xf32, #tpu.memory_space<vmem>>, vector<1x16xf32>,
    %swap3A_1029 = vector.shape_cast %swap3A_1028 : vector<1x16xf32> to vector<16xf32>
    %swap3A_1030 = vector.shape_cast %select_n3A_1024 : vector<16xf32> to vector<1x16xf32>
    tpu.vector_store %arg13[%swap3A_1026, %swap3A_1027], %swap3A_1030 {strides = array<i32>} : memref<5x128xf32, #tpu.memory_space<vmem>>, vector<1x16xf32>,
    %get3A_1031 = arith.constant 0 : i32
    %get3A_1032 = arith.index_cast %get3A_1031 : i32 to index
    %get3A_1033 = arith.constant 64 : index
    %get3A_1034 = tpu.vector_load %arg9[%get3A_1032, %get3A_1033] {strides = array<i32>} : memref<5x128xi32, #tpu.memory_space<vmem>>, vector<1x16xi32>,
    %get3A_1035 = vector.shape_cast %get3A_1034 : vector<1x16xi32> to vector<16xi32>
    %lt3A_1036 = arith.constant 0 : i32
    %lt3A_1037 = vector.broadcast %lt3A_1036 : i32 to vector<16xi32>
    %lt3A_1038 = arith.cmpi slt, %get3A_1035, %lt3A_1037 : vector<16xi32>
    %get3A_1039 = arith.constant 0 : i32
    %get3A_1040 = arith.index_cast %get3A_1039 : i32 to index
    %get3A_1041 = arith.constant 64 : index
    %get3A_1042 = tpu.vector_load %arg11[%get3A_1040, %get3A_1041] {strides = array<i32>} : memref<5x128xf32, #tpu.memory_space<vmem>>, vector<1x16xf32>,
    %get3A_1043 = vector.shape_cast %get3A_1042 : vector<1x16xf32> to vector<16xf32>
    %select_n3A_1044 = arith.select %lt3A_1038, %broadcast_in_dim3A_856, %get3A_1043 : vector<16xi1>, vector<16xf32>
    %swap3A_1045 = arith.constant 0 : i32
    %swap3A_1046 = arith.index_cast %swap3A_1045 : i32 to index
    %swap3A_1047 = arith.constant 64 : index
    %swap3A_1048 = tpu.vector_load %arg11[%swap3A_1046, %swap3A_1047] {strides = array<i32>} : memref<5x128xf32, #tpu.memory_space<vmem>>, vector<1x16xf32>,
    %swap3A_1049 = vector.shape_cast %swap3A_1048 : vector<1x16xf32> to vector<16xf32>
    %swap3A_1050 = vector.shape_cast %select_n3A_1044 : vector<16xf32> to vector<1x16xf32>
    tpu.vector_store %arg11[%swap3A_1046, %swap3A_1047], %swap3A_1050 {strides = array<i32>} : memref<5x128xf32, #tpu.memory_space<vmem>>, vector<1x16xf32>,
    %get3A_1051 = arith.constant 0 : i32
    %get3A_1052 = arith.index_cast %get3A_1051 : i32 to index
    %get3A_1053 = arith.constant 64 : index
    %get3A_1054 = tpu.vector_load %arg12[%get3A_1052, %get3A_1053] {strides = array<i32>} : memref<5x128xf32, #tpu.memory_space<vmem>>, vector<1x16xf32>,
    %get3A_1055 = vector.shape_cast %get3A_1054 : vector<1x16xf32> to vector<16xf32>
    %select_n3A_1056 = arith.select %lt3A_1038, %broadcast_in_dim3A_856, %get3A_1055 : vector<16xi1>, vector<16xf32>
    %swap3A_1057 = arith.constant 0 : i32
    %swap3A_1058 = arith.index_cast %swap3A_1057 : i32 to index
    %swap3A_1059 = arith.constant 64 : index
    %swap3A_1060 = tpu.vector_load %arg12[%swap3A_1058, %swap3A_1059] {strides = array<i32>} : memref<5x128xf32, #tpu.memory_space<vmem>>, vector<1x16xf32>,
    %swap3A_1061 = vector.shape_cast %swap3A_1060 : vector<1x16xf32> to vector<16xf32>
    %swap3A_1062 = vector.shape_cast %select_n3A_1056 : vector<16xf32> to vector<1x16xf32>
    tpu.vector_store %arg12[%swap3A_1058, %swap3A_1059], %swap3A_1062 {strides = array<i32>} : memref<5x128xf32, #tpu.memory_space<vmem>>, vector<1x16xf32>,
    %get3A_1063 = arith.constant 0 : i32
    %get3A_1064 = arith.index_cast %get3A_1063 : i32 to index
    %get3A_1065 = arith.constant 64 : index
    %get3A_1066 = tpu.vector_load %arg13[%get3A_1064, %get3A_1065] {strides = array<i32>} : memref<5x128xf32, #tpu.memory_space<vmem>>, vector<1x16xf32>,
    %get3A_1067 = vector.shape_cast %get3A_1066 : vector<1x16xf32> to vector<16xf32>
    %select_n3A_1068 = arith.select %lt3A_1038, %broadcast_in_dim3A_856, %get3A_1067 : vector<16xi1>, vector<16xf32>
    %swap3A_1069 = arith.constant 0 : i32
    %swap3A_1070 = arith.index_cast %swap3A_1069 : i32 to index
    %swap3A_1071 = arith.constant 64 : index
    %swap3A_1072 = tpu.vector_load %arg13[%swap3A_1070, %swap3A_1071] {strides = array<i32>} : memref<5x128xf32, #tpu.memory_space<vmem>>, vector<1x16xf32>,
    %swap3A_1073 = vector.shape_cast %swap3A_1072 : vector<1x16xf32> to vector<16xf32>
    %swap3A_1074 = vector.shape_cast %select_n3A_1068 : vector<16xf32> to vector<1x16xf32>
    tpu.vector_store %arg13[%swap3A_1070, %swap3A_1071], %swap3A_1074 {strides = array<i32>} : memref<5x128xf32, #tpu.memory_space<vmem>>, vector<1x16xf32>,
    %get3A_1075 = arith.constant 0 : i32
    %get3A_1076 = arith.index_cast %get3A_1075 : i32 to index
    %get3A_1077 = arith.constant 80 : index
    %get3A_1078 = tpu.vector_load %arg9[%get3A_1076, %get3A_1077] {strides = array<i32>} : memref<5x128xi32, #tpu.memory_space<vmem>>, vector<1x16xi32>,
    %get3A_1079 = vector.shape_cast %get3A_1078 : vector<1x16xi32> to vector<16xi32>
    %lt3A_1080 = arith.constant 0 : i32
    %lt3A_1081 = vector.broadcast %lt3A_1080 : i32 to vector<16xi32>
    %lt3A_1082 = arith.cmpi slt, %get3A_1079, %lt3A_1081 : vector<16xi32>
    %get3A_1083 = arith.constant 0 : i32
    %get3A_1084 = arith.index_cast %get3A_1083 : i32 to index
    %get3A_1085 = arith.constant 80 : index
    %get3A_1086 = tpu.vector_load %arg11[%get3A_1084, %get3A_1085] {strides = array<i32>} : memref<5x128xf32, #tpu.memory_space<vmem>>, vector<1x16xf32>,
    %get3A_1087 = vector.shape_cast %get3A_1086 : vector<1x16xf32> to vector<16xf32>
    %select_n3A_1088 = arith.select %lt3A_1082, %broadcast_in_dim3A_856, %get3A_1087 : vector<16xi1>, vector<16xf32>
    %swap3A_1089 = arith.constant 0 : i32
    %swap3A_1090 = arith.index_cast %swap3A_1089 : i32 to index
    %swap3A_1091 = arith.constant 80 : index
    %swap3A_1092 = tpu.vector_load %arg11[%swap3A_1090, %swap3A_1091] {strides = array<i32>} : memref<5x128xf32, #tpu.memory_space<vmem>>, vector<1x16xf32>,
    %swap3A_1093 = vector.shape_cast %swap3A_1092 : vector<1x16xf32> to vector<16xf32>
    %swap3A_1094 = vector.shape_cast %select_n3A_1088 : vector<16xf32> to vector<1x16xf32>
    tpu.vector_store %arg11[%swap3A_1090, %swap3A_1091], %swap3A_1094 {strides = array<i32>} : memref<5x128xf32, #tpu.memory_space<vmem>>, vector<1x16xf32>,
    %get3A_1095 = arith.constant 0 : i32
    %get3A_1096 = arith.index_cast %get3A_1095 : i32 to index
    %get3A_1097 = arith.constant 80 : index
    %get3A_1098 = tpu.vector_load %arg12[%get3A_1096, %get3A_1097] {strides = array<i32>} : memref<5x128xf32, #tpu.memory_space<vmem>>, vector<1x16xf32>,
    %get3A_1099 = vector.shape_cast %get3A_1098 : vector<1x16xf32> to vector<16xf32>
    %select_n3A_1100 = arith.select %lt3A_1082, %broadcast_in_dim3A_856, %get3A_1099 : vector<16xi1>, vector<16xf32>
    %swap3A_1101 = arith.constant 0 : i32
    %swap3A_1102 = arith.index_cast %swap3A_1101 : i32 to index
    %swap3A_1103 = arith.constant 80 : index
    %swap3A_1104 = tpu.vector_load %arg12[%swap3A_1102, %swap3A_1103] {strides = array<i32>} : memref<5x128xf32, #tpu.memory_space<vmem>>, vector<1x16xf32>,
    %swap3A_1105 = vector.shape_cast %swap3A_1104 : vector<1x16xf32> to vector<16xf32>
    %swap3A_1106 = vector.shape_cast %select_n3A_1100 : vector<16xf32> to vector<1x16xf32>
    tpu.vector_store %arg12[%swap3A_1102, %swap3A_1103], %swap3A_1106 {strides = array<i32>} : memref<5x128xf32, #tpu.memory_space<vmem>>, vector<1x16xf32>,
    %get3A_1107 = arith.constant 0 : i32
    %get3A_1108 = arith.index_cast %get3A_1107 : i32 to index
    %get3A_1109 = arith.constant 80 : index
    %get3A_1110 = tpu.vector_load %arg13[%get3A_1108, %get3A_1109] {strides = array<i32>} : memref<5x128xf32, #tpu.memory_space<vmem>>, vector<1x16xf32>,
    %get3A_1111 = vector.shape_cast %get3A_1110 : vector<1x16xf32> to vector<16xf32>
    %select_n3A_1112 = arith.select %lt3A_1082, %broadcast_in_dim3A_856, %get3A_1111 : vector<16xi1>, vector<16xf32>
    %swap3A_1113 = arith.constant 0 : i32
    %swap3A_1114 = arith.index_cast %swap3A_1113 : i32 to index
    %swap3A_1115 = arith.constant 80 : index
    %swap3A_1116 = tpu.vector_load %arg13[%swap3A_1114, %swap3A_1115] {strides = array<i32>} : memref<5x128xf32, #tpu.memory_space<vmem>>, vector<1x16xf32>,
    %swap3A_1117 = vector.shape_cast %swap3A_1116 : vector<1x16xf32> to vector<16xf32>
    %swap3A_1118 = vector.shape_cast %select_n3A_1112 : vector<16xf32> to vector<1x16xf32>
    tpu.vector_store %arg13[%swap3A_1114, %swap3A_1115], %swap3A_1118 {strides = array<i32>} : memref<5x128xf32, #tpu.memory_space<vmem>>, vector<1x16xf32>,
    %get3A_1119 = arith.constant 0 : i32
    %get3A_1120 = arith.index_cast %get3A_1119 : i32 to index
    %get3A_1121 = arith.constant 96 : index
    %get3A_1122 = tpu.vector_load %arg9[%get3A_1120, %get3A_1121] {strides = array<i32>} : memref<5x128xi32, #tpu.memory_space<vmem>>, vector<1x16xi32>,
    %get3A_1123 = vector.shape_cast %get3A_1122 : vector<1x16xi32> to vector<16xi32>
    %lt3A_1124 = arith.constant 0 : i32
    %lt3A_1125 = vector.broadcast %lt3A_1124 : i32 to vector<16xi32>
    %lt3A_1126 = arith.cmpi slt, %get3A_1123, %lt3A_1125 : vector<16xi32>
    %get3A_1127 = arith.constant 0 : i32
    %get3A_1128 = arith.index_cast %get3A_1127 : i32 to index
    %get3A_1129 = arith.constant 96 : index
    %get3A_1130 = tpu.vector_load %arg11[%get3A_1128, %get3A_1129] {strides = array<i32>} : memref<5x128xf32, #tpu.memory_space<vmem>>, vector<1x16xf32>,
    %get3A_1131 = vector.shape_cast %get3A_1130 : vector<1x16xf32> to vector<16xf32>
    %select_n3A_1132 = arith.select %lt3A_1126, %broadcast_in_dim3A_856, %get3A_1131 : vector<16xi1>, vector<16xf32>
    %swap3A_1133 = arith.constant 0 : i32
    %swap3A_1134 = arith.index_cast %swap3A_1133 : i32 to index
    %swap3A_1135 = arith.constant 96 : index
    %swap3A_1136 = tpu.vector_load %arg11[%swap3A_1134, %swap3A_1135] {strides = array<i32>} : memref<5x128xf32, #tpu.memory_space<vmem>>, vector<1x16xf32>,
    %swap3A_1137 = vector.shape_cast %swap3A_1136 : vector<1x16xf32> to vector<16xf32>
    %swap3A_1138 = vector.shape_cast %select_n3A_1132 : vector<16xf32> to vector<1x16xf32>
    tpu.vector_store %arg11[%swap3A_1134, %swap3A_1135], %swap3A_1138 {strides = array<i32>} : memref<5x128xf32, #tpu.memory_space<vmem>>, vector<1x16xf32>,
    %get3A_1139 = arith.constant 0 : i32
    %get3A_1140 = arith.index_cast %get3A_1139 : i32 to index
    %get3A_1141 = arith.constant 96 : index
    %get3A_1142 = tpu.vector_load %arg12[%get3A_1140, %get3A_1141] {strides = array<i32>} : memref<5x128xf32, #tpu.memory_space<vmem>>, vector<1x16xf32>,
    %get3A_1143 = vector.shape_cast %get3A_1142 : vector<1x16xf32> to vector<16xf32>
    %select_n3A_1144 = arith.select %lt3A_1126, %broadcast_in_dim3A_856, %get3A_1143 : vector<16xi1>, vector<16xf32>
    %swap3A_1145 = arith.constant 0 : i32
    %swap3A_1146 = arith.index_cast %swap3A_1145 : i32 to index
    %swap3A_1147 = arith.constant 96 : index
    %swap3A_1148 = tpu.vector_load %arg12[%swap3A_1146, %swap3A_1147] {strides = array<i32>} : memref<5x128xf32, #tpu.memory_space<vmem>>, vector<1x16xf32>,
    %swap3A_1149 = vector.shape_cast %swap3A_1148 : vector<1x16xf32> to vector<16xf32>
    %swap3A_1150 = vector.shape_cast %select_n3A_1144 : vector<16xf32> to vector<1x16xf32>
    tpu.vector_store %arg12[%swap3A_1146, %swap3A_1147], %swap3A_1150 {strides = array<i32>} : memref<5x128xf32, #tpu.memory_space<vmem>>, vector<1x16xf32>,
    %get3A_1151 = arith.constant 0 : i32
    %get3A_1152 = arith.index_cast %get3A_1151 : i32 to index
    %get3A_1153 = arith.constant 96 : index
    %get3A_1154 = tpu.vector_load %arg13[%get3A_1152, %get3A_1153] {strides = array<i32>} : memref<5x128xf32, #tpu.memory_space<vmem>>, vector<1x16xf32>,
    %get3A_1155 = vector.shape_cast %get3A_1154 : vector<1x16xf32> to vector<16xf32>
    %select_n3A_1156 = arith.select %lt3A_1126, %broadcast_in_dim3A_856, %get3A_1155 : vector<16xi1>, vector<16xf32>
    %swap3A_1157 = arith.constant 0 : i32
    %swap3A_1158 = arith.index_cast %swap3A_1157 : i32 to index
    %swap3A_1159 = arith.constant 96 : index
    %swap3A_1160 = tpu.vector_load %arg13[%swap3A_1158, %swap3A_1159] {strides = array<i32>} : memref<5x128xf32, #tpu.memory_space<vmem>>, vector<1x16xf32>,
    %swap3A_1161 = vector.shape_cast %swap3A_1160 : vector<1x16xf32> to vector<16xf32>
    %swap3A_1162 = vector.shape_cast %select_n3A_1156 : vector<16xf32> to vector<1x16xf32>
    tpu.vector_store %arg13[%swap3A_1158, %swap3A_1159], %swap3A_1162 {strides = array<i32>} : memref<5x128xf32, #tpu.memory_space<vmem>>, vector<1x16xf32>,
    %get3A_1163 = arith.constant 0 : i32
    %get3A_1164 = arith.index_cast %get3A_1163 : i32 to index
    %get3A_1165 = arith.constant 112 : index
    %get3A_1166 = tpu.vector_load %arg9[%get3A_1164, %get3A_1165] {strides = array<i32>} : memref<5x128xi32, #tpu.memory_space<vmem>>, vector<1x16xi32>,
    %get3A_1167 = vector.shape_cast %get3A_1166 : vector<1x16xi32> to vector<16xi32>
    %lt3A_1168 = arith.constant 0 : i32
    %lt3A_1169 = vector.broadcast %lt3A_1168 : i32 to vector<16xi32>
    %lt3A_1170 = arith.cmpi slt, %get3A_1167, %lt3A_1169 : vector<16xi32>
    %get3A_1171 = arith.constant 0 : i32
    %get3A_1172 = arith.index_cast %get3A_1171 : i32 to index
    %get3A_1173 = arith.constant 112 : index
    %get3A_1174 = tpu.vector_load %arg11[%get3A_1172, %get3A_1173] {strides = array<i32>} : memref<5x128xf32, #tpu.memory_space<vmem>>, vector<1x16xf32>,
    %get3A_1175 = vector.shape_cast %get3A_1174 : vector<1x16xf32> to vector<16xf32>
    %select_n3A_1176 = arith.select %lt3A_1170, %broadcast_in_dim3A_856, %get3A_1175 : vector<16xi1>, vector<16xf32>
    %swap3A_1177 = arith.constant 0 : i32
    %swap3A_1178 = arith.index_cast %swap3A_1177 : i32 to index
    %swap3A_1179 = arith.constant 112 : index
    %swap3A_1180 = tpu.vector_load %arg11[%swap3A_1178, %swap3A_1179] {strides = array<i32>} : memref<5x128xf32, #tpu.memory_space<vmem>>, vector<1x16xf32>,
    %swap3A_1181 = vector.shape_cast %swap3A_1180 : vector<1x16xf32> to vector<16xf32>
    %swap3A_1182 = vector.shape_cast %select_n3A_1176 : vector<16xf32> to vector<1x16xf32>
    tpu.vector_store %arg11[%swap3A_1178, %swap3A_1179], %swap3A_1182 {strides = array<i32>} : memref<5x128xf32, #tpu.memory_space<vmem>>, vector<1x16xf32>,
    %get3A_1183 = arith.constant 0 : i32
    %get3A_1184 = arith.index_cast %get3A_1183 : i32 to index
    %get3A_1185 = arith.constant 112 : index
    %get3A_1186 = tpu.vector_load %arg12[%get3A_1184, %get3A_1185] {strides = array<i32>} : memref<5x128xf32, #tpu.memory_space<vmem>>, vector<1x16xf32>,
    %get3A_1187 = vector.shape_cast %get3A_1186 : vector<1x16xf32> to vector<16xf32>
    %select_n3A_1188 = arith.select %lt3A_1170, %broadcast_in_dim3A_856, %get3A_1187 : vector<16xi1>, vector<16xf32>
    %swap3A_1189 = arith.constant 0 : i32
    %swap3A_1190 = arith.index_cast %swap3A_1189 : i32 to index
    %swap3A_1191 = arith.constant 112 : index
    %swap3A_1192 = tpu.vector_load %arg12[%swap3A_1190, %swap3A_1191] {strides = array<i32>} : memref<5x128xf32, #tpu.memory_space<vmem>>, vector<1x16xf32>,
    %swap3A_1193 = vector.shape_cast %swap3A_1192 : vector<1x16xf32> to vector<16xf32>
    %swap3A_1194 = vector.shape_cast %select_n3A_1188 : vector<16xf32> to vector<1x16xf32>
    tpu.vector_store %arg12[%swap3A_1190, %swap3A_1191], %swap3A_1194 {strides = array<i32>} : memref<5x128xf32, #tpu.memory_space<vmem>>, vector<1x16xf32>,
    %get3A_1195 = arith.constant 0 : i32
    %get3A_1196 = arith.index_cast %get3A_1195 : i32 to index
    %get3A_1197 = arith.constant 112 : index
    %get3A_1198 = tpu.vector_load %arg13[%get3A_1196, %get3A_1197] {strides = array<i32>} : memref<5x128xf32, #tpu.memory_space<vmem>>, vector<1x16xf32>,
    %get3A_1199 = vector.shape_cast %get3A_1198 : vector<1x16xf32> to vector<16xf32>
    %select_n3A_1200 = arith.select %lt3A_1170, %broadcast_in_dim3A_856, %get3A_1199 : vector<16xi1>, vector<16xf32>
    %swap3A_1201 = arith.constant 0 : i32
    %swap3A_1202 = arith.index_cast %swap3A_1201 : i32 to index
    %swap3A_1203 = arith.constant 112 : index
    %swap3A_1204 = tpu.vector_load %arg13[%swap3A_1202, %swap3A_1203] {strides = array<i32>} : memref<5x128xf32, #tpu.memory_space<vmem>>, vector<1x16xf32>,
    %swap3A_1205 = vector.shape_cast %swap3A_1204 : vector<1x16xf32> to vector<16xf32>
    %swap3A_1206 = vector.shape_cast %select_n3A_1200 : vector<16xf32> to vector<1x16xf32>
    tpu.vector_store %arg13[%swap3A_1202, %swap3A_1203], %swap3A_1206 {strides = array<i32>} : memref<5x128xf32, #tpu.memory_space<vmem>>, vector<1x16xf32>,
    %get3A_1207 = arith.constant 1 : i32
    %get3A_1208 = arith.index_cast %get3A_1207 : i32 to index
    %get3A_1209 = arith.constant 0 : index
    %get3A_1210 = tpu.vector_load %arg9[%get3A_1208, %get3A_1209] {strides = array<i32>} : memref<5x128xi32, #tpu.memory_space<vmem>>, vector<1x16xi32>,
    %get3A_1211 = vector.shape_cast %get3A_1210 : vector<1x16xi32> to vector<16xi32>
    %lt3A_1212 = arith.constant 0 : i32
    %lt3A_1213 = vector.broadcast %lt3A_1212 : i32 to vector<16xi32>
    %lt3A_1214 = arith.cmpi slt, %get3A_1211, %lt3A_1213 : vector<16xi32>
    %get3A_1215 = arith.constant 1 : i32
    %get3A_1216 = arith.index_cast %get3A_1215 : i32 to index
    %get3A_1217 = arith.constant 0 : index
    %get3A_1218 = tpu.vector_load %arg11[%get3A_1216, %get3A_1217] {strides = array<i32>} : memref<5x128xf32, #tpu.memory_space<vmem>>, vector<1x16xf32>,
    %get3A_1219 = vector.shape_cast %get3A_1218 : vector<1x16xf32> to vector<16xf32>
    %select_n3A_1220 = arith.select %lt3A_1214, %broadcast_in_dim3A_856, %get3A_1219 : vector<16xi1>, vector<16xf32>
    %swap3A_1221 = arith.constant 1 : i32
    %swap3A_1222 = arith.index_cast %swap3A_1221 : i32 to index
    %swap3A_1223 = arith.constant 0 : index
    %swap3A_1224 = tpu.vector_load %arg11[%swap3A_1222, %swap3A_1223] {strides = array<i32>} : memref<5x128xf32, #tpu.memory_space<vmem>>, vector<1x16xf32>,
    %swap3A_1225 = vector.shape_cast %swap3A_1224 : vector<1x16xf32> to vector<16xf32>
    %swap3A_1226 = vector.shape_cast %select_n3A_1220 : vector<16xf32> to vector<1x16xf32>
    tpu.vector_store %arg11[%swap3A_1222, %swap3A_1223], %swap3A_1226 {strides = array<i32>} : memref<5x128xf32, #tpu.memory_space<vmem>>, vector<1x16xf32>,
    %get3A_1227 = arith.constant 1 : i32
    %get3A_1228 = arith.index_cast %get3A_1227 : i32 to index
    %get3A_1229 = arith.constant 0 : index
    %get3A_1230 = tpu.vector_load %arg12[%get3A_1228, %get3A_1229] {strides = array<i32>} : memref<5x128xf32, #tpu.memory_space<vmem>>, vector<1x16xf32>,
    %get3A_1231 = vector.shape_cast %get3A_1230 : vector<1x16xf32> to vector<16xf32>
    %select_n3A_1232 = arith.select %lt3A_1214, %broadcast_in_dim3A_856, %get3A_1231 : vector<16xi1>, vector<16xf32>
    %swap3A_1233 = arith.constant 1 : i32
    %swap3A_1234 = arith.index_cast %swap3A_1233 : i32 to index
    %swap3A_1235 = arith.constant 0 : index
    %swap3A_1236 = tpu.vector_load %arg12[%swap3A_1234, %swap3A_1235] {strides = array<i32>} : memref<5x128xf32, #tpu.memory_space<vmem>>, vector<1x16xf32>,
    %swap3A_1237 = vector.shape_cast %swap3A_1236 : vector<1x16xf32> to vector<16xf32>
    %swap3A_1238 = vector.shape_cast %select_n3A_1232 : vector<16xf32> to vector<1x16xf32>
    tpu.vector_store %arg12[%swap3A_1234, %swap3A_1235], %swap3A_1238 {strides = array<i32>} : memref<5x128xf32, #tpu.memory_space<vmem>>, vector<1x16xf32>,
    %get3A_1239 = arith.constant 1 : i32
    %get3A_1240 = arith.index_cast %get3A_1239 : i32 to index
    %get3A_1241 = arith.constant 0 : index
    %get3A_1242 = tpu.vector_load %arg13[%get3A_1240, %get3A_1241] {strides = array<i32>} : memref<5x128xf32, #tpu.memory_space<vmem>>, vector<1x16xf32>,
    %get3A_1243 = vector.shape_cast %get3A_1242 : vector<1x16xf32> to vector<16xf32>
    %select_n3A_1244 = arith.select %lt3A_1214, %broadcast_in_dim3A_856, %get3A_1243 : vector<16xi1>, vector<16xf32>
    %swap3A_1245 = arith.constant 1 : i32
    %swap3A_1246 = arith.index_cast %swap3A_1245 : i32 to index
    %swap3A_1247 = arith.constant 0 : index
    %swap3A_1248 = tpu.vector_load %arg13[%swap3A_1246, %swap3A_1247] {strides = array<i32>} : memref<5x128xf32, #tpu.memory_space<vmem>>, vector<1x16xf32>,
    %swap3A_1249 = vector.shape_cast %swap3A_1248 : vector<1x16xf32> to vector<16xf32>
    %swap3A_1250 = vector.shape_cast %select_n3A_1244 : vector<16xf32> to vector<1x16xf32>
    tpu.vector_store %arg13[%swap3A_1246, %swap3A_1247], %swap3A_1250 {strides = array<i32>} : memref<5x128xf32, #tpu.memory_space<vmem>>, vector<1x16xf32>,
    %get3A_1251 = arith.constant 1 : i32
    %get3A_1252 = arith.index_cast %get3A_1251 : i32 to index
    %get3A_1253 = arith.constant 16 : index
    %get3A_1254 = tpu.vector_load %arg9[%get3A_1252, %get3A_1253] {strides = array<i32>} : memref<5x128xi32, #tpu.memory_space<vmem>>, vector<1x16xi32>,
    %get3A_1255 = vector.shape_cast %get3A_1254 : vector<1x16xi32> to vector<16xi32>
    %lt3A_1256 = arith.constant 0 : i32
    %lt3A_1257 = vector.broadcast %lt3A_1256 : i32 to vector<16xi32>
    %lt3A_1258 = arith.cmpi slt, %get3A_1255, %lt3A_1257 : vector<16xi32>
    %get3A_1259 = arith.constant 1 : i32
    %get3A_1260 = arith.index_cast %get3A_1259 : i32 to index
    %get3A_1261 = arith.constant 16 : index
    %get3A_1262 = tpu.vector_load %arg11[%get3A_1260, %get3A_1261] {strides = array<i32>} : memref<5x128xf32, #tpu.memory_space<vmem>>, vector<1x16xf32>,
    %get3A_1263 = vector.shape_cast %get3A_1262 : vector<1x16xf32> to vector<16xf32>
    %select_n3A_1264 = arith.select %lt3A_1258, %broadcast_in_dim3A_856, %get3A_1263 : vector<16xi1>, vector<16xf32>
    %swap3A_1265 = arith.constant 1 : i32
    %swap3A_1266 = arith.index_cast %swap3A_1265 : i32 to index
    %swap3A_1267 = arith.constant 16 : index
    %swap3A_1268 = tpu.vector_load %arg11[%swap3A_1266, %swap3A_1267] {strides = array<i32>} : memref<5x128xf32, #tpu.memory_space<vmem>>, vector<1x16xf32>,
    %swap3A_1269 = vector.shape_cast %swap3A_1268 : vector<1x16xf32> to vector<16xf32>
    %swap3A_1270 = vector.shape_cast %select_n3A_1264 : vector<16xf32> to vector<1x16xf32>
    tpu.vector_store %arg11[%swap3A_1266, %swap3A_1267], %swap3A_1270 {strides = array<i32>} : memref<5x128xf32, #tpu.memory_space<vmem>>, vector<1x16xf32>,
    %get3A_1271 = arith.constant 1 : i32
    %get3A_1272 = arith.index_cast %get3A_1271 : i32 to index
    %get3A_1273 = arith.constant 16 : index
    %get3A_1274 = tpu.vector_load %arg12[%get3A_1272, %get3A_1273] {strides = array<i32>} : memref<5x128xf32, #tpu.memory_space<vmem>>, vector<1x16xf32>,
    %get3A_1275 = vector.shape_cast %get3A_1274 : vector<1x16xf32> to vector<16xf32>
    %select_n3A_1276 = arith.select %lt3A_1258, %broadcast_in_dim3A_856, %get3A_1275 : vector<16xi1>, vector<16xf32>
    %swap3A_1277 = arith.constant 1 : i32
    %swap3A_1278 = arith.index_cast %swap3A_1277 : i32 to index
    %swap3A_1279 = arith.constant 16 : index
    %swap3A_1280 = tpu.vector_load %arg12[%swap3A_1278, %swap3A_1279] {strides = array<i32>} : memref<5x128xf32, #tpu.memory_space<vmem>>, vector<1x16xf32>,
    %swap3A_1281 = vector.shape_cast %swap3A_1280 : vector<1x16xf32> to vector<16xf32>
    %swap3A_1282 = vector.shape_cast %select_n3A_1276 : vector<16xf32> to vector<1x16xf32>
    tpu.vector_store %arg12[%swap3A_1278, %swap3A_1279], %swap3A_1282 {strides = array<i32>} : memref<5x128xf32, #tpu.memory_space<vmem>>, vector<1x16xf32>,
    %get3A_1283 = arith.constant 1 : i32
    %get3A_1284 = arith.index_cast %get3A_1283 : i32 to index
    %get3A_1285 = arith.constant 16 : index
    %get3A_1286 = tpu.vector_load %arg13[%get3A_1284, %get3A_1285] {strides = array<i32>} : memref<5x128xf32, #tpu.memory_space<vmem>>, vector<1x16xf32>,
    %get3A_1287 = vector.shape_cast %get3A_1286 : vector<1x16xf32> to vector<16xf32>
    %select_n3A_1288 = arith.select %lt3A_1258, %broadcast_in_dim3A_856, %get3A_1287 : vector<16xi1>, vector<16xf32>
    %swap3A_1289 = arith.constant 1 : i32
    %swap3A_1290 = arith.index_cast %swap3A_1289 : i32 to index
    %swap3A_1291 = arith.constant 16 : index
    %swap3A_1292 = tpu.vector_load %arg13[%swap3A_1290, %swap3A_1291] {strides = array<i32>} : memref<5x128xf32, #tpu.memory_space<vmem>>, vector<1x16xf32>,
    %swap3A_1293 = vector.shape_cast %swap3A_1292 : vector<1x16xf32> to vector<16xf32>
    %swap3A_1294 = vector.shape_cast %select_n3A_1288 : vector<16xf32> to vector<1x16xf32>
    tpu.vector_store %arg13[%swap3A_1290, %swap3A_1291], %swap3A_1294 {strides = array<i32>} : memref<5x128xf32, #tpu.memory_space<vmem>>, vector<1x16xf32>,
    %get3A_1295 = arith.constant 1 : i32
    %get3A_1296 = arith.index_cast %get3A_1295 : i32 to index
    %get3A_1297 = arith.constant 32 : index
    %get3A_1298 = tpu.vector_load %arg9[%get3A_1296, %get3A_1297] {strides = array<i32>} : memref<5x128xi32, #tpu.memory_space<vmem>>, vector<1x16xi32>,
    %get3A_1299 = vector.shape_cast %get3A_1298 : vector<1x16xi32> to vector<16xi32>
    %lt3A_1300 = arith.constant 0 : i32
    %lt3A_1301 = vector.broadcast %lt3A_1300 : i32 to vector<16xi32>
    %lt3A_1302 = arith.cmpi slt, %get3A_1299, %lt3A_1301 : vector<16xi32>
    %get3A_1303 = arith.constant 1 : i32
    %get3A_1304 = arith.index_cast %get3A_1303 : i32 to index
    %get3A_1305 = arith.constant 32 : index
    %get3A_1306 = tpu.vector_load %arg11[%get3A_1304, %get3A_1305] {strides = array<i32>} : memref<5x128xf32, #tpu.memory_space<vmem>>, vector<1x16xf32>,
    %get3A_1307 = vector.shape_cast %get3A_1306 : vector<1x16xf32> to vector<16xf32>
    %select_n3A_1308 = arith.select %lt3A_1302, %broadcast_in_dim3A_856, %get3A_1307 : vector<16xi1>, vector<16xf32>
    %swap3A_1309 = arith.constant 1 : i32
    %swap3A_1310 = arith.index_cast %swap3A_1309 : i32 to index
    %swap3A_1311 = arith.constant 32 : index
    %swap3A_1312 = tpu.vector_load %arg11[%swap3A_1310, %swap3A_1311] {strides = array<i32>} : memref<5x128xf32, #tpu.memory_space<vmem>>, vector<1x16xf32>,
    %swap3A_1313 = vector.shape_cast %swap3A_1312 : vector<1x16xf32> to vector<16xf32>
    %swap3A_1314 = vector.shape_cast %select_n3A_1308 : vector<16xf32> to vector<1x16xf32>
    tpu.vector_store %arg11[%swap3A_1310, %swap3A_1311], %swap3A_1314 {strides = array<i32>} : memref<5x128xf32, #tpu.memory_space<vmem>>, vector<1x16xf32>,
    %get3A_1315 = arith.constant 1 : i32
    %get3A_1316 = arith.index_cast %get3A_1315 : i32 to index
    %get3A_1317 = arith.constant 32 : index
    %get3A_1318 = tpu.vector_load %arg12[%get3A_1316, %get3A_1317] {strides = array<i32>} : memref<5x128xf32, #tpu.memory_space<vmem>>, vector<1x16xf32>,
    %get3A_1319 = vector.shape_cast %get3A_1318 : vector<1x16xf32> to vector<16xf32>
    %select_n3A_1320 = arith.select %lt3A_1302, %broadcast_in_dim3A_856, %get3A_1319 : vector<16xi1>, vector<16xf32>
    %swap3A_1321 = arith.constant 1 : i32
    %swap3A_1322 = arith.index_cast %swap3A_1321 : i32 to index
    %swap3A_1323 = arith.constant 32 : index
    %swap3A_1324 = tpu.vector_load %arg12[%swap3A_1322, %swap3A_1323] {strides = array<i32>} : memref<5x128xf32, #tpu.memory_space<vmem>>, vector<1x16xf32>,
    %swap3A_1325 = vector.shape_cast %swap3A_1324 : vector<1x16xf32> to vector<16xf32>
    %swap3A_1326 = vector.shape_cast %select_n3A_1320 : vector<16xf32> to vector<1x16xf32>
    tpu.vector_store %arg12[%swap3A_1322, %swap3A_1323], %swap3A_1326 {strides = array<i32>} : memref<5x128xf32, #tpu.memory_space<vmem>>, vector<1x16xf32>,
    %get3A_1327 = arith.constant 1 : i32
    %get3A_1328 = arith.index_cast %get3A_1327 : i32 to index
    %get3A_1329 = arith.constant 32 : index
    %get3A_1330 = tpu.vector_load %arg13[%get3A_1328, %get3A_1329] {strides = array<i32>} : memref<5x128xf32, #tpu.memory_space<vmem>>, vector<1x16xf32>,
    %get3A_1331 = vector.shape_cast %get3A_1330 : vector<1x16xf32> to vector<16xf32>
    %select_n3A_1332 = arith.select %lt3A_1302, %broadcast_in_dim3A_856, %get3A_1331 : vector<16xi1>, vector<16xf32>
    %swap3A_1333 = arith.constant 1 : i32
    %swap3A_1334 = arith.index_cast %swap3A_1333 : i32 to index
    %swap3A_1335 = arith.constant 32 : index
    %swap3A_1336 = tpu.vector_load %arg13[%swap3A_1334, %swap3A_1335] {strides = array<i32>} : memref<5x128xf32, #tpu.memory_space<vmem>>, vector<1x16xf32>,
    %swap3A_1337 = vector.shape_cast %swap3A_1336 : vector<1x16xf32> to vector<16xf32>
    %swap3A_1338 = vector.shape_cast %select_n3A_1332 : vector<16xf32> to vector<1x16xf32>
    tpu.vector_store %arg13[%swap3A_1334, %swap3A_1335], %swap3A_1338 {strides = array<i32>} : memref<5x128xf32, #tpu.memory_space<vmem>>, vector<1x16xf32>,
    %get3A_1339 = arith.constant 1 : i32
    %get3A_1340 = arith.index_cast %get3A_1339 : i32 to index
    %get3A_1341 = arith.constant 48 : index
    %get3A_1342 = tpu.vector_load %arg9[%get3A_1340, %get3A_1341] {strides = array<i32>} : memref<5x128xi32, #tpu.memory_space<vmem>>, vector<1x16xi32>,
    %get3A_1343 = vector.shape_cast %get3A_1342 : vector<1x16xi32> to vector<16xi32>
    %lt3A_1344 = arith.constant 0 : i32
    %lt3A_1345 = vector.broadcast %lt3A_1344 : i32 to vector<16xi32>
    %lt3A_1346 = arith.cmpi slt, %get3A_1343, %lt3A_1345 : vector<16xi32>
    %get3A_1347 = arith.constant 1 : i32
    %get3A_1348 = arith.index_cast %get3A_1347 : i32 to index
    %get3A_1349 = arith.constant 48 : index
    %get3A_1350 = tpu.vector_load %arg11[%get3A_1348, %get3A_1349] {strides = array<i32>} : memref<5x128xf32, #tpu.memory_space<vmem>>, vector<1x16xf32>,
    %get3A_1351 = vector.shape_cast %get3A_1350 : vector<1x16xf32> to vector<16xf32>
    %select_n3A_1352 = arith.select %lt3A_1346, %broadcast_in_dim3A_856, %get3A_1351 : vector<16xi1>, vector<16xf32>
    %swap3A_1353 = arith.constant 1 : i32
    %swap3A_1354 = arith.index_cast %swap3A_1353 : i32 to index
    %swap3A_1355 = arith.constant 48 : index
    %swap3A_1356 = tpu.vector_load %arg11[%swap3A_1354, %swap3A_1355] {strides = array<i32>} : memref<5x128xf32, #tpu.memory_space<vmem>>, vector<1x16xf32>,
    %swap3A_1357 = vector.shape_cast %swap3A_1356 : vector<1x16xf32> to vector<16xf32>
    %swap3A_1358 = vector.shape_cast %select_n3A_1352 : vector<16xf32> to vector<1x16xf32>
    tpu.vector_store %arg11[%swap3A_1354, %swap3A_1355], %swap3A_1358 {strides = array<i32>} : memref<5x128xf32, #tpu.memory_space<vmem>>, vector<1x16xf32>,
    %get3A_1359 = arith.constant 1 : i32
    %get3A_1360 = arith.index_cast %get3A_1359 : i32 to index
    %get3A_1361 = arith.constant 48 : index
    %get3A_1362 = tpu.vector_load %arg12[%get3A_1360, %get3A_1361] {strides = array<i32>} : memref<5x128xf32, #tpu.memory_space<vmem>>, vector<1x16xf32>,
    %get3A_1363 = vector.shape_cast %get3A_1362 : vector<1x16xf32> to vector<16xf32>
    %select_n3A_1364 = arith.select %lt3A_1346, %broadcast_in_dim3A_856, %get3A_1363 : vector<16xi1>, vector<16xf32>
    %swap3A_1365 = arith.constant 1 : i32
    %swap3A_1366 = arith.index_cast %swap3A_1365 : i32 to index
    %swap3A_1367 = arith.constant 48 : index
    %swap3A_1368 = tpu.vector_load %arg12[%swap3A_1366, %swap3A_1367] {strides = array<i32>} : memref<5x128xf32, #tpu.memory_space<vmem>>, vector<1x16xf32>,
    %swap3A_1369 = vector.shape_cast %swap3A_1368 : vector<1x16xf32> to vector<16xf32>
    %swap3A_1370 = vector.shape_cast %select_n3A_1364 : vector<16xf32> to vector<1x16xf32>
    tpu.vector_store %arg12[%swap3A_1366, %swap3A_1367], %swap3A_1370 {strides = array<i32>} : memref<5x128xf32, #tpu.memory_space<vmem>>, vector<1x16xf32>,
    %get3A_1371 = arith.constant 1 : i32
    %get3A_1372 = arith.index_cast %get3A_1371 : i32 to index
    %get3A_1373 = arith.constant 48 : index
    %get3A_1374 = tpu.vector_load %arg13[%get3A_1372, %get3A_1373] {strides = array<i32>} : memref<5x128xf32, #tpu.memory_space<vmem>>, vector<1x16xf32>,
    %get3A_1375 = vector.shape_cast %get3A_1374 : vector<1x16xf32> to vector<16xf32>
    %select_n3A_1376 = arith.select %lt3A_1346, %broadcast_in_dim3A_856, %get3A_1375 : vector<16xi1>, vector<16xf32>
    %swap3A_1377 = arith.constant 1 : i32
    %swap3A_1378 = arith.index_cast %swap3A_1377 : i32 to index
    %swap3A_1379 = arith.constant 48 : index
    %swap3A_1380 = tpu.vector_load %arg13[%swap3A_1378, %swap3A_1379] {strides = array<i32>} : memref<5x128xf32, #tpu.memory_space<vmem>>, vector<1x16xf32>,
    %swap3A_1381 = vector.shape_cast %swap3A_1380 : vector<1x16xf32> to vector<16xf32>
    %swap3A_1382 = vector.shape_cast %select_n3A_1376 : vector<16xf32> to vector<1x16xf32>
    tpu.vector_store %arg13[%swap3A_1378, %swap3A_1379], %swap3A_1382 {strides = array<i32>} : memref<5x128xf32, #tpu.memory_space<vmem>>, vector<1x16xf32>,
    %get3A_1383 = arith.constant 1 : i32
    %get3A_1384 = arith.index_cast %get3A_1383 : i32 to index
    %get3A_1385 = arith.constant 64 : index
    %get3A_1386 = tpu.vector_load %arg9[%get3A_1384, %get3A_1385] {strides = array<i32>} : memref<5x128xi32, #tpu.memory_space<vmem>>, vector<1x16xi32>,
    %get3A_1387 = vector.shape_cast %get3A_1386 : vector<1x16xi32> to vector<16xi32>
    %lt3A_1388 = arith.constant 0 : i32
    %lt3A_1389 = vector.broadcast %lt3A_1388 : i32 to vector<16xi32>
    %lt3A_1390 = arith.cmpi slt, %get3A_1387, %lt3A_1389 : vector<16xi32>
    %get3A_1391 = arith.constant 1 : i32
    %get3A_1392 = arith.index_cast %get3A_1391 : i32 to index
    %get3A_1393 = arith.constant 64 : index
    %get3A_1394 = tpu.vector_load %arg11[%get3A_1392, %get3A_1393] {strides = array<i32>} : memref<5x128xf32, #tpu.memory_space<vmem>>, vector<1x16xf32>,
    %get3A_1395 = vector.shape_cast %get3A_1394 : vector<1x16xf32> to vector<16xf32>
    %select_n3A_1396 = arith.select %lt3A_1390, %broadcast_in_dim3A_856, %get3A_1395 : vector<16xi1>, vector<16xf32>
    %swap3A_1397 = arith.constant 1 : i32
    %swap3A_1398 = arith.index_cast %swap3A_1397 : i32 to index
    %swap3A_1399 = arith.constant 64 : index
    %swap3A_1400 = tpu.vector_load %arg11[%swap3A_1398, %swap3A_1399] {strides = array<i32>} : memref<5x128xf32, #tpu.memory_space<vmem>>, vector<1x16xf32>,
    %swap3A_1401 = vector.shape_cast %swap3A_1400 : vector<1x16xf32> to vector<16xf32>
    %swap3A_1402 = vector.shape_cast %select_n3A_1396 : vector<16xf32> to vector<1x16xf32>
    tpu.vector_store %arg11[%swap3A_1398, %swap3A_1399], %swap3A_1402 {strides = array<i32>} : memref<5x128xf32, #tpu.memory_space<vmem>>, vector<1x16xf32>,
    %get3A_1403 = arith.constant 1 : i32
    %get3A_1404 = arith.index_cast %get3A_1403 : i32 to index
    %get3A_1405 = arith.constant 64 : index
    %get3A_1406 = tpu.vector_load %arg12[%get3A_1404, %get3A_1405] {strides = array<i32>} : memref<5x128xf32, #tpu.memory_space<vmem>>, vector<1x16xf32>,
    %get3A_1407 = vector.shape_cast %get3A_1406 : vector<1x16xf32> to vector<16xf32>
    %select_n3A_1408 = arith.select %lt3A_1390, %broadcast_in_dim3A_856, %get3A_1407 : vector<16xi1>, vector<16xf32>
    %swap3A_1409 = arith.constant 1 : i32
    %swap3A_1410 = arith.index_cast %swap3A_1409 : i32 to index
    %swap3A_1411 = arith.constant 64 : index
    %swap3A_1412 = tpu.vector_load %arg12[%swap3A_1410, %swap3A_1411] {strides = array<i32>} : memref<5x128xf32, #tpu.memory_space<vmem>>, vector<1x16xf32>,
    %swap3A_1413 = vector.shape_cast %swap3A_1412 : vector<1x16xf32> to vector<16xf32>
    %swap3A_1414 = vector.shape_cast %select_n3A_1408 : vector<16xf32> to vector<1x16xf32>
    tpu.vector_store %arg12[%swap3A_1410, %swap3A_1411], %swap3A_1414 {strides = array<i32>} : memref<5x128xf32, #tpu.memory_space<vmem>>, vector<1x16xf32>,
    %get3A_1415 = arith.constant 1 : i32
    %get3A_1416 = arith.index_cast %get3A_1415 : i32 to index
    %get3A_1417 = arith.constant 64 : index
    %get3A_1418 = tpu.vector_load %arg13[%get3A_1416, %get3A_1417] {strides = array<i32>} : memref<5x128xf32, #tpu.memory_space<vmem>>, vector<1x16xf32>,
    %get3A_1419 = vector.shape_cast %get3A_1418 : vector<1x16xf32> to vector<16xf32>
    %select_n3A_1420 = arith.select %lt3A_1390, %broadcast_in_dim3A_856, %get3A_1419 : vector<16xi1>, vector<16xf32>
    %swap3A_1421 = arith.constant 1 : i32
    %swap3A_1422 = arith.index_cast %swap3A_1421 : i32 to index
    %swap3A_1423 = arith.constant 64 : index
    %swap3A_1424 = tpu.vector_load %arg13[%swap3A_1422, %swap3A_1423] {strides = array<i32>} : memref<5x128xf32, #tpu.memory_space<vmem>>, vector<1x16xf32>,
    %swap3A_1425 = vector.shape_cast %swap3A_1424 : vector<1x16xf32> to vector<16xf32>
    %swap3A_1426 = vector.shape_cast %select_n3A_1420 : vector<16xf32> to vector<1x16xf32>
    tpu.vector_store %arg13[%swap3A_1422, %swap3A_1423], %swap3A_1426 {strides = array<i32>} : memref<5x128xf32, #tpu.memory_space<vmem>>, vector<1x16xf32>,
    %get3A_1427 = arith.constant 1 : i32
    %get3A_1428 = arith.index_cast %get3A_1427 : i32 to index
    %get3A_1429 = arith.constant 80 : index
    %get3A_1430 = tpu.vector_load %arg9[%get3A_1428, %get3A_1429] {strides = array<i32>} : memref<5x128xi32, #tpu.memory_space<vmem>>, vector<1x16xi32>,
    %get3A_1431 = vector.shape_cast %get3A_1430 : vector<1x16xi32> to vector<16xi32>
    %lt3A_1432 = arith.constant 0 : i32
    %lt3A_1433 = vector.broadcast %lt3A_1432 : i32 to vector<16xi32>
    %lt3A_1434 = arith.cmpi slt, %get3A_1431, %lt3A_1433 : vector<16xi32>
    %get3A_1435 = arith.constant 1 : i32
    %get3A_1436 = arith.index_cast %get3A_1435 : i32 to index
    %get3A_1437 = arith.constant 80 : index
    %get3A_1438 = tpu.vector_load %arg11[%get3A_1436, %get3A_1437] {strides = array<i32>} : memref<5x128xf32, #tpu.memory_space<vmem>>, vector<1x16xf32>,
    %get3A_1439 = vector.shape_cast %get3A_1438 : vector<1x16xf32> to vector<16xf32>
    %select_n3A_1440 = arith.select %lt3A_1434, %broadcast_in_dim3A_856, %get3A_1439 : vector<16xi1>, vector<16xf32>
    %swap3A_1441 = arith.constant 1 : i32
    %swap3A_1442 = arith.index_cast %swap3A_1441 : i32 to index
    %swap3A_1443 = arith.constant 80 : index
    %swap3A_1444 = tpu.vector_load %arg11[%swap3A_1442, %swap3A_1443] {strides = array<i32>} : memref<5x128xf32, #tpu.memory_space<vmem>>, vector<1x16xf32>,
    %swap3A_1445 = vector.shape_cast %swap3A_1444 : vector<1x16xf32> to vector<16xf32>
    %swap3A_1446 = vector.shape_cast %select_n3A_1440 : vector<16xf32> to vector<1x16xf32>
    tpu.vector_store %arg11[%swap3A_1442, %swap3A_1443], %swap3A_1446 {strides = array<i32>} : memref<5x128xf32, #tpu.memory_space<vmem>>, vector<1x16xf32>,
    %get3A_1447 = arith.constant 1 : i32
    %get3A_1448 = arith.index_cast %get3A_1447 : i32 to index
    %get3A_1449 = arith.constant 80 : index
    %get3A_1450 = tpu.vector_load %arg12[%get3A_1448, %get3A_1449] {strides = array<i32>} : memref<5x128xf32, #tpu.memory_space<vmem>>, vector<1x16xf32>,
    %get3A_1451 = vector.shape_cast %get3A_1450 : vector<1x16xf32> to vector<16xf32>
    %select_n3A_1452 = arith.select %lt3A_1434, %broadcast_in_dim3A_856, %get3A_1451 : vector<16xi1>, vector<16xf32>
    %swap3A_1453 = arith.constant 1 : i32
    %swap3A_1454 = arith.index_cast %swap3A_1453 : i32 to index
    %swap3A_1455 = arith.constant 80 : index
    %swap3A_1456 = tpu.vector_load %arg12[%swap3A_1454, %swap3A_1455] {strides = array<i32>} : memref<5x128xf32, #tpu.memory_space<vmem>>, vector<1x16xf32>,
    %swap3A_1457 = vector.shape_cast %swap3A_1456 : vector<1x16xf32> to vector<16xf32>
    %swap3A_1458 = vector.shape_cast %select_n3A_1452 : vector<16xf32> to vector<1x16xf32>
    tpu.vector_store %arg12[%swap3A_1454, %swap3A_1455], %swap3A_1458 {strides = array<i32>} : memref<5x128xf32, #tpu.memory_space<vmem>>, vector<1x16xf32>,
    %get3A_1459 = arith.constant 1 : i32
    %get3A_1460 = arith.index_cast %get3A_1459 : i32 to index
    %get3A_1461 = arith.constant 80 : index
    %get3A_1462 = tpu.vector_load %arg13[%get3A_1460, %get3A_1461] {strides = array<i32>} : memref<5x128xf32, #tpu.memory_space<vmem>>, vector<1x16xf32>,
    %get3A_1463 = vector.shape_cast %get3A_1462 : vector<1x16xf32> to vector<16xf32>
    %select_n3A_1464 = arith.select %lt3A_1434, %broadcast_in_dim3A_856, %get3A_1463 : vector<16xi1>, vector<16xf32>
    %swap3A_1465 = arith.constant 1 : i32
    %swap3A_1466 = arith.index_cast %swap3A_1465 : i32 to index
    %swap3A_1467 = arith.constant 80 : index
    %swap3A_1468 = tpu.vector_load %arg13[%swap3A_1466, %swap3A_1467] {strides = array<i32>} : memref<5x128xf32, #tpu.memory_space<vmem>>, vector<1x16xf32>,
    %swap3A_1469 = vector.shape_cast %swap3A_1468 : vector<1x16xf32> to vector<16xf32>
    %swap3A_1470 = vector.shape_cast %select_n3A_1464 : vector<16xf32> to vector<1x16xf32>
    tpu.vector_store %arg13[%swap3A_1466, %swap3A_1467], %swap3A_1470 {strides = array<i32>} : memref<5x128xf32, #tpu.memory_space<vmem>>, vector<1x16xf32>,
    %get3A_1471 = arith.constant 1 : i32
    %get3A_1472 = arith.index_cast %get3A_1471 : i32 to index
    %get3A_1473 = arith.constant 96 : index
    %get3A_1474 = tpu.vector_load %arg9[%get3A_1472, %get3A_1473] {strides = array<i32>} : memref<5x128xi32, #tpu.memory_space<vmem>>, vector<1x16xi32>,
    %get3A_1475 = vector.shape_cast %get3A_1474 : vector<1x16xi32> to vector<16xi32>
    %lt3A_1476 = arith.constant 0 : i32
    %lt3A_1477 = vector.broadcast %lt3A_1476 : i32 to vector<16xi32>
    %lt3A_1478 = arith.cmpi slt, %get3A_1475, %lt3A_1477 : vector<16xi32>
    %get3A_1479 = arith.constant 1 : i32
    %get3A_1480 = arith.index_cast %get3A_1479 : i32 to index
    %get3A_1481 = arith.constant 96 : index
    %get3A_1482 = tpu.vector_load %arg11[%get3A_1480, %get3A_1481] {strides = array<i32>} : memref<5x128xf32, #tpu.memory_space<vmem>>, vector<1x16xf32>,
    %get3A_1483 = vector.shape_cast %get3A_1482 : vector<1x16xf32> to vector<16xf32>
    %select_n3A_1484 = arith.select %lt3A_1478, %broadcast_in_dim3A_856, %get3A_1483 : vector<16xi1>, vector<16xf32>
    %swap3A_1485 = arith.constant 1 : i32
    %swap3A_1486 = arith.index_cast %swap3A_1485 : i32 to index
    %swap3A_1487 = arith.constant 96 : index
    %swap3A_1488 = tpu.vector_load %arg11[%swap3A_1486, %swap3A_1487] {strides = array<i32>} : memref<5x128xf32, #tpu.memory_space<vmem>>, vector<1x16xf32>,
    %swap3A_1489 = vector.shape_cast %swap3A_1488 : vector<1x16xf32> to vector<16xf32>
    %swap3A_1490 = vector.shape_cast %select_n3A_1484 : vector<16xf32> to vector<1x16xf32>
    tpu.vector_store %arg11[%swap3A_1486, %swap3A_1487], %swap3A_1490 {strides = array<i32>} : memref<5x128xf32, #tpu.memory_space<vmem>>, vector<1x16xf32>,
    %get3A_1491 = arith.constant 1 : i32
    %get3A_1492 = arith.index_cast %get3A_1491 : i32 to index
    %get3A_1493 = arith.constant 96 : index
    %get3A_1494 = tpu.vector_load %arg12[%get3A_1492, %get3A_1493] {strides = array<i32>} : memref<5x128xf32, #tpu.memory_space<vmem>>, vector<1x16xf32>,
    %get3A_1495 = vector.shape_cast %get3A_1494 : vector<1x16xf32> to vector<16xf32>
    %select_n3A_1496 = arith.select %lt3A_1478, %broadcast_in_dim3A_856, %get3A_1495 : vector<16xi1>, vector<16xf32>
    %swap3A_1497 = arith.constant 1 : i32
    %swap3A_1498 = arith.index_cast %swap3A_1497 : i32 to index
    %swap3A_1499 = arith.constant 96 : index
    %swap3A_1500 = tpu.vector_load %arg12[%swap3A_1498, %swap3A_1499] {strides = array<i32>} : memref<5x128xf32, #tpu.memory_space<vmem>>, vector<1x16xf32>,
    %swap3A_1501 = vector.shape_cast %swap3A_1500 : vector<1x16xf32> to vector<16xf32>
    %swap3A_1502 = vector.shape_cast %select_n3A_1496 : vector<16xf32> to vector<1x16xf32>
    tpu.vector_store %arg12[%swap3A_1498, %swap3A_1499], %swap3A_1502 {strides = array<i32>} : memref<5x128xf32, #tpu.memory_space<vmem>>, vector<1x16xf32>,
    %get3A_1503 = arith.constant 1 : i32
    %get3A_1504 = arith.index_cast %get3A_1503 : i32 to index
    %get3A_1505 = arith.constant 96 : index
    %get3A_1506 = tpu.vector_load %arg13[%get3A_1504, %get3A_1505] {strides = array<i32>} : memref<5x128xf32, #tpu.memory_space<vmem>>, vector<1x16xf32>,
    %get3A_1507 = vector.shape_cast %get3A_1506 : vector<1x16xf32> to vector<16xf32>
    %select_n3A_1508 = arith.select %lt3A_1478, %broadcast_in_dim3A_856, %get3A_1507 : vector<16xi1>, vector<16xf32>
    %swap3A_1509 = arith.constant 1 : i32
    %swap3A_1510 = arith.index_cast %swap3A_1509 : i32 to index
    %swap3A_1511 = arith.constant 96 : index
    %swap3A_1512 = tpu.vector_load %arg13[%swap3A_1510, %swap3A_1511] {strides = array<i32>} : memref<5x128xf32, #tpu.memory_space<vmem>>, vector<1x16xf32>,
    %swap3A_1513 = vector.shape_cast %swap3A_1512 : vector<1x16xf32> to vector<16xf32>
    %swap3A_1514 = vector.shape_cast %select_n3A_1508 : vector<16xf32> to vector<1x16xf32>
    tpu.vector_store %arg13[%swap3A_1510, %swap3A_1511], %swap3A_1514 {strides = array<i32>} : memref<5x128xf32, #tpu.memory_space<vmem>>, vector<1x16xf32>,
    %get3A_1515 = arith.constant 1 : i32
    %get3A_1516 = arith.index_cast %get3A_1515 : i32 to index
    %get3A_1517 = arith.constant 112 : index
    %get3A_1518 = tpu.vector_load %arg9[%get3A_1516, %get3A_1517] {strides = array<i32>} : memref<5x128xi32, #tpu.memory_space<vmem>>, vector<1x16xi32>,
    %get3A_1519 = vector.shape_cast %get3A_1518 : vector<1x16xi32> to vector<16xi32>
    %lt3A_1520 = arith.constant 0 : i32
    %lt3A_1521 = vector.broadcast %lt3A_1520 : i32 to vector<16xi32>
    %lt3A_1522 = arith.cmpi slt, %get3A_1519, %lt3A_1521 : vector<16xi32>
    %get3A_1523 = arith.constant 1 : i32
    %get3A_1524 = arith.index_cast %get3A_1523 : i32 to index
    %get3A_1525 = arith.constant 112 : index
    %get3A_1526 = tpu.vector_load %arg11[%get3A_1524, %get3A_1525] {strides = array<i32>} : memref<5x128xf32, #tpu.memory_space<vmem>>, vector<1x16xf32>,
    %get3A_1527 = vector.shape_cast %get3A_1526 : vector<1x16xf32> to vector<16xf32>
    %select_n3A_1528 = arith.select %lt3A_1522, %broadcast_in_dim3A_856, %get3A_1527 : vector<16xi1>, vector<16xf32>
    %swap3A_1529 = arith.constant 1 : i32
    %swap3A_1530 = arith.index_cast %swap3A_1529 : i32 to index
    %swap3A_1531 = arith.constant 112 : index
    %swap3A_1532 = tpu.vector_load %arg11[%swap3A_1530, %swap3A_1531] {strides = array<i32>} : memref<5x128xf32, #tpu.memory_space<vmem>>, vector<1x16xf32>,
    %swap3A_1533 = vector.shape_cast %swap3A_1532 : vector<1x16xf32> to vector<16xf32>
    %swap3A_1534 = vector.shape_cast %select_n3A_1528 : vector<16xf32> to vector<1x16xf32>
    tpu.vector_store %arg11[%swap3A_1530, %swap3A_1531], %swap3A_1534 {strides = array<i32>} : memref<5x128xf32, #tpu.memory_space<vmem>>, vector<1x16xf32>,
    %get3A_1535 = arith.constant 1 : i32
    %get3A_1536 = arith.index_cast %get3A_1535 : i32 to index
    %get3A_1537 = arith.constant 112 : index
    %get3A_1538 = tpu.vector_load %arg12[%get3A_1536, %get3A_1537] {strides = array<i32>} : memref<5x128xf32, #tpu.memory_space<vmem>>, vector<1x16xf32>,
    %get3A_1539 = vector.shape_cast %get3A_1538 : vector<1x16xf32> to vector<16xf32>
    %select_n3A_1540 = arith.select %lt3A_1522, %broadcast_in_dim3A_856, %get3A_1539 : vector<16xi1>, vector<16xf32>
    %swap3A_1541 = arith.constant 1 : i32
    %swap3A_1542 = arith.index_cast %swap3A_1541 : i32 to index
    %swap3A_1543 = arith.constant 112 : index
    %swap3A_1544 = tpu.vector_load %arg12[%swap3A_1542, %swap3A_1543] {strides = array<i32>} : memref<5x128xf32, #tpu.memory_space<vmem>>, vector<1x16xf32>,
    %swap3A_1545 = vector.shape_cast %swap3A_1544 : vector<1x16xf32> to vector<16xf32>
    %swap3A_1546 = vector.shape_cast %select_n3A_1540 : vector<16xf32> to vector<1x16xf32>
    tpu.vector_store %arg12[%swap3A_1542, %swap3A_1543], %swap3A_1546 {strides = array<i32>} : memref<5x128xf32, #tpu.memory_space<vmem>>, vector<1x16xf32>,
    %get3A_1547 = arith.constant 1 : i32
    %get3A_1548 = arith.index_cast %get3A_1547 : i32 to index
    %get3A_1549 = arith.constant 112 : index
    %get3A_1550 = tpu.vector_load %arg13[%get3A_1548, %get3A_1549] {strides = array<i32>} : memref<5x128xf32, #tpu.memory_space<vmem>>, vector<1x16xf32>,
    %get3A_1551 = vector.shape_cast %get3A_1550 : vector<1x16xf32> to vector<16xf32>
    %select_n3A_1552 = arith.select %lt3A_1522, %broadcast_in_dim3A_856, %get3A_1551 : vector<16xi1>, vector<16xf32>
    %swap3A_1553 = arith.constant 1 : i32
    %swap3A_1554 = arith.index_cast %swap3A_1553 : i32 to index
    %swap3A_1555 = arith.constant 112 : index
    %swap3A_1556 = tpu.vector_load %arg13[%swap3A_1554, %swap3A_1555] {strides = array<i32>} : memref<5x128xf32, #tpu.memory_space<vmem>>, vector<1x16xf32>,
    %swap3A_1557 = vector.shape_cast %swap3A_1556 : vector<1x16xf32> to vector<16xf32>
    %swap3A_1558 = vector.shape_cast %select_n3A_1552 : vector<16xf32> to vector<1x16xf32>
    tpu.vector_store %arg13[%swap3A_1554, %swap3A_1555], %swap3A_1558 {strides = array<i32>} : memref<5x128xf32, #tpu.memory_space<vmem>>, vector<1x16xf32>,
    %get3A_1559 = arith.constant 2 : i32
    %get3A_1560 = arith.index_cast %get3A_1559 : i32 to index
    %get3A_1561 = arith.constant 0 : index
    %get3A_1562 = tpu.vector_load %arg9[%get3A_1560, %get3A_1561] {strides = array<i32>} : memref<5x128xi32, #tpu.memory_space<vmem>>, vector<1x16xi32>,
    %get3A_1563 = vector.shape_cast %get3A_1562 : vector<1x16xi32> to vector<16xi32>
    %lt3A_1564 = arith.constant 0 : i32
    %lt3A_1565 = vector.broadcast %lt3A_1564 : i32 to vector<16xi32>
    %lt3A_1566 = arith.cmpi slt, %get3A_1563, %lt3A_1565 : vector<16xi32>
    %get3A_1567 = arith.constant 2 : i32
    %get3A_1568 = arith.index_cast %get3A_1567 : i32 to index
    %get3A_1569 = arith.constant 0 : index
    %get3A_1570 = tpu.vector_load %arg11[%get3A_1568, %get3A_1569] {strides = array<i32>} : memref<5x128xf32, #tpu.memory_space<vmem>>, vector<1x16xf32>,
    %get3A_1571 = vector.shape_cast %get3A_1570 : vector<1x16xf32> to vector<16xf32>
    %select_n3A_1572 = arith.select %lt3A_1566, %broadcast_in_dim3A_856, %get3A_1571 : vector<16xi1>, vector<16xf32>
    %swap3A_1573 = arith.constant 2 : i32
    %swap3A_1574 = arith.index_cast %swap3A_1573 : i32 to index
    %swap3A_1575 = arith.constant 0 : index
    %swap3A_1576 = tpu.vector_load %arg11[%swap3A_1574, %swap3A_1575] {strides = array<i32>} : memref<5x128xf32, #tpu.memory_space<vmem>>, vector<1x16xf32>,
    %swap3A_1577 = vector.shape_cast %swap3A_1576 : vector<1x16xf32> to vector<16xf32>
    %swap3A_1578 = vector.shape_cast %select_n3A_1572 : vector<16xf32> to vector<1x16xf32>
    tpu.vector_store %arg11[%swap3A_1574, %swap3A_1575], %swap3A_1578 {strides = array<i32>} : memref<5x128xf32, #tpu.memory_space<vmem>>, vector<1x16xf32>,
    %get3A_1579 = arith.constant 2 : i32
    %get3A_1580 = arith.index_cast %get3A_1579 : i32 to index
    %get3A_1581 = arith.constant 0 : index
    %get3A_1582 = tpu.vector_load %arg12[%get3A_1580, %get3A_1581] {strides = array<i32>} : memref<5x128xf32, #tpu.memory_space<vmem>>, vector<1x16xf32>,
    %get3A_1583 = vector.shape_cast %get3A_1582 : vector<1x16xf32> to vector<16xf32>
    %select_n3A_1584 = arith.select %lt3A_1566, %broadcast_in_dim3A_856, %get3A_1583 : vector<16xi1>, vector<16xf32>
    %swap3A_1585 = arith.constant 2 : i32
    %swap3A_1586 = arith.index_cast %swap3A_1585 : i32 to index
    %swap3A_1587 = arith.constant 0 : index
    %swap3A_1588 = tpu.vector_load %arg12[%swap3A_1586, %swap3A_1587] {strides = array<i32>} : memref<5x128xf32, #tpu.memory_space<vmem>>, vector<1x16xf32>,
    %swap3A_1589 = vector.shape_cast %swap3A_1588 : vector<1x16xf32> to vector<16xf32>
    %swap3A_1590 = vector.shape_cast %select_n3A_1584 : vector<16xf32> to vector<1x16xf32>
    tpu.vector_store %arg12[%swap3A_1586, %swap3A_1587], %swap3A_1590 {strides = array<i32>} : memref<5x128xf32, #tpu.memory_space<vmem>>, vector<1x16xf32>,
    %get3A_1591 = arith.constant 2 : i32
    %get3A_1592 = arith.index_cast %get3A_1591 : i32 to index
    %get3A_1593 = arith.constant 0 : index
    %get3A_1594 = tpu.vector_load %arg13[%get3A_1592, %get3A_1593] {strides = array<i32>} : memref<5x128xf32, #tpu.memory_space<vmem>>, vector<1x16xf32>,
    %get3A_1595 = vector.shape_cast %get3A_1594 : vector<1x16xf32> to vector<16xf32>
    %select_n3A_1596 = arith.select %lt3A_1566, %broadcast_in_dim3A_856, %get3A_1595 : vector<16xi1>, vector<16xf32>
    %swap3A_1597 = arith.constant 2 : i32
    %swap3A_1598 = arith.index_cast %swap3A_1597 : i32 to index
    %swap3A_1599 = arith.constant 0 : index
    %swap3A_1600 = tpu.vector_load %arg13[%swap3A_1598, %swap3A_1599] {strides = array<i32>} : memref<5x128xf32, #tpu.memory_space<vmem>>, vector<1x16xf32>,
    %swap3A_1601 = vector.shape_cast %swap3A_1600 : vector<1x16xf32> to vector<16xf32>
    %swap3A_1602 = vector.shape_cast %select_n3A_1596 : vector<16xf32> to vector<1x16xf32>
    tpu.vector_store %arg13[%swap3A_1598, %swap3A_1599], %swap3A_1602 {strides = array<i32>} : memref<5x128xf32, #tpu.memory_space<vmem>>, vector<1x16xf32>,
    %get3A_1603 = arith.constant 2 : i32
    %get3A_1604 = arith.index_cast %get3A_1603 : i32 to index
    %get3A_1605 = arith.constant 16 : index
    %get3A_1606 = tpu.vector_load %arg9[%get3A_1604, %get3A_1605] {strides = array<i32>} : memref<5x128xi32, #tpu.memory_space<vmem>>, vector<1x16xi32>,
    %get3A_1607 = vector.shape_cast %get3A_1606 : vector<1x16xi32> to vector<16xi32>
    %lt3A_1608 = arith.constant 0 : i32
    %lt3A_1609 = vector.broadcast %lt3A_1608 : i32 to vector<16xi32>
    %lt3A_1610 = arith.cmpi slt, %get3A_1607, %lt3A_1609 : vector<16xi32>
    %get3A_1611 = arith.constant 2 : i32
    %get3A_1612 = arith.index_cast %get3A_1611 : i32 to index
    %get3A_1613 = arith.constant 16 : index
    %get3A_1614 = tpu.vector_load %arg11[%get3A_1612, %get3A_1613] {strides = array<i32>} : memref<5x128xf32, #tpu.memory_space<vmem>>, vector<1x16xf32>,
    %get3A_1615 = vector.shape_cast %get3A_1614 : vector<1x16xf32> to vector<16xf32>
    %select_n3A_1616 = arith.select %lt3A_1610, %broadcast_in_dim3A_856, %get3A_1615 : vector<16xi1>, vector<16xf32>
    %swap3A_1617 = arith.constant 2 : i32
    %swap3A_1618 = arith.index_cast %swap3A_1617 : i32 to index
    %swap3A_1619 = arith.constant 16 : index
    %swap3A_1620 = tpu.vector_load %arg11[%swap3A_1618, %swap3A_1619] {strides = array<i32>} : memref<5x128xf32, #tpu.memory_space<vmem>>, vector<1x16xf32>,
    %swap3A_1621 = vector.shape_cast %swap3A_1620 : vector<1x16xf32> to vector<16xf32>
    %swap3A_1622 = vector.shape_cast %select_n3A_1616 : vector<16xf32> to vector<1x16xf32>
    tpu.vector_store %arg11[%swap3A_1618, %swap3A_1619], %swap3A_1622 {strides = array<i32>} : memref<5x128xf32, #tpu.memory_space<vmem>>, vector<1x16xf32>,
    %get3A_1623 = arith.constant 2 : i32
    %get3A_1624 = arith.index_cast %get3A_1623 : i32 to index
    %get3A_1625 = arith.constant 16 : index
    %get3A_1626 = tpu.vector_load %arg12[%get3A_1624, %get3A_1625] {strides = array<i32>} : memref<5x128xf32, #tpu.memory_space<vmem>>, vector<1x16xf32>,
    %get3A_1627 = vector.shape_cast %get3A_1626 : vector<1x16xf32> to vector<16xf32>
    %select_n3A_1628 = arith.select %lt3A_1610, %broadcast_in_dim3A_856, %get3A_1627 : vector<16xi1>, vector<16xf32>
    %swap3A_1629 = arith.constant 2 : i32
    %swap3A_1630 = arith.index_cast %swap3A_1629 : i32 to index
    %swap3A_1631 = arith.constant 16 : index
    %swap3A_1632 = tpu.vector_load %arg12[%swap3A_1630, %swap3A_1631] {strides = array<i32>} : memref<5x128xf32, #tpu.memory_space<vmem>>, vector<1x16xf32>,
    %swap3A_1633 = vector.shape_cast %swap3A_1632 : vector<1x16xf32> to vector<16xf32>
    %swap3A_1634 = vector.shape_cast %select_n3A_1628 : vector<16xf32> to vector<1x16xf32>
    tpu.vector_store %arg12[%swap3A_1630, %swap3A_1631], %swap3A_1634 {strides = array<i32>} : memref<5x128xf32, #tpu.memory_space<vmem>>, vector<1x16xf32>,
    %get3A_1635 = arith.constant 2 : i32
    %get3A_1636 = arith.index_cast %get3A_1635 : i32 to index
    %get3A_1637 = arith.constant 16 : index
    %get3A_1638 = tpu.vector_load %arg13[%get3A_1636, %get3A_1637] {strides = array<i32>} : memref<5x128xf32, #tpu.memory_space<vmem>>, vector<1x16xf32>,
    %get3A_1639 = vector.shape_cast %get3A_1638 : vector<1x16xf32> to vector<16xf32>
    %select_n3A_1640 = arith.select %lt3A_1610, %broadcast_in_dim3A_856, %get3A_1639 : vector<16xi1>, vector<16xf32>
    %swap3A_1641 = arith.constant 2 : i32
    %swap3A_1642 = arith.index_cast %swap3A_1641 : i32 to index
    %swap3A_1643 = arith.constant 16 : index
    %swap3A_1644 = tpu.vector_load %arg13[%swap3A_1642, %swap3A_1643] {strides = array<i32>} : memref<5x128xf32, #tpu.memory_space<vmem>>, vector<1x16xf32>,
    %swap3A_1645 = vector.shape_cast %swap3A_1644 : vector<1x16xf32> to vector<16xf32>
    %swap3A_1646 = vector.shape_cast %select_n3A_1640 : vector<16xf32> to vector<1x16xf32>
    tpu.vector_store %arg13[%swap3A_1642, %swap3A_1643], %swap3A_1646 {strides = array<i32>} : memref<5x128xf32, #tpu.memory_space<vmem>>, vector<1x16xf32>,
    %get3A_1647 = arith.constant 2 : i32
    %get3A_1648 = arith.index_cast %get3A_1647 : i32 to index
    %get3A_1649 = arith.constant 32 : index
    %get3A_1650 = tpu.vector_load %arg9[%get3A_1648, %get3A_1649] {strides = array<i32>} : memref<5x128xi32, #tpu.memory_space<vmem>>, vector<1x16xi32>,
    %get3A_1651 = vector.shape_cast %get3A_1650 : vector<1x16xi32> to vector<16xi32>
    %lt3A_1652 = arith.constant 0 : i32
    %lt3A_1653 = vector.broadcast %lt3A_1652 : i32 to vector<16xi32>
    %lt3A_1654 = arith.cmpi slt, %get3A_1651, %lt3A_1653 : vector<16xi32>
    %get3A_1655 = arith.constant 2 : i32
    %get3A_1656 = arith.index_cast %get3A_1655 : i32 to index
    %get3A_1657 = arith.constant 32 : index
    %get3A_1658 = tpu.vector_load %arg11[%get3A_1656, %get3A_1657] {strides = array<i32>} : memref<5x128xf32, #tpu.memory_space<vmem>>, vector<1x16xf32>,
    %get3A_1659 = vector.shape_cast %get3A_1658 : vector<1x16xf32> to vector<16xf32>
    %select_n3A_1660 = arith.select %lt3A_1654, %broadcast_in_dim3A_856, %get3A_1659 : vector<16xi1>, vector<16xf32>
    %swap3A_1661 = arith.constant 2 : i32
    %swap3A_1662 = arith.index_cast %swap3A_1661 : i32 to index
    %swap3A_1663 = arith.constant 32 : index
    %swap3A_1664 = tpu.vector_load %arg11[%swap3A_1662, %swap3A_1663] {strides = array<i32>} : memref<5x128xf32, #tpu.memory_space<vmem>>, vector<1x16xf32>,
    %swap3A_1665 = vector.shape_cast %swap3A_1664 : vector<1x16xf32> to vector<16xf32>
    %swap3A_1666 = vector.shape_cast %select_n3A_1660 : vector<16xf32> to vector<1x16xf32>
    tpu.vector_store %arg11[%swap3A_1662, %swap3A_1663], %swap3A_1666 {strides = array<i32>} : memref<5x128xf32, #tpu.memory_space<vmem>>, vector<1x16xf32>,
    %get3A_1667 = arith.constant 2 : i32
    %get3A_1668 = arith.index_cast %get3A_1667 : i32 to index
    %get3A_1669 = arith.constant 32 : index
    %get3A_1670 = tpu.vector_load %arg12[%get3A_1668, %get3A_1669] {strides = array<i32>} : memref<5x128xf32, #tpu.memory_space<vmem>>, vector<1x16xf32>,
    %get3A_1671 = vector.shape_cast %get3A_1670 : vector<1x16xf32> to vector<16xf32>
    %select_n3A_1672 = arith.select %lt3A_1654, %broadcast_in_dim3A_856, %get3A_1671 : vector<16xi1>, vector<16xf32>
    %swap3A_1673 = arith.constant 2 : i32
    %swap3A_1674 = arith.index_cast %swap3A_1673 : i32 to index
    %swap3A_1675 = arith.constant 32 : index
    %swap3A_1676 = tpu.vector_load %arg12[%swap3A_1674, %swap3A_1675] {strides = array<i32>} : memref<5x128xf32, #tpu.memory_space<vmem>>, vector<1x16xf32>,
    %swap3A_1677 = vector.shape_cast %swap3A_1676 : vector<1x16xf32> to vector<16xf32>
    %swap3A_1678 = vector.shape_cast %select_n3A_1672 : vector<16xf32> to vector<1x16xf32>
    tpu.vector_store %arg12[%swap3A_1674, %swap3A_1675], %swap3A_1678 {strides = array<i32>} : memref<5x128xf32, #tpu.memory_space<vmem>>, vector<1x16xf32>,
    %get3A_1679 = arith.constant 2 : i32
    %get3A_1680 = arith.index_cast %get3A_1679 : i32 to index
    %get3A_1681 = arith.constant 32 : index
    %get3A_1682 = tpu.vector_load %arg13[%get3A_1680, %get3A_1681] {strides = array<i32>} : memref<5x128xf32, #tpu.memory_space<vmem>>, vector<1x16xf32>,
    %get3A_1683 = vector.shape_cast %get3A_1682 : vector<1x16xf32> to vector<16xf32>
    %select_n3A_1684 = arith.select %lt3A_1654, %broadcast_in_dim3A_856, %get3A_1683 : vector<16xi1>, vector<16xf32>
    %swap3A_1685 = arith.constant 2 : i32
    %swap3A_1686 = arith.index_cast %swap3A_1685 : i32 to index
    %swap3A_1687 = arith.constant 32 : index
    %swap3A_1688 = tpu.vector_load %arg13[%swap3A_1686, %swap3A_1687] {strides = array<i32>} : memref<5x128xf32, #tpu.memory_space<vmem>>, vector<1x16xf32>,
    %swap3A_1689 = vector.shape_cast %swap3A_1688 : vector<1x16xf32> to vector<16xf32>
    %swap3A_1690 = vector.shape_cast %select_n3A_1684 : vector<16xf32> to vector<1x16xf32>
    tpu.vector_store %arg13[%swap3A_1686, %swap3A_1687], %swap3A_1690 {strides = array<i32>} : memref<5x128xf32, #tpu.memory_space<vmem>>, vector<1x16xf32>,
    %get3A_1691 = arith.constant 2 : i32
    %get3A_1692 = arith.index_cast %get3A_1691 : i32 to index
    %get3A_1693 = arith.constant 48 : index
    %get3A_1694 = tpu.vector_load %arg9[%get3A_1692, %get3A_1693] {strides = array<i32>} : memref<5x128xi32, #tpu.memory_space<vmem>>, vector<1x16xi32>,
    %get3A_1695 = vector.shape_cast %get3A_1694 : vector<1x16xi32> to vector<16xi32>
    %lt3A_1696 = arith.constant 0 : i32
    %lt3A_1697 = vector.broadcast %lt3A_1696 : i32 to vector<16xi32>
    %lt3A_1698 = arith.cmpi slt, %get3A_1695, %lt3A_1697 : vector<16xi32>
    %get3A_1699 = arith.constant 2 : i32
    %get3A_1700 = arith.index_cast %get3A_1699 : i32 to index
    %get3A_1701 = arith.constant 48 : index
    %get3A_1702 = tpu.vector_load %arg11[%get3A_1700, %get3A_1701] {strides = array<i32>} : memref<5x128xf32, #tpu.memory_space<vmem>>, vector<1x16xf32>,
    %get3A_1703 = vector.shape_cast %get3A_1702 : vector<1x16xf32> to vector<16xf32>
    %select_n3A_1704 = arith.select %lt3A_1698, %broadcast_in_dim3A_856, %get3A_1703 : vector<16xi1>, vector<16xf32>
    %swap3A_1705 = arith.constant 2 : i32
    %swap3A_1706 = arith.index_cast %swap3A_1705 : i32 to index
    %swap3A_1707 = arith.constant 48 : index
    %swap3A_1708 = tpu.vector_load %arg11[%swap3A_1706, %swap3A_1707] {strides = array<i32>} : memref<5x128xf32, #tpu.memory_space<vmem>>, vector<1x16xf32>,
    %swap3A_1709 = vector.shape_cast %swap3A_1708 : vector<1x16xf32> to vector<16xf32>
    %swap3A_1710 = vector.shape_cast %select_n3A_1704 : vector<16xf32> to vector<1x16xf32>
    tpu.vector_store %arg11[%swap3A_1706, %swap3A_1707], %swap3A_1710 {strides = array<i32>} : memref<5x128xf32, #tpu.memory_space<vmem>>, vector<1x16xf32>,
    %get3A_1711 = arith.constant 2 : i32
    %get3A_1712 = arith.index_cast %get3A_1711 : i32 to index
    %get3A_1713 = arith.constant 48 : index
    %get3A_1714 = tpu.vector_load %arg12[%get3A_1712, %get3A_1713] {strides = array<i32>} : memref<5x128xf32, #tpu.memory_space<vmem>>, vector<1x16xf32>,
    %get3A_1715 = vector.shape_cast %get3A_1714 : vector<1x16xf32> to vector<16xf32>
    %select_n3A_1716 = arith.select %lt3A_1698, %broadcast_in_dim3A_856, %get3A_1715 : vector<16xi1>, vector<16xf32>
    %swap3A_1717 = arith.constant 2 : i32
    %swap3A_1718 = arith.index_cast %swap3A_1717 : i32 to index
    %swap3A_1719 = arith.constant 48 : index
    %swap3A_1720 = tpu.vector_load %arg12[%swap3A_1718, %swap3A_1719] {strides = array<i32>} : memref<5x128xf32, #tpu.memory_space<vmem>>, vector<1x16xf32>,
    %swap3A_1721 = vector.shape_cast %swap3A_1720 : vector<1x16xf32> to vector<16xf32>
    %swap3A_1722 = vector.shape_cast %select_n3A_1716 : vector<16xf32> to vector<1x16xf32>
    tpu.vector_store %arg12[%swap3A_1718, %swap3A_1719], %swap3A_1722 {strides = array<i32>} : memref<5x128xf32, #tpu.memory_space<vmem>>, vector<1x16xf32>,
    %get3A_1723 = arith.constant 2 : i32
    %get3A_1724 = arith.index_cast %get3A_1723 : i32 to index
    %get3A_1725 = arith.constant 48 : index
    %get3A_1726 = tpu.vector_load %arg13[%get3A_1724, %get3A_1725] {strides = array<i32>} : memref<5x128xf32, #tpu.memory_space<vmem>>, vector<1x16xf32>,
    %get3A_1727 = vector.shape_cast %get3A_1726 : vector<1x16xf32> to vector<16xf32>
    %select_n3A_1728 = arith.select %lt3A_1698, %broadcast_in_dim3A_856, %get3A_1727 : vector<16xi1>, vector<16xf32>
    %swap3A_1729 = arith.constant 2 : i32
    %swap3A_1730 = arith.index_cast %swap3A_1729 : i32 to index
    %swap3A_1731 = arith.constant 48 : index
    %swap3A_1732 = tpu.vector_load %arg13[%swap3A_1730, %swap3A_1731] {strides = array<i32>} : memref<5x128xf32, #tpu.memory_space<vmem>>, vector<1x16xf32>,
    %swap3A_1733 = vector.shape_cast %swap3A_1732 : vector<1x16xf32> to vector<16xf32>
    %swap3A_1734 = vector.shape_cast %select_n3A_1728 : vector<16xf32> to vector<1x16xf32>
    tpu.vector_store %arg13[%swap3A_1730, %swap3A_1731], %swap3A_1734 {strides = array<i32>} : memref<5x128xf32, #tpu.memory_space<vmem>>, vector<1x16xf32>,
    %get3A_1735 = arith.constant 2 : i32
    %get3A_1736 = arith.index_cast %get3A_1735 : i32 to index
    %get3A_1737 = arith.constant 64 : index
    %get3A_1738 = tpu.vector_load %arg9[%get3A_1736, %get3A_1737] {strides = array<i32>} : memref<5x128xi32, #tpu.memory_space<vmem>>, vector<1x16xi32>,
    %get3A_1739 = vector.shape_cast %get3A_1738 : vector<1x16xi32> to vector<16xi32>
    %lt3A_1740 = arith.constant 0 : i32
    %lt3A_1741 = vector.broadcast %lt3A_1740 : i32 to vector<16xi32>
    %lt3A_1742 = arith.cmpi slt, %get3A_1739, %lt3A_1741 : vector<16xi32>
    %get3A_1743 = arith.constant 2 : i32
    %get3A_1744 = arith.index_cast %get3A_1743 : i32 to index
    %get3A_1745 = arith.constant 64 : index
    %get3A_1746 = tpu.vector_load %arg11[%get3A_1744, %get3A_1745] {strides = array<i32>} : memref<5x128xf32, #tpu.memory_space<vmem>>, vector<1x16xf32>,
    %get3A_1747 = vector.shape_cast %get3A_1746 : vector<1x16xf32> to vector<16xf32>
    %select_n3A_1748 = arith.select %lt3A_1742, %broadcast_in_dim3A_856, %get3A_1747 : vector<16xi1>, vector<16xf32>
    %swap3A_1749 = arith.constant 2 : i32
    %swap3A_1750 = arith.index_cast %swap3A_1749 : i32 to index
    %swap3A_1751 = arith.constant 64 : index
    %swap3A_1752 = tpu.vector_load %arg11[%swap3A_1750, %swap3A_1751] {strides = array<i32>} : memref<5x128xf32, #tpu.memory_space<vmem>>, vector<1x16xf32>,
    %swap3A_1753 = vector.shape_cast %swap3A_1752 : vector<1x16xf32> to vector<16xf32>
    %swap3A_1754 = vector.shape_cast %select_n3A_1748 : vector<16xf32> to vector<1x16xf32>
    tpu.vector_store %arg11[%swap3A_1750, %swap3A_1751], %swap3A_1754 {strides = array<i32>} : memref<5x128xf32, #tpu.memory_space<vmem>>, vector<1x16xf32>,
    %get3A_1755 = arith.constant 2 : i32
    %get3A_1756 = arith.index_cast %get3A_1755 : i32 to index
    %get3A_1757 = arith.constant 64 : index
    %get3A_1758 = tpu.vector_load %arg12[%get3A_1756, %get3A_1757] {strides = array<i32>} : memref<5x128xf32, #tpu.memory_space<vmem>>, vector<1x16xf32>,
    %get3A_1759 = vector.shape_cast %get3A_1758 : vector<1x16xf32> to vector<16xf32>
    %select_n3A_1760 = arith.select %lt3A_1742, %broadcast_in_dim3A_856, %get3A_1759 : vector<16xi1>, vector<16xf32>
    %swap3A_1761 = arith.constant 2 : i32
    %swap3A_1762 = arith.index_cast %swap3A_1761 : i32 to index
    %swap3A_1763 = arith.constant 64 : index
    %swap3A_1764 = tpu.vector_load %arg12[%swap3A_1762, %swap3A_1763] {strides = array<i32>} : memref<5x128xf32, #tpu.memory_space<vmem>>, vector<1x16xf32>,
    %swap3A_1765 = vector.shape_cast %swap3A_1764 : vector<1x16xf32> to vector<16xf32>
    %swap3A_1766 = vector.shape_cast %select_n3A_1760 : vector<16xf32> to vector<1x16xf32>
    tpu.vector_store %arg12[%swap3A_1762, %swap3A_1763], %swap3A_1766 {strides = array<i32>} : memref<5x128xf32, #tpu.memory_space<vmem>>, vector<1x16xf32>,
    %get3A_1767 = arith.constant 2 : i32
    %get3A_1768 = arith.index_cast %get3A_1767 : i32 to index
    %get3A_1769 = arith.constant 64 : index
    %get3A_1770 = tpu.vector_load %arg13[%get3A_1768, %get3A_1769] {strides = array<i32>} : memref<5x128xf32, #tpu.memory_space<vmem>>, vector<1x16xf32>,
    %get3A_1771 = vector.shape_cast %get3A_1770 : vector<1x16xf32> to vector<16xf32>
    %select_n3A_1772 = arith.select %lt3A_1742, %broadcast_in_dim3A_856, %get3A_1771 : vector<16xi1>, vector<16xf32>
    %swap3A_1773 = arith.constant 2 : i32
    %swap3A_1774 = arith.index_cast %swap3A_1773 : i32 to index
    %swap3A_1775 = arith.constant 64 : index
    %swap3A_1776 = tpu.vector_load %arg13[%swap3A_1774, %swap3A_1775] {strides = array<i32>} : memref<5x128xf32, #tpu.memory_space<vmem>>, vector<1x16xf32>,
    %swap3A_1777 = vector.shape_cast %swap3A_1776 : vector<1x16xf32> to vector<16xf32>
    %swap3A_1778 = vector.shape_cast %select_n3A_1772 : vector<16xf32> to vector<1x16xf32>
    tpu.vector_store %arg13[%swap3A_1774, %swap3A_1775], %swap3A_1778 {strides = array<i32>} : memref<5x128xf32, #tpu.memory_space<vmem>>, vector<1x16xf32>,
    %get3A_1779 = arith.constant 2 : i32
    %get3A_1780 = arith.index_cast %get3A_1779 : i32 to index
    %get3A_1781 = arith.constant 80 : index
    %get3A_1782 = tpu.vector_load %arg9[%get3A_1780, %get3A_1781] {strides = array<i32>} : memref<5x128xi32, #tpu.memory_space<vmem>>, vector<1x16xi32>,
    %get3A_1783 = vector.shape_cast %get3A_1782 : vector<1x16xi32> to vector<16xi32>
    %lt3A_1784 = arith.constant 0 : i32
    %lt3A_1785 = vector.broadcast %lt3A_1784 : i32 to vector<16xi32>
    %lt3A_1786 = arith.cmpi slt, %get3A_1783, %lt3A_1785 : vector<16xi32>
    %get3A_1787 = arith.constant 2 : i32
    %get3A_1788 = arith.index_cast %get3A_1787 : i32 to index
    %get3A_1789 = arith.constant 80 : index
    %get3A_1790 = tpu.vector_load %arg11[%get3A_1788, %get3A_1789] {strides = array<i32>} : memref<5x128xf32, #tpu.memory_space<vmem>>, vector<1x16xf32>,
    %get3A_1791 = vector.shape_cast %get3A_1790 : vector<1x16xf32> to vector<16xf32>
    %select_n3A_1792 = arith.select %lt3A_1786, %broadcast_in_dim3A_856, %get3A_1791 : vector<16xi1>, vector<16xf32>
    %swap3A_1793 = arith.constant 2 : i32
    %swap3A_1794 = arith.index_cast %swap3A_1793 : i32 to index
    %swap3A_1795 = arith.constant 80 : index
    %swap3A_1796 = tpu.vector_load %arg11[%swap3A_1794, %swap3A_1795] {strides = array<i32>} : memref<5x128xf32, #tpu.memory_space<vmem>>, vector<1x16xf32>,
    %swap3A_1797 = vector.shape_cast %swap3A_1796 : vector<1x16xf32> to vector<16xf32>
    %swap3A_1798 = vector.shape_cast %select_n3A_1792 : vector<16xf32> to vector<1x16xf32>
    tpu.vector_store %arg11[%swap3A_1794, %swap3A_1795], %swap3A_1798 {strides = array<i32>} : memref<5x128xf32, #tpu.memory_space<vmem>>, vector<1x16xf32>,
    %get3A_1799 = arith.constant 2 : i32
    %get3A_1800 = arith.index_cast %get3A_1799 : i32 to index
    %get3A_1801 = arith.constant 80 : index
    %get3A_1802 = tpu.vector_load %arg12[%get3A_1800, %get3A_1801] {strides = array<i32>} : memref<5x128xf32, #tpu.memory_space<vmem>>, vector<1x16xf32>,
    %get3A_1803 = vector.shape_cast %get3A_1802 : vector<1x16xf32> to vector<16xf32>
    %select_n3A_1804 = arith.select %lt3A_1786, %broadcast_in_dim3A_856, %get3A_1803 : vector<16xi1>, vector<16xf32>
    %swap3A_1805 = arith.constant 2 : i32
    %swap3A_1806 = arith.index_cast %swap3A_1805 : i32 to index
    %swap3A_1807 = arith.constant 80 : index
    %swap3A_1808 = tpu.vector_load %arg12[%swap3A_1806, %swap3A_1807] {strides = array<i32>} : memref<5x128xf32, #tpu.memory_space<vmem>>, vector<1x16xf32>,
    %swap3A_1809 = vector.shape_cast %swap3A_1808 : vector<1x16xf32> to vector<16xf32>
    %swap3A_1810 = vector.shape_cast %select_n3A_1804 : vector<16xf32> to vector<1x16xf32>
    tpu.vector_store %arg12[%swap3A_1806, %swap3A_1807], %swap3A_1810 {strides = array<i32>} : memref<5x128xf32, #tpu.memory_space<vmem>>, vector<1x16xf32>,
    %get3A_1811 = arith.constant 2 : i32
    %get3A_1812 = arith.index_cast %get3A_1811 : i32 to index
    %get3A_1813 = arith.constant 80 : index
    %get3A_1814 = tpu.vector_load %arg13[%get3A_1812, %get3A_1813] {strides = array<i32>} : memref<5x128xf32, #tpu.memory_space<vmem>>, vector<1x16xf32>,
    %get3A_1815 = vector.shape_cast %get3A_1814 : vector<1x16xf32> to vector<16xf32>
    %select_n3A_1816 = arith.select %lt3A_1786, %broadcast_in_dim3A_856, %get3A_1815 : vector<16xi1>, vector<16xf32>
    %swap3A_1817 = arith.constant 2 : i32
    %swap3A_1818 = arith.index_cast %swap3A_1817 : i32 to index
    %swap3A_1819 = arith.constant 80 : index
    %swap3A_1820 = tpu.vector_load %arg13[%swap3A_1818, %swap3A_1819] {strides = array<i32>} : memref<5x128xf32, #tpu.memory_space<vmem>>, vector<1x16xf32>,
    %swap3A_1821 = vector.shape_cast %swap3A_1820 : vector<1x16xf32> to vector<16xf32>
    %swap3A_1822 = vector.shape_cast %select_n3A_1816 : vector<16xf32> to vector<1x16xf32>
    tpu.vector_store %arg13[%swap3A_1818, %swap3A_1819], %swap3A_1822 {strides = array<i32>} : memref<5x128xf32, #tpu.memory_space<vmem>>, vector<1x16xf32>,
    %get3A_1823 = arith.constant 2 : i32
    %get3A_1824 = arith.index_cast %get3A_1823 : i32 to index
    %get3A_1825 = arith.constant 96 : index
    %get3A_1826 = tpu.vector_load %arg9[%get3A_1824, %get3A_1825] {strides = array<i32>} : memref<5x128xi32, #tpu.memory_space<vmem>>, vector<1x16xi32>,
    %get3A_1827 = vector.shape_cast %get3A_1826 : vector<1x16xi32> to vector<16xi32>
    %lt3A_1828 = arith.constant 0 : i32
    %lt3A_1829 = vector.broadcast %lt3A_1828 : i32 to vector<16xi32>
    %lt3A_1830 = arith.cmpi slt, %get3A_1827, %lt3A_1829 : vector<16xi32>
    %get3A_1831 = arith.constant 2 : i32
    %get3A_1832 = arith.index_cast %get3A_1831 : i32 to index
    %get3A_1833 = arith.constant 96 : index
    %get3A_1834 = tpu.vector_load %arg11[%get3A_1832, %get3A_1833] {strides = array<i32>} : memref<5x128xf32, #tpu.memory_space<vmem>>, vector<1x16xf32>,
    %get3A_1835 = vector.shape_cast %get3A_1834 : vector<1x16xf32> to vector<16xf32>
    %select_n3A_1836 = arith.select %lt3A_1830, %broadcast_in_dim3A_856, %get3A_1835 : vector<16xi1>, vector<16xf32>
    %swap3A_1837 = arith.constant 2 : i32
    %swap3A_1838 = arith.index_cast %swap3A_1837 : i32 to index
    %swap3A_1839 = arith.constant 96 : index
    %swap3A_1840 = tpu.vector_load %arg11[%swap3A_1838, %swap3A_1839] {strides = array<i32>} : memref<5x128xf32, #tpu.memory_space<vmem>>, vector<1x16xf32>,
    %swap3A_1841 = vector.shape_cast %swap3A_1840 : vector<1x16xf32> to vector<16xf32>
    %swap3A_1842 = vector.shape_cast %select_n3A_1836 : vector<16xf32> to vector<1x16xf32>
    tpu.vector_store %arg11[%swap3A_1838, %swap3A_1839], %swap3A_1842 {strides = array<i32>} : memref<5x128xf32, #tpu.memory_space<vmem>>, vector<1x16xf32>,
    %get3A_1843 = arith.constant 2 : i32
    %get3A_1844 = arith.index_cast %get3A_1843 : i32 to index
    %get3A_1845 = arith.constant 96 : index
    %get3A_1846 = tpu.vector_load %arg12[%get3A_1844, %get3A_1845] {strides = array<i32>} : memref<5x128xf32, #tpu.memory_space<vmem>>, vector<1x16xf32>,
    %get3A_1847 = vector.shape_cast %get3A_1846 : vector<1x16xf32> to vector<16xf32>
    %select_n3A_1848 = arith.select %lt3A_1830, %broadcast_in_dim3A_856, %get3A_1847 : vector<16xi1>, vector<16xf32>
    %swap3A_1849 = arith.constant 2 : i32
    %swap3A_1850 = arith.index_cast %swap3A_1849 : i32 to index
    %swap3A_1851 = arith.constant 96 : index
    %swap3A_1852 = tpu.vector_load %arg12[%swap3A_1850, %swap3A_1851] {strides = array<i32>} : memref<5x128xf32, #tpu.memory_space<vmem>>, vector<1x16xf32>,
    %swap3A_1853 = vector.shape_cast %swap3A_1852 : vector<1x16xf32> to vector<16xf32>
    %swap3A_1854 = vector.shape_cast %select_n3A_1848 : vector<16xf32> to vector<1x16xf32>
    tpu.vector_store %arg12[%swap3A_1850, %swap3A_1851], %swap3A_1854 {strides = array<i32>} : memref<5x128xf32, #tpu.memory_space<vmem>>, vector<1x16xf32>,
    %get3A_1855 = arith.constant 2 : i32
    %get3A_1856 = arith.index_cast %get3A_1855 : i32 to index
    %get3A_1857 = arith.constant 96 : index
    %get3A_1858 = tpu.vector_load %arg13[%get3A_1856, %get3A_1857] {strides = array<i32>} : memref<5x128xf32, #tpu.memory_space<vmem>>, vector<1x16xf32>,
    %get3A_1859 = vector.shape_cast %get3A_1858 : vector<1x16xf32> to vector<16xf32>
    %select_n3A_1860 = arith.select %lt3A_1830, %broadcast_in_dim3A_856, %get3A_1859 : vector<16xi1>, vector<16xf32>
    %swap3A_1861 = arith.constant 2 : i32
    %swap3A_1862 = arith.index_cast %swap3A_1861 : i32 to index
    %swap3A_1863 = arith.constant 96 : index
    %swap3A_1864 = tpu.vector_load %arg13[%swap3A_1862, %swap3A_1863] {strides = array<i32>} : memref<5x128xf32, #tpu.memory_space<vmem>>, vector<1x16xf32>,
    %swap3A_1865 = vector.shape_cast %swap3A_1864 : vector<1x16xf32> to vector<16xf32>
    %swap3A_1866 = vector.shape_cast %select_n3A_1860 : vector<16xf32> to vector<1x16xf32>
    tpu.vector_store %arg13[%swap3A_1862, %swap3A_1863], %swap3A_1866 {strides = array<i32>} : memref<5x128xf32, #tpu.memory_space<vmem>>, vector<1x16xf32>,
    %get3A_1867 = arith.constant 2 : i32
    %get3A_1868 = arith.index_cast %get3A_1867 : i32 to index
    %get3A_1869 = arith.constant 112 : index
    %get3A_1870 = tpu.vector_load %arg9[%get3A_1868, %get3A_1869] {strides = array<i32>} : memref<5x128xi32, #tpu.memory_space<vmem>>, vector<1x16xi32>,
    %get3A_1871 = vector.shape_cast %get3A_1870 : vector<1x16xi32> to vector<16xi32>
    %lt3A_1872 = arith.constant 0 : i32
    %lt3A_1873 = vector.broadcast %lt3A_1872 : i32 to vector<16xi32>
    %lt3A_1874 = arith.cmpi slt, %get3A_1871, %lt3A_1873 : vector<16xi32>
    %get3A_1875 = arith.constant 2 : i32
    %get3A_1876 = arith.index_cast %get3A_1875 : i32 to index
    %get3A_1877 = arith.constant 112 : index
    %get3A_1878 = tpu.vector_load %arg11[%get3A_1876, %get3A_1877] {strides = array<i32>} : memref<5x128xf32, #tpu.memory_space<vmem>>, vector<1x16xf32>,
    %get3A_1879 = vector.shape_cast %get3A_1878 : vector<1x16xf32> to vector<16xf32>
    %select_n3A_1880 = arith.select %lt3A_1874, %broadcast_in_dim3A_856, %get3A_1879 : vector<16xi1>, vector<16xf32>
    %swap3A_1881 = arith.constant 2 : i32
    %swap3A_1882 = arith.index_cast %swap3A_1881 : i32 to index
    %swap3A_1883 = arith.constant 112 : index
    %swap3A_1884 = tpu.vector_load %arg11[%swap3A_1882, %swap3A_1883] {strides = array<i32>} : memref<5x128xf32, #tpu.memory_space<vmem>>, vector<1x16xf32>,
    %swap3A_1885 = vector.shape_cast %swap3A_1884 : vector<1x16xf32> to vector<16xf32>
    %swap3A_1886 = vector.shape_cast %select_n3A_1880 : vector<16xf32> to vector<1x16xf32>
    tpu.vector_store %arg11[%swap3A_1882, %swap3A_1883], %swap3A_1886 {strides = array<i32>} : memref<5x128xf32, #tpu.memory_space<vmem>>, vector<1x16xf32>,
    %get3A_1887 = arith.constant 2 : i32
    %get3A_1888 = arith.index_cast %get3A_1887 : i32 to index
    %get3A_1889 = arith.constant 112 : index
    %get3A_1890 = tpu.vector_load %arg12[%get3A_1888, %get3A_1889] {strides = array<i32>} : memref<5x128xf32, #tpu.memory_space<vmem>>, vector<1x16xf32>,
    %get3A_1891 = vector.shape_cast %get3A_1890 : vector<1x16xf32> to vector<16xf32>
    %select_n3A_1892 = arith.select %lt3A_1874, %broadcast_in_dim3A_856, %get3A_1891 : vector<16xi1>, vector<16xf32>
    %swap3A_1893 = arith.constant 2 : i32
    %swap3A_1894 = arith.index_cast %swap3A_1893 : i32 to index
    %swap3A_1895 = arith.constant 112 : index
    %swap3A_1896 = tpu.vector_load %arg12[%swap3A_1894, %swap3A_1895] {strides = array<i32>} : memref<5x128xf32, #tpu.memory_space<vmem>>, vector<1x16xf32>,
    %swap3A_1897 = vector.shape_cast %swap3A_1896 : vector<1x16xf32> to vector<16xf32>
    %swap3A_1898 = vector.shape_cast %select_n3A_1892 : vector<16xf32> to vector<1x16xf32>
    tpu.vector_store %arg12[%swap3A_1894, %swap3A_1895], %swap3A_1898 {strides = array<i32>} : memref<5x128xf32, #tpu.memory_space<vmem>>, vector<1x16xf32>,
    %get3A_1899 = arith.constant 2 : i32
    %get3A_1900 = arith.index_cast %get3A_1899 : i32 to index
    %get3A_1901 = arith.constant 112 : index
    %get3A_1902 = tpu.vector_load %arg13[%get3A_1900, %get3A_1901] {strides = array<i32>} : memref<5x128xf32, #tpu.memory_space<vmem>>, vector<1x16xf32>,
    %get3A_1903 = vector.shape_cast %get3A_1902 : vector<1x16xf32> to vector<16xf32>
    %select_n3A_1904 = arith.select %lt3A_1874, %broadcast_in_dim3A_856, %get3A_1903 : vector<16xi1>, vector<16xf32>
    %swap3A_1905 = arith.constant 2 : i32
    %swap3A_1906 = arith.index_cast %swap3A_1905 : i32 to index
    %swap3A_1907 = arith.constant 112 : index
    %swap3A_1908 = tpu.vector_load %arg13[%swap3A_1906, %swap3A_1907] {strides = array<i32>} : memref<5x128xf32, #tpu.memory_space<vmem>>, vector<1x16xf32>,
    %swap3A_1909 = vector.shape_cast %swap3A_1908 : vector<1x16xf32> to vector<16xf32>
    %swap3A_1910 = vector.shape_cast %select_n3A_1904 : vector<16xf32> to vector<1x16xf32>
    tpu.vector_store %arg13[%swap3A_1906, %swap3A_1907], %swap3A_1910 {strides = array<i32>} : memref<5x128xf32, #tpu.memory_space<vmem>>, vector<1x16xf32>,
    %get3A_1911 = arith.constant 3 : i32
    %get3A_1912 = arith.index_cast %get3A_1911 : i32 to index
    %get3A_1913 = arith.constant 0 : index
    %get3A_1914 = tpu.vector_load %arg9[%get3A_1912, %get3A_1913] {strides = array<i32>} : memref<5x128xi32, #tpu.memory_space<vmem>>, vector<1x16xi32>,
    %get3A_1915 = vector.shape_cast %get3A_1914 : vector<1x16xi32> to vector<16xi32>
    %lt3A_1916 = arith.constant 0 : i32
    %lt3A_1917 = vector.broadcast %lt3A_1916 : i32 to vector<16xi32>
    %lt3A_1918 = arith.cmpi slt, %get3A_1915, %lt3A_1917 : vector<16xi32>
    %get3A_1919 = arith.constant 3 : i32
    %get3A_1920 = arith.index_cast %get3A_1919 : i32 to index
    %get3A_1921 = arith.constant 0 : index
    %get3A_1922 = tpu.vector_load %arg11[%get3A_1920, %get3A_1921] {strides = array<i32>} : memref<5x128xf32, #tpu.memory_space<vmem>>, vector<1x16xf32>,
    %get3A_1923 = vector.shape_cast %get3A_1922 : vector<1x16xf32> to vector<16xf32>
    %select_n3A_1924 = arith.select %lt3A_1918, %broadcast_in_dim3A_856, %get3A_1923 : vector<16xi1>, vector<16xf32>
    %swap3A_1925 = arith.constant 3 : i32
    %swap3A_1926 = arith.index_cast %swap3A_1925 : i32 to index
    %swap3A_1927 = arith.constant 0 : index
    %swap3A_1928 = tpu.vector_load %arg11[%swap3A_1926, %swap3A_1927] {strides = array<i32>} : memref<5x128xf32, #tpu.memory_space<vmem>>, vector<1x16xf32>,
    %swap3A_1929 = vector.shape_cast %swap3A_1928 : vector<1x16xf32> to vector<16xf32>
    %swap3A_1930 = vector.shape_cast %select_n3A_1924 : vector<16xf32> to vector<1x16xf32>
    tpu.vector_store %arg11[%swap3A_1926, %swap3A_1927], %swap3A_1930 {strides = array<i32>} : memref<5x128xf32, #tpu.memory_space<vmem>>, vector<1x16xf32>,
    %get3A_1931 = arith.constant 3 : i32
    %get3A_1932 = arith.index_cast %get3A_1931 : i32 to index
    %get3A_1933 = arith.constant 0 : index
    %get3A_1934 = tpu.vector_load %arg12[%get3A_1932, %get3A_1933] {strides = array<i32>} : memref<5x128xf32, #tpu.memory_space<vmem>>, vector<1x16xf32>,
    %get3A_1935 = vector.shape_cast %get3A_1934 : vector<1x16xf32> to vector<16xf32>
    %select_n3A_1936 = arith.select %lt3A_1918, %broadcast_in_dim3A_856, %get3A_1935 : vector<16xi1>, vector<16xf32>
    %swap3A_1937 = arith.constant 3 : i32
    %swap3A_1938 = arith.index_cast %swap3A_1937 : i32 to index
    %swap3A_1939 = arith.constant 0 : index
    %swap3A_1940 = tpu.vector_load %arg12[%swap3A_1938, %swap3A_1939] {strides = array<i32>} : memref<5x128xf32, #tpu.memory_space<vmem>>, vector<1x16xf32>,
    %swap3A_1941 = vector.shape_cast %swap3A_1940 : vector<1x16xf32> to vector<16xf32>
    %swap3A_1942 = vector.shape_cast %select_n3A_1936 : vector<16xf32> to vector<1x16xf32>
    tpu.vector_store %arg12[%swap3A_1938, %swap3A_1939], %swap3A_1942 {strides = array<i32>} : memref<5x128xf32, #tpu.memory_space<vmem>>, vector<1x16xf32>,
    %get3A_1943 = arith.constant 3 : i32
    %get3A_1944 = arith.index_cast %get3A_1943 : i32 to index
    %get3A_1945 = arith.constant 0 : index
    %get3A_1946 = tpu.vector_load %arg13[%get3A_1944, %get3A_1945] {strides = array<i32>} : memref<5x128xf32, #tpu.memory_space<vmem>>, vector<1x16xf32>,
    %get3A_1947 = vector.shape_cast %get3A_1946 : vector<1x16xf32> to vector<16xf32>
    %select_n3A_1948 = arith.select %lt3A_1918, %broadcast_in_dim3A_856, %get3A_1947 : vector<16xi1>, vector<16xf32>
    %swap3A_1949 = arith.constant 3 : i32
    %swap3A_1950 = arith.index_cast %swap3A_1949 : i32 to index
    %swap3A_1951 = arith.constant 0 : index
    %swap3A_1952 = tpu.vector_load %arg13[%swap3A_1950, %swap3A_1951] {strides = array<i32>} : memref<5x128xf32, #tpu.memory_space<vmem>>, vector<1x16xf32>,
    %swap3A_1953 = vector.shape_cast %swap3A_1952 : vector<1x16xf32> to vector<16xf32>
    %swap3A_1954 = vector.shape_cast %select_n3A_1948 : vector<16xf32> to vector<1x16xf32>
    tpu.vector_store %arg13[%swap3A_1950, %swap3A_1951], %swap3A_1954 {strides = array<i32>} : memref<5x128xf32, #tpu.memory_space<vmem>>, vector<1x16xf32>,
    %get3A_1955 = arith.constant 3 : i32
    %get3A_1956 = arith.index_cast %get3A_1955 : i32 to index
    %get3A_1957 = arith.constant 16 : index
    %get3A_1958 = tpu.vector_load %arg9[%get3A_1956, %get3A_1957] {strides = array<i32>} : memref<5x128xi32, #tpu.memory_space<vmem>>, vector<1x16xi32>,
    %get3A_1959 = vector.shape_cast %get3A_1958 : vector<1x16xi32> to vector<16xi32>
    %lt3A_1960 = arith.constant 0 : i32
    %lt3A_1961 = vector.broadcast %lt3A_1960 : i32 to vector<16xi32>
    %lt3A_1962 = arith.cmpi slt, %get3A_1959, %lt3A_1961 : vector<16xi32>
    %get3A_1963 = arith.constant 3 : i32
    %get3A_1964 = arith.index_cast %get3A_1963 : i32 to index
    %get3A_1965 = arith.constant 16 : index
    %get3A_1966 = tpu.vector_load %arg11[%get3A_1964, %get3A_1965] {strides = array<i32>} : memref<5x128xf32, #tpu.memory_space<vmem>>, vector<1x16xf32>,
    %get3A_1967 = vector.shape_cast %get3A_1966 : vector<1x16xf32> to vector<16xf32>
    %select_n3A_1968 = arith.select %lt3A_1962, %broadcast_in_dim3A_856, %get3A_1967 : vector<16xi1>, vector<16xf32>
    %swap3A_1969 = arith.constant 3 : i32
    %swap3A_1970 = arith.index_cast %swap3A_1969 : i32 to index
    %swap3A_1971 = arith.constant 16 : index
    %swap3A_1972 = tpu.vector_load %arg11[%swap3A_1970, %swap3A_1971] {strides = array<i32>} : memref<5x128xf32, #tpu.memory_space<vmem>>, vector<1x16xf32>,
    %swap3A_1973 = vector.shape_cast %swap3A_1972 : vector<1x16xf32> to vector<16xf32>
    %swap3A_1974 = vector.shape_cast %select_n3A_1968 : vector<16xf32> to vector<1x16xf32>
    tpu.vector_store %arg11[%swap3A_1970, %swap3A_1971], %swap3A_1974 {strides = array<i32>} : memref<5x128xf32, #tpu.memory_space<vmem>>, vector<1x16xf32>,
    %get3A_1975 = arith.constant 3 : i32
    %get3A_1976 = arith.index_cast %get3A_1975 : i32 to index
    %get3A_1977 = arith.constant 16 : index
    %get3A_1978 = tpu.vector_load %arg12[%get3A_1976, %get3A_1977] {strides = array<i32>} : memref<5x128xf32, #tpu.memory_space<vmem>>, vector<1x16xf32>,
    %get3A_1979 = vector.shape_cast %get3A_1978 : vector<1x16xf32> to vector<16xf32>
    %select_n3A_1980 = arith.select %lt3A_1962, %broadcast_in_dim3A_856, %get3A_1979 : vector<16xi1>, vector<16xf32>
    %swap3A_1981 = arith.constant 3 : i32
    %swap3A_1982 = arith.index_cast %swap3A_1981 : i32 to index
    %swap3A_1983 = arith.constant 16 : index
    %swap3A_1984 = tpu.vector_load %arg12[%swap3A_1982, %swap3A_1983] {strides = array<i32>} : memref<5x128xf32, #tpu.memory_space<vmem>>, vector<1x16xf32>,
    %swap3A_1985 = vector.shape_cast %swap3A_1984 : vector<1x16xf32> to vector<16xf32>
    %swap3A_1986 = vector.shape_cast %select_n3A_1980 : vector<16xf32> to vector<1x16xf32>
    tpu.vector_store %arg12[%swap3A_1982, %swap3A_1983], %swap3A_1986 {strides = array<i32>} : memref<5x128xf32, #tpu.memory_space<vmem>>, vector<1x16xf32>,
    %get3A_1987 = arith.constant 3 : i32
    %get3A_1988 = arith.index_cast %get3A_1987 : i32 to index
    %get3A_1989 = arith.constant 16 : index
    %get3A_1990 = tpu.vector_load %arg13[%get3A_1988, %get3A_1989] {strides = array<i32>} : memref<5x128xf32, #tpu.memory_space<vmem>>, vector<1x16xf32>,
    %get3A_1991 = vector.shape_cast %get3A_1990 : vector<1x16xf32> to vector<16xf32>
    %select_n3A_1992 = arith.select %lt3A_1962, %broadcast_in_dim3A_856, %get3A_1991 : vector<16xi1>, vector<16xf32>
    %swap3A_1993 = arith.constant 3 : i32
    %swap3A_1994 = arith.index_cast %swap3A_1993 : i32 to index
    %swap3A_1995 = arith.constant 16 : index
    %swap3A_1996 = tpu.vector_load %arg13[%swap3A_1994, %swap3A_1995] {strides = array<i32>} : memref<5x128xf32, #tpu.memory_space<vmem>>, vector<1x16xf32>,
    %swap3A_1997 = vector.shape_cast %swap3A_1996 : vector<1x16xf32> to vector<16xf32>
    %swap3A_1998 = vector.shape_cast %select_n3A_1992 : vector<16xf32> to vector<1x16xf32>
    tpu.vector_store %arg13[%swap3A_1994, %swap3A_1995], %swap3A_1998 {strides = array<i32>} : memref<5x128xf32, #tpu.memory_space<vmem>>, vector<1x16xf32>,
    %get3A_1999 = arith.constant 3 : i32
    %get3A_2000 = arith.index_cast %get3A_1999 : i32 to index
    %get3A_2001 = arith.constant 32 : index
    %get3A_2002 = tpu.vector_load %arg9[%get3A_2000, %get3A_2001] {strides = array<i32>} : memref<5x128xi32, #tpu.memory_space<vmem>>, vector<1x16xi32>,
    %get3A_2003 = vector.shape_cast %get3A_2002 : vector<1x16xi32> to vector<16xi32>
    %lt3A_2004 = arith.constant 0 : i32
    %lt3A_2005 = vector.broadcast %lt3A_2004 : i32 to vector<16xi32>
    %lt3A_2006 = arith.cmpi slt, %get3A_2003, %lt3A_2005 : vector<16xi32>
    %get3A_2007 = arith.constant 3 : i32
    %get3A_2008 = arith.index_cast %get3A_2007 : i32 to index
    %get3A_2009 = arith.constant 32 : index
    %get3A_2010 = tpu.vector_load %arg11[%get3A_2008, %get3A_2009] {strides = array<i32>} : memref<5x128xf32, #tpu.memory_space<vmem>>, vector<1x16xf32>,
    %get3A_2011 = vector.shape_cast %get3A_2010 : vector<1x16xf32> to vector<16xf32>
    %select_n3A_2012 = arith.select %lt3A_2006, %broadcast_in_dim3A_856, %get3A_2011 : vector<16xi1>, vector<16xf32>
    %swap3A_2013 = arith.constant 3 : i32
    %swap3A_2014 = arith.index_cast %swap3A_2013 : i32 to index
    %swap3A_2015 = arith.constant 32 : index
    %swap3A_2016 = tpu.vector_load %arg11[%swap3A_2014, %swap3A_2015] {strides = array<i32>} : memref<5x128xf32, #tpu.memory_space<vmem>>, vector<1x16xf32>,
    %swap3A_2017 = vector.shape_cast %swap3A_2016 : vector<1x16xf32> to vector<16xf32>
    %swap3A_2018 = vector.shape_cast %select_n3A_2012 : vector<16xf32> to vector<1x16xf32>
    tpu.vector_store %arg11[%swap3A_2014, %swap3A_2015], %swap3A_2018 {strides = array<i32>} : memref<5x128xf32, #tpu.memory_space<vmem>>, vector<1x16xf32>,
    %get3A_2019 = arith.constant 3 : i32
    %get3A_2020 = arith.index_cast %get3A_2019 : i32 to index
    %get3A_2021 = arith.constant 32 : index
    %get3A_2022 = tpu.vector_load %arg12[%get3A_2020, %get3A_2021] {strides = array<i32>} : memref<5x128xf32, #tpu.memory_space<vmem>>, vector<1x16xf32>,
    %get3A_2023 = vector.shape_cast %get3A_2022 : vector<1x16xf32> to vector<16xf32>
    %select_n3A_2024 = arith.select %lt3A_2006, %broadcast_in_dim3A_856, %get3A_2023 : vector<16xi1>, vector<16xf32>
    %swap3A_2025 = arith.constant 3 : i32
    %swap3A_2026 = arith.index_cast %swap3A_2025 : i32 to index
    %swap3A_2027 = arith.constant 32 : index
    %swap3A_2028 = tpu.vector_load %arg12[%swap3A_2026, %swap3A_2027] {strides = array<i32>} : memref<5x128xf32, #tpu.memory_space<vmem>>, vector<1x16xf32>,
    %swap3A_2029 = vector.shape_cast %swap3A_2028 : vector<1x16xf32> to vector<16xf32>
    %swap3A_2030 = vector.shape_cast %select_n3A_2024 : vector<16xf32> to vector<1x16xf32>
    tpu.vector_store %arg12[%swap3A_2026, %swap3A_2027], %swap3A_2030 {strides = array<i32>} : memref<5x128xf32, #tpu.memory_space<vmem>>, vector<1x16xf32>,
    %get3A_2031 = arith.constant 3 : i32
    %get3A_2032 = arith.index_cast %get3A_2031 : i32 to index
    %get3A_2033 = arith.constant 32 : index
    %get3A_2034 = tpu.vector_load %arg13[%get3A_2032, %get3A_2033] {strides = array<i32>} : memref<5x128xf32, #tpu.memory_space<vmem>>, vector<1x16xf32>,
    %get3A_2035 = vector.shape_cast %get3A_2034 : vector<1x16xf32> to vector<16xf32>
    %select_n3A_2036 = arith.select %lt3A_2006, %broadcast_in_dim3A_856, %get3A_2035 : vector<16xi1>, vector<16xf32>
    %swap3A_2037 = arith.constant 3 : i32
    %swap3A_2038 = arith.index_cast %swap3A_2037 : i32 to index
    %swap3A_2039 = arith.constant 32 : index
    %swap3A_2040 = tpu.vector_load %arg13[%swap3A_2038, %swap3A_2039] {strides = array<i32>} : memref<5x128xf32, #tpu.memory_space<vmem>>, vector<1x16xf32>,
    %swap3A_2041 = vector.shape_cast %swap3A_2040 : vector<1x16xf32> to vector<16xf32>
    %swap3A_2042 = vector.shape_cast %select_n3A_2036 : vector<16xf32> to vector<1x16xf32>
    tpu.vector_store %arg13[%swap3A_2038, %swap3A_2039], %swap3A_2042 {strides = array<i32>} : memref<5x128xf32, #tpu.memory_space<vmem>>, vector<1x16xf32>,
    %get3A_2043 = arith.constant 3 : i32
    %get3A_2044 = arith.index_cast %get3A_2043 : i32 to index
    %get3A_2045 = arith.constant 48 : index
    %get3A_2046 = tpu.vector_load %arg9[%get3A_2044, %get3A_2045] {strides = array<i32>} : memref<5x128xi32, #tpu.memory_space<vmem>>, vector<1x16xi32>,
    %get3A_2047 = vector.shape_cast %get3A_2046 : vector<1x16xi32> to vector<16xi32>
    %lt3A_2048 = arith.constant 0 : i32
    %lt3A_2049 = vector.broadcast %lt3A_2048 : i32 to vector<16xi32>
    %lt3A_2050 = arith.cmpi slt, %get3A_2047, %lt3A_2049 : vector<16xi32>
    %get3A_2051 = arith.constant 3 : i32
    %get3A_2052 = arith.index_cast %get3A_2051 : i32 to index
    %get3A_2053 = arith.constant 48 : index
    %get3A_2054 = tpu.vector_load %arg11[%get3A_2052, %get3A_2053] {strides = array<i32>} : memref<5x128xf32, #tpu.memory_space<vmem>>, vector<1x16xf32>,
    %get3A_2055 = vector.shape_cast %get3A_2054 : vector<1x16xf32> to vector<16xf32>
    %select_n3A_2056 = arith.select %lt3A_2050, %broadcast_in_dim3A_856, %get3A_2055 : vector<16xi1>, vector<16xf32>
    %swap3A_2057 = arith.constant 3 : i32
    %swap3A_2058 = arith.index_cast %swap3A_2057 : i32 to index
    %swap3A_2059 = arith.constant 48 : index
    %swap3A_2060 = tpu.vector_load %arg11[%swap3A_2058, %swap3A_2059] {strides = array<i32>} : memref<5x128xf32, #tpu.memory_space<vmem>>, vector<1x16xf32>,
    %swap3A_2061 = vector.shape_cast %swap3A_2060 : vector<1x16xf32> to vector<16xf32>
    %swap3A_2062 = vector.shape_cast %select_n3A_2056 : vector<16xf32> to vector<1x16xf32>
    tpu.vector_store %arg11[%swap3A_2058, %swap3A_2059], %swap3A_2062 {strides = array<i32>} : memref<5x128xf32, #tpu.memory_space<vmem>>, vector<1x16xf32>,
    %get3A_2063 = arith.constant 3 : i32
    %get3A_2064 = arith.index_cast %get3A_2063 : i32 to index
    %get3A_2065 = arith.constant 48 : index
    %get3A_2066 = tpu.vector_load %arg12[%get3A_2064, %get3A_2065] {strides = array<i32>} : memref<5x128xf32, #tpu.memory_space<vmem>>, vector<1x16xf32>,
    %get3A_2067 = vector.shape_cast %get3A_2066 : vector<1x16xf32> to vector<16xf32>
    %select_n3A_2068 = arith.select %lt3A_2050, %broadcast_in_dim3A_856, %get3A_2067 : vector<16xi1>, vector<16xf32>
    %swap3A_2069 = arith.constant 3 : i32
    %swap3A_2070 = arith.index_cast %swap3A_2069 : i32 to index
    %swap3A_2071 = arith.constant 48 : index
    %swap3A_2072 = tpu.vector_load %arg12[%swap3A_2070, %swap3A_2071] {strides = array<i32>} : memref<5x128xf32, #tpu.memory_space<vmem>>, vector<1x16xf32>,
    %swap3A_2073 = vector.shape_cast %swap3A_2072 : vector<1x16xf32> to vector<16xf32>
    %swap3A_2074 = vector.shape_cast %select_n3A_2068 : vector<16xf32> to vector<1x16xf32>
    tpu.vector_store %arg12[%swap3A_2070, %swap3A_2071], %swap3A_2074 {strides = array<i32>} : memref<5x128xf32, #tpu.memory_space<vmem>>, vector<1x16xf32>,
    %get3A_2075 = arith.constant 3 : i32
    %get3A_2076 = arith.index_cast %get3A_2075 : i32 to index
    %get3A_2077 = arith.constant 48 : index
    %get3A_2078 = tpu.vector_load %arg13[%get3A_2076, %get3A_2077] {strides = array<i32>} : memref<5x128xf32, #tpu.memory_space<vmem>>, vector<1x16xf32>,
    %get3A_2079 = vector.shape_cast %get3A_2078 : vector<1x16xf32> to vector<16xf32>
    %select_n3A_2080 = arith.select %lt3A_2050, %broadcast_in_dim3A_856, %get3A_2079 : vector<16xi1>, vector<16xf32>
    %swap3A_2081 = arith.constant 3 : i32
    %swap3A_2082 = arith.index_cast %swap3A_2081 : i32 to index
    %swap3A_2083 = arith.constant 48 : index
    %swap3A_2084 = tpu.vector_load %arg13[%swap3A_2082, %swap3A_2083] {strides = array<i32>} : memref<5x128xf32, #tpu.memory_space<vmem>>, vector<1x16xf32>,
    %swap3A_2085 = vector.shape_cast %swap3A_2084 : vector<1x16xf32> to vector<16xf32>
    %swap3A_2086 = vector.shape_cast %select_n3A_2080 : vector<16xf32> to vector<1x16xf32>
    tpu.vector_store %arg13[%swap3A_2082, %swap3A_2083], %swap3A_2086 {strides = array<i32>} : memref<5x128xf32, #tpu.memory_space<vmem>>, vector<1x16xf32>,
    %get3A_2087 = arith.constant 3 : i32
    %get3A_2088 = arith.index_cast %get3A_2087 : i32 to index
    %get3A_2089 = arith.constant 64 : index
    %get3A_2090 = tpu.vector_load %arg9[%get3A_2088, %get3A_2089] {strides = array<i32>} : memref<5x128xi32, #tpu.memory_space<vmem>>, vector<1x16xi32>,
    %get3A_2091 = vector.shape_cast %get3A_2090 : vector<1x16xi32> to vector<16xi32>
    %lt3A_2092 = arith.constant 0 : i32
    %lt3A_2093 = vector.broadcast %lt3A_2092 : i32 to vector<16xi32>
    %lt3A_2094 = arith.cmpi slt, %get3A_2091, %lt3A_2093 : vector<16xi32>
    %get3A_2095 = arith.constant 3 : i32
    %get3A_2096 = arith.index_cast %get3A_2095 : i32 to index
    %get3A_2097 = arith.constant 64 : index
    %get3A_2098 = tpu.vector_load %arg11[%get3A_2096, %get3A_2097] {strides = array<i32>} : memref<5x128xf32, #tpu.memory_space<vmem>>, vector<1x16xf32>,
    %get3A_2099 = vector.shape_cast %get3A_2098 : vector<1x16xf32> to vector<16xf32>
    %select_n3A_2100 = arith.select %lt3A_2094, %broadcast_in_dim3A_856, %get3A_2099 : vector<16xi1>, vector<16xf32>
    %swap3A_2101 = arith.constant 3 : i32
    %swap3A_2102 = arith.index_cast %swap3A_2101 : i32 to index
    %swap3A_2103 = arith.constant 64 : index
    %swap3A_2104 = tpu.vector_load %arg11[%swap3A_2102, %swap3A_2103] {strides = array<i32>} : memref<5x128xf32, #tpu.memory_space<vmem>>, vector<1x16xf32>,
    %swap3A_2105 = vector.shape_cast %swap3A_2104 : vector<1x16xf32> to vector<16xf32>
    %swap3A_2106 = vector.shape_cast %select_n3A_2100 : vector<16xf32> to vector<1x16xf32>
    tpu.vector_store %arg11[%swap3A_2102, %swap3A_2103], %swap3A_2106 {strides = array<i32>} : memref<5x128xf32, #tpu.memory_space<vmem>>, vector<1x16xf32>,
    %get3A_2107 = arith.constant 3 : i32
    %get3A_2108 = arith.index_cast %get3A_2107 : i32 to index
    %get3A_2109 = arith.constant 64 : index
    %get3A_2110 = tpu.vector_load %arg12[%get3A_2108, %get3A_2109] {strides = array<i32>} : memref<5x128xf32, #tpu.memory_space<vmem>>, vector<1x16xf32>,
    %get3A_2111 = vector.shape_cast %get3A_2110 : vector<1x16xf32> to vector<16xf32>
    %select_n3A_2112 = arith.select %lt3A_2094, %broadcast_in_dim3A_856, %get3A_2111 : vector<16xi1>, vector<16xf32>
    %swap3A_2113 = arith.constant 3 : i32
    %swap3A_2114 = arith.index_cast %swap3A_2113 : i32 to index
    %swap3A_2115 = arith.constant 64 : index
    %swap3A_2116 = tpu.vector_load %arg12[%swap3A_2114, %swap3A_2115] {strides = array<i32>} : memref<5x128xf32, #tpu.memory_space<vmem>>, vector<1x16xf32>,
    %swap3A_2117 = vector.shape_cast %swap3A_2116 : vector<1x16xf32> to vector<16xf32>
    %swap3A_2118 = vector.shape_cast %select_n3A_2112 : vector<16xf32> to vector<1x16xf32>
    tpu.vector_store %arg12[%swap3A_2114, %swap3A_2115], %swap3A_2118 {strides = array<i32>} : memref<5x128xf32, #tpu.memory_space<vmem>>, vector<1x16xf32>,
    %get3A_2119 = arith.constant 3 : i32
    %get3A_2120 = arith.index_cast %get3A_2119 : i32 to index
    %get3A_2121 = arith.constant 64 : index
    %get3A_2122 = tpu.vector_load %arg13[%get3A_2120, %get3A_2121] {strides = array<i32>} : memref<5x128xf32, #tpu.memory_space<vmem>>, vector<1x16xf32>,
    %get3A_2123 = vector.shape_cast %get3A_2122 : vector<1x16xf32> to vector<16xf32>
    %select_n3A_2124 = arith.select %lt3A_2094, %broadcast_in_dim3A_856, %get3A_2123 : vector<16xi1>, vector<16xf32>
    %swap3A_2125 = arith.constant 3 : i32
    %swap3A_2126 = arith.index_cast %swap3A_2125 : i32 to index
    %swap3A_2127 = arith.constant 64 : index
    %swap3A_2128 = tpu.vector_load %arg13[%swap3A_2126, %swap3A_2127] {strides = array<i32>} : memref<5x128xf32, #tpu.memory_space<vmem>>, vector<1x16xf32>,
    %swap3A_2129 = vector.shape_cast %swap3A_2128 : vector<1x16xf32> to vector<16xf32>
    %swap3A_2130 = vector.shape_cast %select_n3A_2124 : vector<16xf32> to vector<1x16xf32>
    tpu.vector_store %arg13[%swap3A_2126, %swap3A_2127], %swap3A_2130 {strides = array<i32>} : memref<5x128xf32, #tpu.memory_space<vmem>>, vector<1x16xf32>,
    %get3A_2131 = arith.constant 3 : i32
    %get3A_2132 = arith.index_cast %get3A_2131 : i32 to index
    %get3A_2133 = arith.constant 80 : index
    %get3A_2134 = tpu.vector_load %arg9[%get3A_2132, %get3A_2133] {strides = array<i32>} : memref<5x128xi32, #tpu.memory_space<vmem>>, vector<1x16xi32>,
    %get3A_2135 = vector.shape_cast %get3A_2134 : vector<1x16xi32> to vector<16xi32>
    %lt3A_2136 = arith.constant 0 : i32
    %lt3A_2137 = vector.broadcast %lt3A_2136 : i32 to vector<16xi32>
    %lt3A_2138 = arith.cmpi slt, %get3A_2135, %lt3A_2137 : vector<16xi32>
    %get3A_2139 = arith.constant 3 : i32
    %get3A_2140 = arith.index_cast %get3A_2139 : i32 to index
    %get3A_2141 = arith.constant 80 : index
    %get3A_2142 = tpu.vector_load %arg11[%get3A_2140, %get3A_2141] {strides = array<i32>} : memref<5x128xf32, #tpu.memory_space<vmem>>, vector<1x16xf32>,
    %get3A_2143 = vector.shape_cast %get3A_2142 : vector<1x16xf32> to vector<16xf32>
    %select_n3A_2144 = arith.select %lt3A_2138, %broadcast_in_dim3A_856, %get3A_2143 : vector<16xi1>, vector<16xf32>
    %swap3A_2145 = arith.constant 3 : i32
    %swap3A_2146 = arith.index_cast %swap3A_2145 : i32 to index
    %swap3A_2147 = arith.constant 80 : index
    %swap3A_2148 = tpu.vector_load %arg11[%swap3A_2146, %swap3A_2147] {strides = array<i32>} : memref<5x128xf32, #tpu.memory_space<vmem>>, vector<1x16xf32>,
    %swap3A_2149 = vector.shape_cast %swap3A_2148 : vector<1x16xf32> to vector<16xf32>
    %swap3A_2150 = vector.shape_cast %select_n3A_2144 : vector<16xf32> to vector<1x16xf32>
    tpu.vector_store %arg11[%swap3A_2146, %swap3A_2147], %swap3A_2150 {strides = array<i32>} : memref<5x128xf32, #tpu.memory_space<vmem>>, vector<1x16xf32>,
    %get3A_2151 = arith.constant 3 : i32
    %get3A_2152 = arith.index_cast %get3A_2151 : i32 to index
    %get3A_2153 = arith.constant 80 : index
    %get3A_2154 = tpu.vector_load %arg12[%get3A_2152, %get3A_2153] {strides = array<i32>} : memref<5x128xf32, #tpu.memory_space<vmem>>, vector<1x16xf32>,
    %get3A_2155 = vector.shape_cast %get3A_2154 : vector<1x16xf32> to vector<16xf32>
    %select_n3A_2156 = arith.select %lt3A_2138, %broadcast_in_dim3A_856, %get3A_2155 : vector<16xi1>, vector<16xf32>
    %swap3A_2157 = arith.constant 3 : i32
    %swap3A_2158 = arith.index_cast %swap3A_2157 : i32 to index
    %swap3A_2159 = arith.constant 80 : index
    %swap3A_2160 = tpu.vector_load %arg12[%swap3A_2158, %swap3A_2159] {strides = array<i32>} : memref<5x128xf32, #tpu.memory_space<vmem>>, vector<1x16xf32>,
    %swap3A_2161 = vector.shape_cast %swap3A_2160 : vector<1x16xf32> to vector<16xf32>
    %swap3A_2162 = vector.shape_cast %select_n3A_2156 : vector<16xf32> to vector<1x16xf32>
    tpu.vector_store %arg12[%swap3A_2158, %swap3A_2159], %swap3A_2162 {strides = array<i32>} : memref<5x128xf32, #tpu.memory_space<vmem>>, vector<1x16xf32>,
    %get3A_2163 = arith.constant 3 : i32
    %get3A_2164 = arith.index_cast %get3A_2163 : i32 to index
    %get3A_2165 = arith.constant 80 : index
    %get3A_2166 = tpu.vector_load %arg13[%get3A_2164, %get3A_2165] {strides = array<i32>} : memref<5x128xf32, #tpu.memory_space<vmem>>, vector<1x16xf32>,
    %get3A_2167 = vector.shape_cast %get3A_2166 : vector<1x16xf32> to vector<16xf32>
    %select_n3A_2168 = arith.select %lt3A_2138, %broadcast_in_dim3A_856, %get3A_2167 : vector<16xi1>, vector<16xf32>
    %swap3A_2169 = arith.constant 3 : i32
    %swap3A_2170 = arith.index_cast %swap3A_2169 : i32 to index
    %swap3A_2171 = arith.constant 80 : index
    %swap3A_2172 = tpu.vector_load %arg13[%swap3A_2170, %swap3A_2171] {strides = array<i32>} : memref<5x128xf32, #tpu.memory_space<vmem>>, vector<1x16xf32>,
    %swap3A_2173 = vector.shape_cast %swap3A_2172 : vector<1x16xf32> to vector<16xf32>
    %swap3A_2174 = vector.shape_cast %select_n3A_2168 : vector<16xf32> to vector<1x16xf32>
    tpu.vector_store %arg13[%swap3A_2170, %swap3A_2171], %swap3A_2174 {strides = array<i32>} : memref<5x128xf32, #tpu.memory_space<vmem>>, vector<1x16xf32>,
    %get3A_2175 = arith.constant 3 : i32
    %get3A_2176 = arith.index_cast %get3A_2175 : i32 to index
    %get3A_2177 = arith.constant 96 : index
    %get3A_2178 = tpu.vector_load %arg9[%get3A_2176, %get3A_2177] {strides = array<i32>} : memref<5x128xi32, #tpu.memory_space<vmem>>, vector<1x16xi32>,
    %get3A_2179 = vector.shape_cast %get3A_2178 : vector<1x16xi32> to vector<16xi32>
    %lt3A_2180 = arith.constant 0 : i32
    %lt3A_2181 = vector.broadcast %lt3A_2180 : i32 to vector<16xi32>
    %lt3A_2182 = arith.cmpi slt, %get3A_2179, %lt3A_2181 : vector<16xi32>
    %get3A_2183 = arith.constant 3 : i32
    %get3A_2184 = arith.index_cast %get3A_2183 : i32 to index
    %get3A_2185 = arith.constant 96 : index
    %get3A_2186 = tpu.vector_load %arg11[%get3A_2184, %get3A_2185] {strides = array<i32>} : memref<5x128xf32, #tpu.memory_space<vmem>>, vector<1x16xf32>,
    %get3A_2187 = vector.shape_cast %get3A_2186 : vector<1x16xf32> to vector<16xf32>
    %select_n3A_2188 = arith.select %lt3A_2182, %broadcast_in_dim3A_856, %get3A_2187 : vector<16xi1>, vector<16xf32>
    %swap3A_2189 = arith.constant 3 : i32
    %swap3A_2190 = arith.index_cast %swap3A_2189 : i32 to index
    %swap3A_2191 = arith.constant 96 : index
    %swap3A_2192 = tpu.vector_load %arg11[%swap3A_2190, %swap3A_2191] {strides = array<i32>} : memref<5x128xf32, #tpu.memory_space<vmem>>, vector<1x16xf32>,
    %swap3A_2193 = vector.shape_cast %swap3A_2192 : vector<1x16xf32> to vector<16xf32>
    %swap3A_2194 = vector.shape_cast %select_n3A_2188 : vector<16xf32> to vector<1x16xf32>
    tpu.vector_store %arg11[%swap3A_2190, %swap3A_2191], %swap3A_2194 {strides = array<i32>} : memref<5x128xf32, #tpu.memory_space<vmem>>, vector<1x16xf32>,
    %get3A_2195 = arith.constant 3 : i32
    %get3A_2196 = arith.index_cast %get3A_2195 : i32 to index
    %get3A_2197 = arith.constant 96 : index
    %get3A_2198 = tpu.vector_load %arg12[%get3A_2196, %get3A_2197] {strides = array<i32>} : memref<5x128xf32, #tpu.memory_space<vmem>>, vector<1x16xf32>,
    %get3A_2199 = vector.shape_cast %get3A_2198 : vector<1x16xf32> to vector<16xf32>
    %select_n3A_2200 = arith.select %lt3A_2182, %broadcast_in_dim3A_856, %get3A_2199 : vector<16xi1>, vector<16xf32>
    %swap3A_2201 = arith.constant 3 : i32
    %swap3A_2202 = arith.index_cast %swap3A_2201 : i32 to index
    %swap3A_2203 = arith.constant 96 : index
    %swap3A_2204 = tpu.vector_load %arg12[%swap3A_2202, %swap3A_2203] {strides = array<i32>} : memref<5x128xf32, #tpu.memory_space<vmem>>, vector<1x16xf32>,
    %swap3A_2205 = vector.shape_cast %swap3A_2204 : vector<1x16xf32> to vector<16xf32>
    %swap3A_2206 = vector.shape_cast %select_n3A_2200 : vector<16xf32> to vector<1x16xf32>
    tpu.vector_store %arg12[%swap3A_2202, %swap3A_2203], %swap3A_2206 {strides = array<i32>} : memref<5x128xf32, #tpu.memory_space<vmem>>, vector<1x16xf32>,
    %get3A_2207 = arith.constant 3 : i32
    %get3A_2208 = arith.index_cast %get3A_2207 : i32 to index
    %get3A_2209 = arith.constant 96 : index
    %get3A_2210 = tpu.vector_load %arg13[%get3A_2208, %get3A_2209] {strides = array<i32>} : memref<5x128xf32, #tpu.memory_space<vmem>>, vector<1x16xf32>,
    %get3A_2211 = vector.shape_cast %get3A_2210 : vector<1x16xf32> to vector<16xf32>
    %select_n3A_2212 = arith.select %lt3A_2182, %broadcast_in_dim3A_856, %get3A_2211 : vector<16xi1>, vector<16xf32>
    %swap3A_2213 = arith.constant 3 : i32
    %swap3A_2214 = arith.index_cast %swap3A_2213 : i32 to index
    %swap3A_2215 = arith.constant 96 : index
    %swap3A_2216 = tpu.vector_load %arg13[%swap3A_2214, %swap3A_2215] {strides = array<i32>} : memref<5x128xf32, #tpu.memory_space<vmem>>, vector<1x16xf32>,
    %swap3A_2217 = vector.shape_cast %swap3A_2216 : vector<1x16xf32> to vector<16xf32>
    %swap3A_2218 = vector.shape_cast %select_n3A_2212 : vector<16xf32> to vector<1x16xf32>
    tpu.vector_store %arg13[%swap3A_2214, %swap3A_2215], %swap3A_2218 {strides = array<i32>} : memref<5x128xf32, #tpu.memory_space<vmem>>, vector<1x16xf32>,
    %get3A_2219 = arith.constant 3 : i32
    %get3A_2220 = arith.index_cast %get3A_2219 : i32 to index
    %get3A_2221 = arith.constant 112 : index
    %get3A_2222 = tpu.vector_load %arg9[%get3A_2220, %get3A_2221] {strides = array<i32>} : memref<5x128xi32, #tpu.memory_space<vmem>>, vector<1x16xi32>,
    %get3A_2223 = vector.shape_cast %get3A_2222 : vector<1x16xi32> to vector<16xi32>
    %lt3A_2224 = arith.constant 0 : i32
    %lt3A_2225 = vector.broadcast %lt3A_2224 : i32 to vector<16xi32>
    %lt3A_2226 = arith.cmpi slt, %get3A_2223, %lt3A_2225 : vector<16xi32>
    %get3A_2227 = arith.constant 3 : i32
    %get3A_2228 = arith.index_cast %get3A_2227 : i32 to index
    %get3A_2229 = arith.constant 112 : index
    %get3A_2230 = tpu.vector_load %arg11[%get3A_2228, %get3A_2229] {strides = array<i32>} : memref<5x128xf32, #tpu.memory_space<vmem>>, vector<1x16xf32>,
    %get3A_2231 = vector.shape_cast %get3A_2230 : vector<1x16xf32> to vector<16xf32>
    %select_n3A_2232 = arith.select %lt3A_2226, %broadcast_in_dim3A_856, %get3A_2231 : vector<16xi1>, vector<16xf32>
    %swap3A_2233 = arith.constant 3 : i32
    %swap3A_2234 = arith.index_cast %swap3A_2233 : i32 to index
    %swap3A_2235 = arith.constant 112 : index
    %swap3A_2236 = tpu.vector_load %arg11[%swap3A_2234, %swap3A_2235] {strides = array<i32>} : memref<5x128xf32, #tpu.memory_space<vmem>>, vector<1x16xf32>,
    %swap3A_2237 = vector.shape_cast %swap3A_2236 : vector<1x16xf32> to vector<16xf32>
    %swap3A_2238 = vector.shape_cast %select_n3A_2232 : vector<16xf32> to vector<1x16xf32>
    tpu.vector_store %arg11[%swap3A_2234, %swap3A_2235], %swap3A_2238 {strides = array<i32>} : memref<5x128xf32, #tpu.memory_space<vmem>>, vector<1x16xf32>,
    %get3A_2239 = arith.constant 3 : i32
    %get3A_2240 = arith.index_cast %get3A_2239 : i32 to index
    %get3A_2241 = arith.constant 112 : index
    %get3A_2242 = tpu.vector_load %arg12[%get3A_2240, %get3A_2241] {strides = array<i32>} : memref<5x128xf32, #tpu.memory_space<vmem>>, vector<1x16xf32>,
    %get3A_2243 = vector.shape_cast %get3A_2242 : vector<1x16xf32> to vector<16xf32>
    %select_n3A_2244 = arith.select %lt3A_2226, %broadcast_in_dim3A_856, %get3A_2243 : vector<16xi1>, vector<16xf32>
    %swap3A_2245 = arith.constant 3 : i32
    %swap3A_2246 = arith.index_cast %swap3A_2245 : i32 to index
    %swap3A_2247 = arith.constant 112 : index
    %swap3A_2248 = tpu.vector_load %arg12[%swap3A_2246, %swap3A_2247] {strides = array<i32>} : memref<5x128xf32, #tpu.memory_space<vmem>>, vector<1x16xf32>,
    %swap3A_2249 = vector.shape_cast %swap3A_2248 : vector<1x16xf32> to vector<16xf32>
    %swap3A_2250 = vector.shape_cast %select_n3A_2244 : vector<16xf32> to vector<1x16xf32>
    tpu.vector_store %arg12[%swap3A_2246, %swap3A_2247], %swap3A_2250 {strides = array<i32>} : memref<5x128xf32, #tpu.memory_space<vmem>>, vector<1x16xf32>,
    %get3A_2251 = arith.constant 3 : i32
    %get3A_2252 = arith.index_cast %get3A_2251 : i32 to index
    %get3A_2253 = arith.constant 112 : index
    %get3A_2254 = tpu.vector_load %arg13[%get3A_2252, %get3A_2253] {strides = array<i32>} : memref<5x128xf32, #tpu.memory_space<vmem>>, vector<1x16xf32>,
    %get3A_2255 = vector.shape_cast %get3A_2254 : vector<1x16xf32> to vector<16xf32>
    %select_n3A_2256 = arith.select %lt3A_2226, %broadcast_in_dim3A_856, %get3A_2255 : vector<16xi1>, vector<16xf32>
    %swap3A_2257 = arith.constant 3 : i32
    %swap3A_2258 = arith.index_cast %swap3A_2257 : i32 to index
    %swap3A_2259 = arith.constant 112 : index
    %swap3A_2260 = tpu.vector_load %arg13[%swap3A_2258, %swap3A_2259] {strides = array<i32>} : memref<5x128xf32, #tpu.memory_space<vmem>>, vector<1x16xf32>,
    %swap3A_2261 = vector.shape_cast %swap3A_2260 : vector<1x16xf32> to vector<16xf32>
    %swap3A_2262 = vector.shape_cast %select_n3A_2256 : vector<16xf32> to vector<1x16xf32>
    tpu.vector_store %arg13[%swap3A_2258, %swap3A_2259], %swap3A_2262 {strides = array<i32>} : memref<5x128xf32, #tpu.memory_space<vmem>>, vector<1x16xf32>,
    %get3A_2263 = arith.constant 4 : i32
    %get3A_2264 = arith.index_cast %get3A_2263 : i32 to index
    %get3A_2265 = arith.constant 0 : index
    %get3A_2266 = tpu.vector_load %arg9[%get3A_2264, %get3A_2265] {strides = array<i32>} : memref<5x128xi32, #tpu.memory_space<vmem>>, vector<1x16xi32>,
    %get3A_2267 = vector.shape_cast %get3A_2266 : vector<1x16xi32> to vector<16xi32>
    %lt3A_2268 = arith.constant 0 : i32
    %lt3A_2269 = vector.broadcast %lt3A_2268 : i32 to vector<16xi32>
    %lt3A_2270 = arith.cmpi slt, %get3A_2267, %lt3A_2269 : vector<16xi32>
    %get3A_2271 = arith.constant 4 : i32
    %get3A_2272 = arith.index_cast %get3A_2271 : i32 to index
    %get3A_2273 = arith.constant 0 : index
    %get3A_2274 = tpu.vector_load %arg11[%get3A_2272, %get3A_2273] {strides = array<i32>} : memref<5x128xf32, #tpu.memory_space<vmem>>, vector<1x16xf32>,
    %get3A_2275 = vector.shape_cast %get3A_2274 : vector<1x16xf32> to vector<16xf32>
    %select_n3A_2276 = arith.select %lt3A_2270, %broadcast_in_dim3A_856, %get3A_2275 : vector<16xi1>, vector<16xf32>
    %swap3A_2277 = arith.constant 4 : i32
    %swap3A_2278 = arith.index_cast %swap3A_2277 : i32 to index
    %swap3A_2279 = arith.constant 0 : index
    %swap3A_2280 = tpu.vector_load %arg11[%swap3A_2278, %swap3A_2279] {strides = array<i32>} : memref<5x128xf32, #tpu.memory_space<vmem>>, vector<1x16xf32>,
    %swap3A_2281 = vector.shape_cast %swap3A_2280 : vector<1x16xf32> to vector<16xf32>
    %swap3A_2282 = vector.shape_cast %select_n3A_2276 : vector<16xf32> to vector<1x16xf32>
    tpu.vector_store %arg11[%swap3A_2278, %swap3A_2279], %swap3A_2282 {strides = array<i32>} : memref<5x128xf32, #tpu.memory_space<vmem>>, vector<1x16xf32>,
    %get3A_2283 = arith.constant 4 : i32
    %get3A_2284 = arith.index_cast %get3A_2283 : i32 to index
    %get3A_2285 = arith.constant 0 : index
    %get3A_2286 = tpu.vector_load %arg12[%get3A_2284, %get3A_2285] {strides = array<i32>} : memref<5x128xf32, #tpu.memory_space<vmem>>, vector<1x16xf32>,
    %get3A_2287 = vector.shape_cast %get3A_2286 : vector<1x16xf32> to vector<16xf32>
    %select_n3A_2288 = arith.select %lt3A_2270, %broadcast_in_dim3A_856, %get3A_2287 : vector<16xi1>, vector<16xf32>
    %swap3A_2289 = arith.constant 4 : i32
    %swap3A_2290 = arith.index_cast %swap3A_2289 : i32 to index
    %swap3A_2291 = arith.constant 0 : index
    %swap3A_2292 = tpu.vector_load %arg12[%swap3A_2290, %swap3A_2291] {strides = array<i32>} : memref<5x128xf32, #tpu.memory_space<vmem>>, vector<1x16xf32>,
    %swap3A_2293 = vector.shape_cast %swap3A_2292 : vector<1x16xf32> to vector<16xf32>
    %swap3A_2294 = vector.shape_cast %select_n3A_2288 : vector<16xf32> to vector<1x16xf32>
    tpu.vector_store %arg12[%swap3A_2290, %swap3A_2291], %swap3A_2294 {strides = array<i32>} : memref<5x128xf32, #tpu.memory_space<vmem>>, vector<1x16xf32>,
    %get3A_2295 = arith.constant 4 : i32
    %get3A_2296 = arith.index_cast %get3A_2295 : i32 to index
    %get3A_2297 = arith.constant 0 : index
    %get3A_2298 = tpu.vector_load %arg13[%get3A_2296, %get3A_2297] {strides = array<i32>} : memref<5x128xf32, #tpu.memory_space<vmem>>, vector<1x16xf32>,
    %get3A_2299 = vector.shape_cast %get3A_2298 : vector<1x16xf32> to vector<16xf32>
    %select_n3A_2300 = arith.select %lt3A_2270, %broadcast_in_dim3A_856, %get3A_2299 : vector<16xi1>, vector<16xf32>
    %swap3A_2301 = arith.constant 4 : i32
    %swap3A_2302 = arith.index_cast %swap3A_2301 : i32 to index
    %swap3A_2303 = arith.constant 0 : index
    %swap3A_2304 = tpu.vector_load %arg13[%swap3A_2302, %swap3A_2303] {strides = array<i32>} : memref<5x128xf32, #tpu.memory_space<vmem>>, vector<1x16xf32>,
    %swap3A_2305 = vector.shape_cast %swap3A_2304 : vector<1x16xf32> to vector<16xf32>
    %swap3A_2306 = vector.shape_cast %select_n3A_2300 : vector<16xf32> to vector<1x16xf32>
    tpu.vector_store %arg13[%swap3A_2302, %swap3A_2303], %swap3A_2306 {strides = array<i32>} : memref<5x128xf32, #tpu.memory_space<vmem>>, vector<1x16xf32>,
    %get3A_2307 = arith.constant 4 : i32
    %get3A_2308 = arith.index_cast %get3A_2307 : i32 to index
    %get3A_2309 = arith.constant 16 : index
    %get3A_2310 = tpu.vector_load %arg9[%get3A_2308, %get3A_2309] {strides = array<i32>} : memref<5x128xi32, #tpu.memory_space<vmem>>, vector<1x16xi32>,
    %get3A_2311 = vector.shape_cast %get3A_2310 : vector<1x16xi32> to vector<16xi32>
    %lt3A_2312 = arith.constant 0 : i32
    %lt3A_2313 = vector.broadcast %lt3A_2312 : i32 to vector<16xi32>
    %lt3A_2314 = arith.cmpi slt, %get3A_2311, %lt3A_2313 : vector<16xi32>
    %get3A_2315 = arith.constant 4 : i32
    %get3A_2316 = arith.index_cast %get3A_2315 : i32 to index
    %get3A_2317 = arith.constant 16 : index
    %get3A_2318 = tpu.vector_load %arg11[%get3A_2316, %get3A_2317] {strides = array<i32>} : memref<5x128xf32, #tpu.memory_space<vmem>>, vector<1x16xf32>,
    %get3A_2319 = vector.shape_cast %get3A_2318 : vector<1x16xf32> to vector<16xf32>
    %select_n3A_2320 = arith.select %lt3A_2314, %broadcast_in_dim3A_856, %get3A_2319 : vector<16xi1>, vector<16xf32>
    %swap3A_2321 = arith.constant 4 : i32
    %swap3A_2322 = arith.index_cast %swap3A_2321 : i32 to index
    %swap3A_2323 = arith.constant 16 : index
    %swap3A_2324 = tpu.vector_load %arg11[%swap3A_2322, %swap3A_2323] {strides = array<i32>} : memref<5x128xf32, #tpu.memory_space<vmem>>, vector<1x16xf32>,
    %swap3A_2325 = vector.shape_cast %swap3A_2324 : vector<1x16xf32> to vector<16xf32>
    %swap3A_2326 = vector.shape_cast %select_n3A_2320 : vector<16xf32> to vector<1x16xf32>
    tpu.vector_store %arg11[%swap3A_2322, %swap3A_2323], %swap3A_2326 {strides = array<i32>} : memref<5x128xf32, #tpu.memory_space<vmem>>, vector<1x16xf32>,
    %get3A_2327 = arith.constant 4 : i32
    %get3A_2328 = arith.index_cast %get3A_2327 : i32 to index
    %get3A_2329 = arith.constant 16 : index
    %get3A_2330 = tpu.vector_load %arg12[%get3A_2328, %get3A_2329] {strides = array<i32>} : memref<5x128xf32, #tpu.memory_space<vmem>>, vector<1x16xf32>,
    %get3A_2331 = vector.shape_cast %get3A_2330 : vector<1x16xf32> to vector<16xf32>
    %select_n3A_2332 = arith.select %lt3A_2314, %broadcast_in_dim3A_856, %get3A_2331 : vector<16xi1>, vector<16xf32>
    %swap3A_2333 = arith.constant 4 : i32
    %swap3A_2334 = arith.index_cast %swap3A_2333 : i32 to index
    %swap3A_2335 = arith.constant 16 : index
    %swap3A_2336 = tpu.vector_load %arg12[%swap3A_2334, %swap3A_2335] {strides = array<i32>} : memref<5x128xf32, #tpu.memory_space<vmem>>, vector<1x16xf32>,
    %swap3A_2337 = vector.shape_cast %swap3A_2336 : vector<1x16xf32> to vector<16xf32>
    %swap3A_2338 = vector.shape_cast %select_n3A_2332 : vector<16xf32> to vector<1x16xf32>
    tpu.vector_store %arg12[%swap3A_2334, %swap3A_2335], %swap3A_2338 {strides = array<i32>} : memref<5x128xf32, #tpu.memory_space<vmem>>, vector<1x16xf32>,
    %get3A_2339 = arith.constant 4 : i32
    %get3A_2340 = arith.index_cast %get3A_2339 : i32 to index
    %get3A_2341 = arith.constant 16 : index
    %get3A_2342 = tpu.vector_load %arg13[%get3A_2340, %get3A_2341] {strides = array<i32>} : memref<5x128xf32, #tpu.memory_space<vmem>>, vector<1x16xf32>,
    %get3A_2343 = vector.shape_cast %get3A_2342 : vector<1x16xf32> to vector<16xf32>
    %select_n3A_2344 = arith.select %lt3A_2314, %broadcast_in_dim3A_856, %get3A_2343 : vector<16xi1>, vector<16xf32>
    %swap3A_2345 = arith.constant 4 : i32
    %swap3A_2346 = arith.index_cast %swap3A_2345 : i32 to index
    %swap3A_2347 = arith.constant 16 : index
    %swap3A_2348 = tpu.vector_load %arg13[%swap3A_2346, %swap3A_2347] {strides = array<i32>} : memref<5x128xf32, #tpu.memory_space<vmem>>, vector<1x16xf32>,
    %swap3A_2349 = vector.shape_cast %swap3A_2348 : vector<1x16xf32> to vector<16xf32>
    %swap3A_2350 = vector.shape_cast %select_n3A_2344 : vector<16xf32> to vector<1x16xf32>
    tpu.vector_store %arg13[%swap3A_2346, %swap3A_2347], %swap3A_2350 {strides = array<i32>} : memref<5x128xf32, #tpu.memory_space<vmem>>, vector<1x16xf32>,
    %get3A_2351 = arith.constant 4 : i32
    %get3A_2352 = arith.index_cast %get3A_2351 : i32 to index
    %get3A_2353 = arith.constant 32 : index
    %get3A_2354 = tpu.vector_load %arg9[%get3A_2352, %get3A_2353] {strides = array<i32>} : memref<5x128xi32, #tpu.memory_space<vmem>>, vector<1x16xi32>,
    %get3A_2355 = vector.shape_cast %get3A_2354 : vector<1x16xi32> to vector<16xi32>
    %lt3A_2356 = arith.constant 0 : i32
    %lt3A_2357 = vector.broadcast %lt3A_2356 : i32 to vector<16xi32>
    %lt3A_2358 = arith.cmpi slt, %get3A_2355, %lt3A_2357 : vector<16xi32>
    %get3A_2359 = arith.constant 4 : i32
    %get3A_2360 = arith.index_cast %get3A_2359 : i32 to index
    %get3A_2361 = arith.constant 32 : index
    %get3A_2362 = tpu.vector_load %arg11[%get3A_2360, %get3A_2361] {strides = array<i32>} : memref<5x128xf32, #tpu.memory_space<vmem>>, vector<1x16xf32>,
    %get3A_2363 = vector.shape_cast %get3A_2362 : vector<1x16xf32> to vector<16xf32>
    %select_n3A_2364 = arith.select %lt3A_2358, %broadcast_in_dim3A_856, %get3A_2363 : vector<16xi1>, vector<16xf32>
    %swap3A_2365 = arith.constant 4 : i32
    %swap3A_2366 = arith.index_cast %swap3A_2365 : i32 to index
    %swap3A_2367 = arith.constant 32 : index
    %swap3A_2368 = tpu.vector_load %arg11[%swap3A_2366, %swap3A_2367] {strides = array<i32>} : memref<5x128xf32, #tpu.memory_space<vmem>>, vector<1x16xf32>,
    %swap3A_2369 = vector.shape_cast %swap3A_2368 : vector<1x16xf32> to vector<16xf32>
    %swap3A_2370 = vector.shape_cast %select_n3A_2364 : vector<16xf32> to vector<1x16xf32>
    tpu.vector_store %arg11[%swap3A_2366, %swap3A_2367], %swap3A_2370 {strides = array<i32>} : memref<5x128xf32, #tpu.memory_space<vmem>>, vector<1x16xf32>,
    %get3A_2371 = arith.constant 4 : i32
    %get3A_2372 = arith.index_cast %get3A_2371 : i32 to index
    %get3A_2373 = arith.constant 32 : index
    %get3A_2374 = tpu.vector_load %arg12[%get3A_2372, %get3A_2373] {strides = array<i32>} : memref<5x128xf32, #tpu.memory_space<vmem>>, vector<1x16xf32>,
    %get3A_2375 = vector.shape_cast %get3A_2374 : vector<1x16xf32> to vector<16xf32>
    %select_n3A_2376 = arith.select %lt3A_2358, %broadcast_in_dim3A_856, %get3A_2375 : vector<16xi1>, vector<16xf32>
    %swap3A_2377 = arith.constant 4 : i32
    %swap3A_2378 = arith.index_cast %swap3A_2377 : i32 to index
    %swap3A_2379 = arith.constant 32 : index
    %swap3A_2380 = tpu.vector_load %arg12[%swap3A_2378, %swap3A_2379] {strides = array<i32>} : memref<5x128xf32, #tpu.memory_space<vmem>>, vector<1x16xf32>,
    %swap3A_2381 = vector.shape_cast %swap3A_2380 : vector<1x16xf32> to vector<16xf32>
    %swap3A_2382 = vector.shape_cast %select_n3A_2376 : vector<16xf32> to vector<1x16xf32>
    tpu.vector_store %arg12[%swap3A_2378, %swap3A_2379], %swap3A_2382 {strides = array<i32>} : memref<5x128xf32, #tpu.memory_space<vmem>>, vector<1x16xf32>,
    %get3A_2383 = arith.constant 4 : i32
    %get3A_2384 = arith.index_cast %get3A_2383 : i32 to index
    %get3A_2385 = arith.constant 32 : index
    %get3A_2386 = tpu.vector_load %arg13[%get3A_2384, %get3A_2385] {strides = array<i32>} : memref<5x128xf32, #tpu.memory_space<vmem>>, vector<1x16xf32>,
    %get3A_2387 = vector.shape_cast %get3A_2386 : vector<1x16xf32> to vector<16xf32>
    %select_n3A_2388 = arith.select %lt3A_2358, %broadcast_in_dim3A_856, %get3A_2387 : vector<16xi1>, vector<16xf32>
    %swap3A_2389 = arith.constant 4 : i32
    %swap3A_2390 = arith.index_cast %swap3A_2389 : i32 to index
    %swap3A_2391 = arith.constant 32 : index
    %swap3A_2392 = tpu.vector_load %arg13[%swap3A_2390, %swap3A_2391] {strides = array<i32>} : memref<5x128xf32, #tpu.memory_space<vmem>>, vector<1x16xf32>,
    %swap3A_2393 = vector.shape_cast %swap3A_2392 : vector<1x16xf32> to vector<16xf32>
    %swap3A_2394 = vector.shape_cast %select_n3A_2388 : vector<16xf32> to vector<1x16xf32>
    tpu.vector_store %arg13[%swap3A_2390, %swap3A_2391], %swap3A_2394 {strides = array<i32>} : memref<5x128xf32, #tpu.memory_space<vmem>>, vector<1x16xf32>,
    %get3A_2395 = arith.constant 4 : i32
    %get3A_2396 = arith.index_cast %get3A_2395 : i32 to index
    %get3A_2397 = arith.constant 48 : index
    %get3A_2398 = tpu.vector_load %arg9[%get3A_2396, %get3A_2397] {strides = array<i32>} : memref<5x128xi32, #tpu.memory_space<vmem>>, vector<1x16xi32>,
    %get3A_2399 = vector.shape_cast %get3A_2398 : vector<1x16xi32> to vector<16xi32>
    %lt3A_2400 = arith.constant 0 : i32
    %lt3A_2401 = vector.broadcast %lt3A_2400 : i32 to vector<16xi32>
    %lt3A_2402 = arith.cmpi slt, %get3A_2399, %lt3A_2401 : vector<16xi32>
    %get3A_2403 = arith.constant 4 : i32
    %get3A_2404 = arith.index_cast %get3A_2403 : i32 to index
    %get3A_2405 = arith.constant 48 : index
    %get3A_2406 = tpu.vector_load %arg11[%get3A_2404, %get3A_2405] {strides = array<i32>} : memref<5x128xf32, #tpu.memory_space<vmem>>, vector<1x16xf32>,
    %get3A_2407 = vector.shape_cast %get3A_2406 : vector<1x16xf32> to vector<16xf32>
    %select_n3A_2408 = arith.select %lt3A_2402, %broadcast_in_dim3A_856, %get3A_2407 : vector<16xi1>, vector<16xf32>
    %swap3A_2409 = arith.constant 4 : i32
    %swap3A_2410 = arith.index_cast %swap3A_2409 : i32 to index
    %swap3A_2411 = arith.constant 48 : index
    %swap3A_2412 = tpu.vector_load %arg11[%swap3A_2410, %swap3A_2411] {strides = array<i32>} : memref<5x128xf32, #tpu.memory_space<vmem>>, vector<1x16xf32>,
    %swap3A_2413 = vector.shape_cast %swap3A_2412 : vector<1x16xf32> to vector<16xf32>
    %swap3A_2414 = vector.shape_cast %select_n3A_2408 : vector<16xf32> to vector<1x16xf32>
    tpu.vector_store %arg11[%swap3A_2410, %swap3A_2411], %swap3A_2414 {strides = array<i32>} : memref<5x128xf32, #tpu.memory_space<vmem>>, vector<1x16xf32>,
    %get3A_2415 = arith.constant 4 : i32
    %get3A_2416 = arith.index_cast %get3A_2415 : i32 to index
    %get3A_2417 = arith.constant 48 : index
    %get3A_2418 = tpu.vector_load %arg12[%get3A_2416, %get3A_2417] {strides = array<i32>} : memref<5x128xf32, #tpu.memory_space<vmem>>, vector<1x16xf32>,
    %get3A_2419 = vector.shape_cast %get3A_2418 : vector<1x16xf32> to vector<16xf32>
    %select_n3A_2420 = arith.select %lt3A_2402, %broadcast_in_dim3A_856, %get3A_2419 : vector<16xi1>, vector<16xf32>
    %swap3A_2421 = arith.constant 4 : i32
    %swap3A_2422 = arith.index_cast %swap3A_2421 : i32 to index
    %swap3A_2423 = arith.constant 48 : index
    %swap3A_2424 = tpu.vector_load %arg12[%swap3A_2422, %swap3A_2423] {strides = array<i32>} : memref<5x128xf32, #tpu.memory_space<vmem>>, vector<1x16xf32>,
    %swap3A_2425 = vector.shape_cast %swap3A_2424 : vector<1x16xf32> to vector<16xf32>
    %swap3A_2426 = vector.shape_cast %select_n3A_2420 : vector<16xf32> to vector<1x16xf32>
    tpu.vector_store %arg12[%swap3A_2422, %swap3A_2423], %swap3A_2426 {strides = array<i32>} : memref<5x128xf32, #tpu.memory_space<vmem>>, vector<1x16xf32>,
    %get3A_2427 = arith.constant 4 : i32
    %get3A_2428 = arith.index_cast %get3A_2427 : i32 to index
    %get3A_2429 = arith.constant 48 : index
    %get3A_2430 = tpu.vector_load %arg13[%get3A_2428, %get3A_2429] {strides = array<i32>} : memref<5x128xf32, #tpu.memory_space<vmem>>, vector<1x16xf32>,
    %get3A_2431 = vector.shape_cast %get3A_2430 : vector<1x16xf32> to vector<16xf32>
    %select_n3A_2432 = arith.select %lt3A_2402, %broadcast_in_dim3A_856, %get3A_2431 : vector<16xi1>, vector<16xf32>
    %swap3A_2433 = arith.constant 4 : i32
    %swap3A_2434 = arith.index_cast %swap3A_2433 : i32 to index
    %swap3A_2435 = arith.constant 48 : index
    %swap3A_2436 = tpu.vector_load %arg13[%swap3A_2434, %swap3A_2435] {strides = array<i32>} : memref<5x128xf32, #tpu.memory_space<vmem>>, vector<1x16xf32>,
    %swap3A_2437 = vector.shape_cast %swap3A_2436 : vector<1x16xf32> to vector<16xf32>
    %swap3A_2438 = vector.shape_cast %select_n3A_2432 : vector<16xf32> to vector<1x16xf32>
    tpu.vector_store %arg13[%swap3A_2434, %swap3A_2435], %swap3A_2438 {strides = array<i32>} : memref<5x128xf32, #tpu.memory_space<vmem>>, vector<1x16xf32>,
    %get3A_2439 = arith.constant 4 : i32
    %get3A_2440 = arith.index_cast %get3A_2439 : i32 to index
    %get3A_2441 = arith.constant 64 : index
    %get3A_2442 = tpu.vector_load %arg9[%get3A_2440, %get3A_2441] {strides = array<i32>} : memref<5x128xi32, #tpu.memory_space<vmem>>, vector<1x16xi32>,
    %get3A_2443 = vector.shape_cast %get3A_2442 : vector<1x16xi32> to vector<16xi32>
    %lt3A_2444 = arith.constant 0 : i32
    %lt3A_2445 = vector.broadcast %lt3A_2444 : i32 to vector<16xi32>
    %lt3A_2446 = arith.cmpi slt, %get3A_2443, %lt3A_2445 : vector<16xi32>
    %get3A_2447 = arith.constant 4 : i32
    %get3A_2448 = arith.index_cast %get3A_2447 : i32 to index
    %get3A_2449 = arith.constant 64 : index
    %get3A_2450 = tpu.vector_load %arg11[%get3A_2448, %get3A_2449] {strides = array<i32>} : memref<5x128xf32, #tpu.memory_space<vmem>>, vector<1x16xf32>,
    %get3A_2451 = vector.shape_cast %get3A_2450 : vector<1x16xf32> to vector<16xf32>
    %select_n3A_2452 = arith.select %lt3A_2446, %broadcast_in_dim3A_856, %get3A_2451 : vector<16xi1>, vector<16xf32>
    %swap3A_2453 = arith.constant 4 : i32
    %swap3A_2454 = arith.index_cast %swap3A_2453 : i32 to index
    %swap3A_2455 = arith.constant 64 : index
    %swap3A_2456 = tpu.vector_load %arg11[%swap3A_2454, %swap3A_2455] {strides = array<i32>} : memref<5x128xf32, #tpu.memory_space<vmem>>, vector<1x16xf32>,
    %swap3A_2457 = vector.shape_cast %swap3A_2456 : vector<1x16xf32> to vector<16xf32>
    %swap3A_2458 = vector.shape_cast %select_n3A_2452 : vector<16xf32> to vector<1x16xf32>
    tpu.vector_store %arg11[%swap3A_2454, %swap3A_2455], %swap3A_2458 {strides = array<i32>} : memref<5x128xf32, #tpu.memory_space<vmem>>, vector<1x16xf32>,
    %get3A_2459 = arith.constant 4 : i32
    %get3A_2460 = arith.index_cast %get3A_2459 : i32 to index
    %get3A_2461 = arith.constant 64 : index
    %get3A_2462 = tpu.vector_load %arg12[%get3A_2460, %get3A_2461] {strides = array<i32>} : memref<5x128xf32, #tpu.memory_space<vmem>>, vector<1x16xf32>,
    %get3A_2463 = vector.shape_cast %get3A_2462 : vector<1x16xf32> to vector<16xf32>
    %select_n3A_2464 = arith.select %lt3A_2446, %broadcast_in_dim3A_856, %get3A_2463 : vector<16xi1>, vector<16xf32>
    %swap3A_2465 = arith.constant 4 : i32
    %swap3A_2466 = arith.index_cast %swap3A_2465 : i32 to index
    %swap3A_2467 = arith.constant 64 : index
    %swap3A_2468 = tpu.vector_load %arg12[%swap3A_2466, %swap3A_2467] {strides = array<i32>} : memref<5x128xf32, #tpu.memory_space<vmem>>, vector<1x16xf32>,
    %swap3A_2469 = vector.shape_cast %swap3A_2468 : vector<1x16xf32> to vector<16xf32>
    %swap3A_2470 = vector.shape_cast %select_n3A_2464 : vector<16xf32> to vector<1x16xf32>
    tpu.vector_store %arg12[%swap3A_2466, %swap3A_2467], %swap3A_2470 {strides = array<i32>} : memref<5x128xf32, #tpu.memory_space<vmem>>, vector<1x16xf32>,
    %get3A_2471 = arith.constant 4 : i32
    %get3A_2472 = arith.index_cast %get3A_2471 : i32 to index
    %get3A_2473 = arith.constant 64 : index
    %get3A_2474 = tpu.vector_load %arg13[%get3A_2472, %get3A_2473] {strides = array<i32>} : memref<5x128xf32, #tpu.memory_space<vmem>>, vector<1x16xf32>,
    %get3A_2475 = vector.shape_cast %get3A_2474 : vector<1x16xf32> to vector<16xf32>
    %select_n3A_2476 = arith.select %lt3A_2446, %broadcast_in_dim3A_856, %get3A_2475 : vector<16xi1>, vector<16xf32>
    %swap3A_2477 = arith.constant 4 : i32
    %swap3A_2478 = arith.index_cast %swap3A_2477 : i32 to index
    %swap3A_2479 = arith.constant 64 : index
    %swap3A_2480 = tpu.vector_load %arg13[%swap3A_2478, %swap3A_2479] {strides = array<i32>} : memref<5x128xf32, #tpu.memory_space<vmem>>, vector<1x16xf32>,
    %swap3A_2481 = vector.shape_cast %swap3A_2480 : vector<1x16xf32> to vector<16xf32>
    %swap3A_2482 = vector.shape_cast %select_n3A_2476 : vector<16xf32> to vector<1x16xf32>
    tpu.vector_store %arg13[%swap3A_2478, %swap3A_2479], %swap3A_2482 {strides = array<i32>} : memref<5x128xf32, #tpu.memory_space<vmem>>, vector<1x16xf32>,
    %get3A_2483 = arith.constant 4 : i32
    %get3A_2484 = arith.index_cast %get3A_2483 : i32 to index
    %get3A_2485 = arith.constant 80 : index
    %get3A_2486 = tpu.vector_load %arg9[%get3A_2484, %get3A_2485] {strides = array<i32>} : memref<5x128xi32, #tpu.memory_space<vmem>>, vector<1x16xi32>,
    %get3A_2487 = vector.shape_cast %get3A_2486 : vector<1x16xi32> to vector<16xi32>
    %lt3A_2488 = arith.constant 0 : i32
    %lt3A_2489 = vector.broadcast %lt3A_2488 : i32 to vector<16xi32>
    %lt3A_2490 = arith.cmpi slt, %get3A_2487, %lt3A_2489 : vector<16xi32>
    %get3A_2491 = arith.constant 4 : i32
    %get3A_2492 = arith.index_cast %get3A_2491 : i32 to index
    %get3A_2493 = arith.constant 80 : index
    %get3A_2494 = tpu.vector_load %arg11[%get3A_2492, %get3A_2493] {strides = array<i32>} : memref<5x128xf32, #tpu.memory_space<vmem>>, vector<1x16xf32>,
    %get3A_2495 = vector.shape_cast %get3A_2494 : vector<1x16xf32> to vector<16xf32>
    %select_n3A_2496 = arith.select %lt3A_2490, %broadcast_in_dim3A_856, %get3A_2495 : vector<16xi1>, vector<16xf32>
    %swap3A_2497 = arith.constant 4 : i32
    %swap3A_2498 = arith.index_cast %swap3A_2497 : i32 to index
    %swap3A_2499 = arith.constant 80 : index
    %swap3A_2500 = tpu.vector_load %arg11[%swap3A_2498, %swap3A_2499] {strides = array<i32>} : memref<5x128xf32, #tpu.memory_space<vmem>>, vector<1x16xf32>,
    %swap3A_2501 = vector.shape_cast %swap3A_2500 : vector<1x16xf32> to vector<16xf32>
    %swap3A_2502 = vector.shape_cast %select_n3A_2496 : vector<16xf32> to vector<1x16xf32>
    tpu.vector_store %arg11[%swap3A_2498, %swap3A_2499], %swap3A_2502 {strides = array<i32>} : memref<5x128xf32, #tpu.memory_space<vmem>>, vector<1x16xf32>,
    %get3A_2503 = arith.constant 4 : i32
    %get3A_2504 = arith.index_cast %get3A_2503 : i32 to index
    %get3A_2505 = arith.constant 80 : index
    %get3A_2506 = tpu.vector_load %arg12[%get3A_2504, %get3A_2505] {strides = array<i32>} : memref<5x128xf32, #tpu.memory_space<vmem>>, vector<1x16xf32>,
    %get3A_2507 = vector.shape_cast %get3A_2506 : vector<1x16xf32> to vector<16xf32>
    %select_n3A_2508 = arith.select %lt3A_2490, %broadcast_in_dim3A_856, %get3A_2507 : vector<16xi1>, vector<16xf32>
    %swap3A_2509 = arith.constant 4 : i32
    %swap3A_2510 = arith.index_cast %swap3A_2509 : i32 to index
    %swap3A_2511 = arith.constant 80 : index
    %swap3A_2512 = tpu.vector_load %arg12[%swap3A_2510, %swap3A_2511] {strides = array<i32>} : memref<5x128xf32, #tpu.memory_space<vmem>>, vector<1x16xf32>,
    %swap3A_2513 = vector.shape_cast %swap3A_2512 : vector<1x16xf32> to vector<16xf32>
    %swap3A_2514 = vector.shape_cast %select_n3A_2508 : vector<16xf32> to vector<1x16xf32>
    tpu.vector_store %arg12[%swap3A_2510, %swap3A_2511], %swap3A_2514 {strides = array<i32>} : memref<5x128xf32, #tpu.memory_space<vmem>>, vector<1x16xf32>,
    %get3A_2515 = arith.constant 4 : i32
    %get3A_2516 = arith.index_cast %get3A_2515 : i32 to index
    %get3A_2517 = arith.constant 80 : index
    %get3A_2518 = tpu.vector_load %arg13[%get3A_2516, %get3A_2517] {strides = array<i32>} : memref<5x128xf32, #tpu.memory_space<vmem>>, vector<1x16xf32>,
    %get3A_2519 = vector.shape_cast %get3A_2518 : vector<1x16xf32> to vector<16xf32>
    %select_n3A_2520 = arith.select %lt3A_2490, %broadcast_in_dim3A_856, %get3A_2519 : vector<16xi1>, vector<16xf32>
    %swap3A_2521 = arith.constant 4 : i32
    %swap3A_2522 = arith.index_cast %swap3A_2521 : i32 to index
    %swap3A_2523 = arith.constant 80 : index
    %swap3A_2524 = tpu.vector_load %arg13[%swap3A_2522, %swap3A_2523] {strides = array<i32>} : memref<5x128xf32, #tpu.memory_space<vmem>>, vector<1x16xf32>,
    %swap3A_2525 = vector.shape_cast %swap3A_2524 : vector<1x16xf32> to vector<16xf32>
    %swap3A_2526 = vector.shape_cast %select_n3A_2520 : vector<16xf32> to vector<1x16xf32>
    tpu.vector_store %arg13[%swap3A_2522, %swap3A_2523], %swap3A_2526 {strides = array<i32>} : memref<5x128xf32, #tpu.memory_space<vmem>>, vector<1x16xf32>,
    %get3A_2527 = arith.constant 4 : i32
    %get3A_2528 = arith.index_cast %get3A_2527 : i32 to index
    %get3A_2529 = arith.constant 96 : index
    %get3A_2530 = tpu.vector_load %arg9[%get3A_2528, %get3A_2529] {strides = array<i32>} : memref<5x128xi32, #tpu.memory_space<vmem>>, vector<1x16xi32>,
    %get3A_2531 = vector.shape_cast %get3A_2530 : vector<1x16xi32> to vector<16xi32>
    %lt3A_2532 = arith.constant 0 : i32
    %lt3A_2533 = vector.broadcast %lt3A_2532 : i32 to vector<16xi32>
    %lt3A_2534 = arith.cmpi slt, %get3A_2531, %lt3A_2533 : vector<16xi32>
    %get3A_2535 = arith.constant 4 : i32
    %get3A_2536 = arith.index_cast %get3A_2535 : i32 to index
    %get3A_2537 = arith.constant 96 : index
    %get3A_2538 = tpu.vector_load %arg11[%get3A_2536, %get3A_2537] {strides = array<i32>} : memref<5x128xf32, #tpu.memory_space<vmem>>, vector<1x16xf32>,
    %get3A_2539 = vector.shape_cast %get3A_2538 : vector<1x16xf32> to vector<16xf32>
    %select_n3A_2540 = arith.select %lt3A_2534, %broadcast_in_dim3A_856, %get3A_2539 : vector<16xi1>, vector<16xf32>
    %swap3A_2541 = arith.constant 4 : i32
    %swap3A_2542 = arith.index_cast %swap3A_2541 : i32 to index
    %swap3A_2543 = arith.constant 96 : index
    %swap3A_2544 = tpu.vector_load %arg11[%swap3A_2542, %swap3A_2543] {strides = array<i32>} : memref<5x128xf32, #tpu.memory_space<vmem>>, vector<1x16xf32>,
    %swap3A_2545 = vector.shape_cast %swap3A_2544 : vector<1x16xf32> to vector<16xf32>
    %swap3A_2546 = vector.shape_cast %select_n3A_2540 : vector<16xf32> to vector<1x16xf32>
    tpu.vector_store %arg11[%swap3A_2542, %swap3A_2543], %swap3A_2546 {strides = array<i32>} : memref<5x128xf32, #tpu.memory_space<vmem>>, vector<1x16xf32>,
    %get3A_2547 = arith.constant 4 : i32
    %get3A_2548 = arith.index_cast %get3A_2547 : i32 to index
    %get3A_2549 = arith.constant 96 : index
    %get3A_2550 = tpu.vector_load %arg12[%get3A_2548, %get3A_2549] {strides = array<i32>} : memref<5x128xf32, #tpu.memory_space<vmem>>, vector<1x16xf32>,
    %get3A_2551 = vector.shape_cast %get3A_2550 : vector<1x16xf32> to vector<16xf32>
    %select_n3A_2552 = arith.select %lt3A_2534, %broadcast_in_dim3A_856, %get3A_2551 : vector<16xi1>, vector<16xf32>
    %swap3A_2553 = arith.constant 4 : i32
    %swap3A_2554 = arith.index_cast %swap3A_2553 : i32 to index
    %swap3A_2555 = arith.constant 96 : index
    %swap3A_2556 = tpu.vector_load %arg12[%swap3A_2554, %swap3A_2555] {strides = array<i32>} : memref<5x128xf32, #tpu.memory_space<vmem>>, vector<1x16xf32>,
    %swap3A_2557 = vector.shape_cast %swap3A_2556 : vector<1x16xf32> to vector<16xf32>
    %swap3A_2558 = vector.shape_cast %select_n3A_2552 : vector<16xf32> to vector<1x16xf32>
    tpu.vector_store %arg12[%swap3A_2554, %swap3A_2555], %swap3A_2558 {strides = array<i32>} : memref<5x128xf32, #tpu.memory_space<vmem>>, vector<1x16xf32>,
    %get3A_2559 = arith.constant 4 : i32
    %get3A_2560 = arith.index_cast %get3A_2559 : i32 to index
    %get3A_2561 = arith.constant 96 : index
    %get3A_2562 = tpu.vector_load %arg13[%get3A_2560, %get3A_2561] {strides = array<i32>} : memref<5x128xf32, #tpu.memory_space<vmem>>, vector<1x16xf32>,
    %get3A_2563 = vector.shape_cast %get3A_2562 : vector<1x16xf32> to vector<16xf32>
    %select_n3A_2564 = arith.select %lt3A_2534, %broadcast_in_dim3A_856, %get3A_2563 : vector<16xi1>, vector<16xf32>
    %swap3A_2565 = arith.constant 4 : i32
    %swap3A_2566 = arith.index_cast %swap3A_2565 : i32 to index
    %swap3A_2567 = arith.constant 96 : index
    %swap3A_2568 = tpu.vector_load %arg13[%swap3A_2566, %swap3A_2567] {strides = array<i32>} : memref<5x128xf32, #tpu.memory_space<vmem>>, vector<1x16xf32>,
    %swap3A_2569 = vector.shape_cast %swap3A_2568 : vector<1x16xf32> to vector<16xf32>
    %swap3A_2570 = vector.shape_cast %select_n3A_2564 : vector<16xf32> to vector<1x16xf32>
    tpu.vector_store %arg13[%swap3A_2566, %swap3A_2567], %swap3A_2570 {strides = array<i32>} : memref<5x128xf32, #tpu.memory_space<vmem>>, vector<1x16xf32>,
    %get3A_2571 = arith.constant 4 : i32
    %get3A_2572 = arith.index_cast %get3A_2571 : i32 to index
    %get3A_2573 = arith.constant 112 : index
    %get3A_2574 = tpu.vector_load %arg9[%get3A_2572, %get3A_2573] {strides = array<i32>} : memref<5x128xi32, #tpu.memory_space<vmem>>, vector<1x16xi32>,
    %get3A_2575 = vector.shape_cast %get3A_2574 : vector<1x16xi32> to vector<16xi32>
    %lt3A_2576 = arith.constant 0 : i32
    %lt3A_2577 = vector.broadcast %lt3A_2576 : i32 to vector<16xi32>
    %lt3A_2578 = arith.cmpi slt, %get3A_2575, %lt3A_2577 : vector<16xi32>
    %get3A_2579 = arith.constant 4 : i32
    %get3A_2580 = arith.index_cast %get3A_2579 : i32 to index
    %get3A_2581 = arith.constant 112 : index
    %get3A_2582 = tpu.vector_load %arg11[%get3A_2580, %get3A_2581] {strides = array<i32>} : memref<5x128xf32, #tpu.memory_space<vmem>>, vector<1x16xf32>,
    %get3A_2583 = vector.shape_cast %get3A_2582 : vector<1x16xf32> to vector<16xf32>
    %select_n3A_2584 = arith.select %lt3A_2578, %broadcast_in_dim3A_856, %get3A_2583 : vector<16xi1>, vector<16xf32>
    %swap3A_2585 = arith.constant 4 : i32
    %swap3A_2586 = arith.index_cast %swap3A_2585 : i32 to index
    %swap3A_2587 = arith.constant 112 : index
    %swap3A_2588 = tpu.vector_load %arg11[%swap3A_2586, %swap3A_2587] {strides = array<i32>} : memref<5x128xf32, #tpu.memory_space<vmem>>, vector<1x16xf32>,
    %swap3A_2589 = vector.shape_cast %swap3A_2588 : vector<1x16xf32> to vector<16xf32>
    %swap3A_2590 = vector.shape_cast %select_n3A_2584 : vector<16xf32> to vector<1x16xf32>
    tpu.vector_store %arg11[%swap3A_2586, %swap3A_2587], %swap3A_2590 {strides = array<i32>} : memref<5x128xf32, #tpu.memory_space<vmem>>, vector<1x16xf32>,
    %get3A_2591 = arith.constant 4 : i32
    %get3A_2592 = arith.index_cast %get3A_2591 : i32 to index
    %get3A_2593 = arith.constant 112 : index
    %get3A_2594 = tpu.vector_load %arg12[%get3A_2592, %get3A_2593] {strides = array<i32>} : memref<5x128xf32, #tpu.memory_space<vmem>>, vector<1x16xf32>,
    %get3A_2595 = vector.shape_cast %get3A_2594 : vector<1x16xf32> to vector<16xf32>
    %select_n3A_2596 = arith.select %lt3A_2578, %broadcast_in_dim3A_856, %get3A_2595 : vector<16xi1>, vector<16xf32>
    %swap3A_2597 = arith.constant 4 : i32
    %swap3A_2598 = arith.index_cast %swap3A_2597 : i32 to index
    %swap3A_2599 = arith.constant 112 : index
    %swap3A_2600 = tpu.vector_load %arg12[%swap3A_2598, %swap3A_2599] {strides = array<i32>} : memref<5x128xf32, #tpu.memory_space<vmem>>, vector<1x16xf32>,
    %swap3A_2601 = vector.shape_cast %swap3A_2600 : vector<1x16xf32> to vector<16xf32>
    %swap3A_2602 = vector.shape_cast %select_n3A_2596 : vector<16xf32> to vector<1x16xf32>
    tpu.vector_store %arg12[%swap3A_2598, %swap3A_2599], %swap3A_2602 {strides = array<i32>} : memref<5x128xf32, #tpu.memory_space<vmem>>, vector<1x16xf32>,
    %get3A_2603 = arith.constant 4 : i32
    %get3A_2604 = arith.index_cast %get3A_2603 : i32 to index
    %get3A_2605 = arith.constant 112 : index
    %get3A_2606 = tpu.vector_load %arg13[%get3A_2604, %get3A_2605] {strides = array<i32>} : memref<5x128xf32, #tpu.memory_space<vmem>>, vector<1x16xf32>,
    %get3A_2607 = vector.shape_cast %get3A_2606 : vector<1x16xf32> to vector<16xf32>
    %select_n3A_2608 = arith.select %lt3A_2578, %broadcast_in_dim3A_856, %get3A_2607 : vector<16xi1>, vector<16xf32>
    %swap3A_2609 = arith.constant 4 : i32
    %swap3A_2610 = arith.index_cast %swap3A_2609 : i32 to index
    %swap3A_2611 = arith.constant 112 : index
    %swap3A_2612 = tpu.vector_load %arg13[%swap3A_2610, %swap3A_2611] {strides = array<i32>} : memref<5x128xf32, #tpu.memory_space<vmem>>, vector<1x16xf32>,
    %swap3A_2613 = vector.shape_cast %swap3A_2612 : vector<1x16xf32> to vector<16xf32>
    %swap3A_2614 = vector.shape_cast %select_n3A_2608 : vector<16xf32> to vector<1x16xf32>
    tpu.vector_store %arg13[%swap3A_2610, %swap3A_2611], %swap3A_2614 {strides = array<i32>} : memref<5x128xf32, #tpu.memory_space<vmem>>, vector<1x16xf32>,
    "tpu.region"() ({
      %run_scoped3A = tpu.sem_alloc : memref<!tpu.dma_semaphore, #tpu.memory_space<semaphore_mem>>
      %dma_start3A_2615 = arith.constant 0 : i32
      %dma_start3A_2616 = arith.constant 0 : i32
      %dma_start3A_2617 = tpu.memref_slice %arg6[%add3A, %dma_start3A_2615, %dma_start3A_2616] : memref<32x5x128xf32, #tpu.memory_space<hbm>> -> memref<1x5x128xf32, #tpu.memory_space<hbm>>
      %dma_start3A_2618 = tpu.memref_squeeze %dma_start3A_2617 : memref<1x5x128xf32, #tpu.memory_space<hbm>> -> memref<5x128xf32, #tpu.memory_space<hbm>>
      %dma_start3A_2619 = arith.constant 0 : i32
      %dma_start3A_2620 = arith.constant 0 : i32
      %dma_start3A_2621 = tpu.memref_slice %arg6[%add3A, %dma_start3A_2619, %dma_start3A_2620] : memref<32x5x128xf32, #tpu.memory_space<hbm>> -> memref<1x5x128xf32, #tpu.memory_space<hbm>>
      %dma_start3A_2622 = tpu.memref_squeeze %dma_start3A_2621 : memref<1x5x128xf32, #tpu.memory_space<hbm>> -> memref<5x128xf32, #tpu.memory_space<hbm>>
      tpu.enqueue_dma source(%arg11 : memref<5x128xf32, #tpu.memory_space<vmem>>) target(%dma_start3A_2622 : memref<5x128xf32, #tpu.memory_space<hbm>>) target_semaphore(%run_scoped3A : memref<!tpu.dma_semaphore, #tpu.memory_space<semaphore_mem>>)
      %dma_wait3A_2623 = arith.constant 0 : i32
      %dma_wait3A_2624 = arith.constant 0 : i32
      %dma_wait3A_2625 = tpu.memref_slice %arg6[%add3A, %dma_wait3A_2623, %dma_wait3A_2624] : memref<32x5x128xf32, #tpu.memory_space<hbm>> -> memref<1x5x128xf32, #tpu.memory_space<hbm>>
      %dma_wait3A_2626 = tpu.memref_squeeze %dma_wait3A_2625 : memref<1x5x128xf32, #tpu.memory_space<hbm>> -> memref<5x128xf32, #tpu.memory_space<hbm>>
      %dma_wait3A_2627 = arith.constant 0 : i32
      %dma_wait3A_2628 = arith.constant 0 : i32
      %dma_wait3A_2629 = tpu.memref_slice %arg6[%add3A, %dma_wait3A_2627, %dma_wait3A_2628] : memref<32x5x128xf32, #tpu.memory_space<hbm>> -> memref<1x5x128xf32, #tpu.memory_space<hbm>>
      %dma_wait3A_2630 = tpu.memref_squeeze %dma_wait3A_2629 : memref<1x5x128xf32, #tpu.memory_space<hbm>> -> memref<5x128xf32, #tpu.memory_space<hbm>>
      tpu.wait_dma2 semaphore(%run_scoped3A : memref<!tpu.dma_semaphore, #tpu.memory_space<semaphore_mem>>) src(%arg11 : memref<5x128xf32, #tpu.memory_space<vmem>>) dst(%dma_wait3A_2630 : memref<5x128xf32, #tpu.memory_space<hbm>>)
      tpu.yield
    }) : () -> ()
    "tpu.region"() ({
      %run_scoped3A = tpu.sem_alloc : memref<!tpu.dma_semaphore, #tpu.memory_space<semaphore_mem>>
      %dma_start3A_2615 = arith.constant 0 : i32
      %dma_start3A_2616 = arith.constant 0 : i32
      %dma_start3A_2617 = tpu.memref_slice %arg7[%add3A, %dma_start3A_2615, %dma_start3A_2616] : memref<32x5x128xf32, #tpu.memory_space<hbm>> -> memref<1x5x128xf32, #tpu.memory_space<hbm>>
      %dma_start3A_2618 = tpu.memref_squeeze %dma_start3A_2617 : memref<1x5x128xf32, #tpu.memory_space<hbm>> -> memref<5x128xf32, #tpu.memory_space<hbm>>
      %dma_start3A_2619 = arith.constant 0 : i32
      %dma_start3A_2620 = arith.constant 0 : i32
      %dma_start3A_2621 = tpu.memref_slice %arg7[%add3A, %dma_start3A_2619, %dma_start3A_2620] : memref<32x5x128xf32, #tpu.memory_space<hbm>> -> memref<1x5x128xf32, #tpu.memory_space<hbm>>
      %dma_start3A_2622 = tpu.memref_squeeze %dma_start3A_2621 : memref<1x5x128xf32, #tpu.memory_space<hbm>> -> memref<5x128xf32, #tpu.memory_space<hbm>>
      tpu.enqueue_dma source(%arg12 : memref<5x128xf32, #tpu.memory_space<vmem>>) target(%dma_start3A_2622 : memref<5x128xf32, #tpu.memory_space<hbm>>) target_semaphore(%run_scoped3A : memref<!tpu.dma_semaphore, #tpu.memory_space<semaphore_mem>>)
      %dma_wait3A_2623 = arith.constant 0 : i32
      %dma_wait3A_2624 = arith.constant 0 : i32
      %dma_wait3A_2625 = tpu.memref_slice %arg7[%add3A, %dma_wait3A_2623, %dma_wait3A_2624] : memref<32x5x128xf32, #tpu.memory_space<hbm>> -> memref<1x5x128xf32, #tpu.memory_space<hbm>>
      %dma_wait3A_2626 = tpu.memref_squeeze %dma_wait3A_2625 : memref<1x5x128xf32, #tpu.memory_space<hbm>> -> memref<5x128xf32, #tpu.memory_space<hbm>>
      %dma_wait3A_2627 = arith.constant 0 : i32
      %dma_wait3A_2628 = arith.constant 0 : i32
      %dma_wait3A_2629 = tpu.memref_slice %arg7[%add3A, %dma_wait3A_2627, %dma_wait3A_2628] : memref<32x5x128xf32, #tpu.memory_space<hbm>> -> memref<1x5x128xf32, #tpu.memory_space<hbm>>
      %dma_wait3A_2630 = tpu.memref_squeeze %dma_wait3A_2629 : memref<1x5x128xf32, #tpu.memory_space<hbm>> -> memref<5x128xf32, #tpu.memory_space<hbm>>
      tpu.wait_dma2 semaphore(%run_scoped3A : memref<!tpu.dma_semaphore, #tpu.memory_space<semaphore_mem>>) src(%arg12 : memref<5x128xf32, #tpu.memory_space<vmem>>) dst(%dma_wait3A_2630 : memref<5x128xf32, #tpu.memory_space<hbm>>)
      tpu.yield
    }) : () -> ()
    "tpu.region"() ({
      %run_scoped3A = tpu.sem_alloc : memref<!tpu.dma_semaphore, #tpu.memory_space<semaphore_mem>>
      %dma_start3A_2615 = arith.constant 0 : i32
      %dma_start3A_2616 = arith.constant 0 : i32
      %dma_start3A_2617 = tpu.memref_slice %arg8[%add3A, %dma_start3A_2615, %dma_start3A_2616] : memref<32x5x128xf32, #tpu.memory_space<hbm>> -> memref<1x5x128xf32, #tpu.memory_space<hbm>>
      %dma_start3A_2618 = tpu.memref_squeeze %dma_start3A_2617 : memref<1x5x128xf32, #tpu.memory_space<hbm>> -> memref<5x128xf32, #tpu.memory_space<hbm>>
      %dma_start3A_2619 = arith.constant 0 : i32
      %dma_start3A_2620 = arith.constant 0 : i32
      %dma_start3A_2621 = tpu.memref_slice %arg8[%add3A, %dma_start3A_2619, %dma_start3A_2620] : memref<32x5x128xf32, #tpu.memory_space<hbm>> -> memref<1x5x128xf32, #tpu.memory_space<hbm>>
      %dma_start3A_2622 = tpu.memref_squeeze %dma_start3A_2621 : memref<1x5x128xf32, #tpu.memory_space<hbm>> -> memref<5x128xf32, #tpu.memory_space<hbm>>
      tpu.enqueue_dma source(%arg13 : memref<5x128xf32, #tpu.memory_space<vmem>>) target(%dma_start3A_2622 : memref<5x128xf32, #tpu.memory_space<hbm>>) target_semaphore(%run_scoped3A : memref<!tpu.dma_semaphore, #tpu.memory_space<semaphore_mem>>)
      %dma_wait3A_2623 = arith.constant 0 : i32
      %dma_wait3A_2624 = arith.constant 0 : i32
      %dma_wait3A_2625 = tpu.memref_slice %arg8[%add3A, %dma_wait3A_2623, %dma_wait3A_2624] : memref<32x5x128xf32, #tpu.memory_space<hbm>> -> memref<1x5x128xf32, #tpu.memory_space<hbm>>
      %dma_wait3A_2626 = tpu.memref_squeeze %dma_wait3A_2625 : memref<1x5x128xf32, #tpu.memory_space<hbm>> -> memref<5x128xf32, #tpu.memory_space<hbm>>
      %dma_wait3A_2627 = arith.constant 0 : i32
      %dma_wait3A_2628 = arith.constant 0 : i32
      %dma_wait3A_2629 = tpu.memref_slice %arg8[%add3A, %dma_wait3A_2627, %dma_wait3A_2628] : memref<32x5x128xf32, #tpu.memory_space<hbm>> -> memref<1x5x128xf32, #tpu.memory_space<hbm>>
      %dma_wait3A_2630 = tpu.memref_squeeze %dma_wait3A_2629 : memref<1x5x128xf32, #tpu.memory_space<hbm>> -> memref<5x128xf32, #tpu.memory_space<hbm>>
      tpu.wait_dma2 semaphore(%run_scoped3A : memref<!tpu.dma_semaphore, #tpu.memory_space<semaphore_mem>>) src(%arg13 : memref<5x128xf32, #tpu.memory_space<vmem>>) dst(%dma_wait3A_2630 : memref<5x128xf32, #tpu.memory_space<hbm>>)
      tpu.yield
    }) : () -> ()
    return
  }
}

module attributes {stable_mosaic.version = 14 : i64} {
  func.func @_greedy_body(%arg0: memref<160x128xf32, #tpu.memory_space<vmem>>, %arg1: memref<160x128xf32, #tpu.memory_space<vmem>>, %arg2: memref<160x128xf32, #tpu.memory_space<vmem>>, %arg3: memref<160x128xf32, #tpu.memory_space<vmem>>, %arg4: memref<160x128xf32, #tpu.memory_space<vmem>>, %arg5: memref<160x128xf32, #tpu.memory_space<vmem>>, %arg6: memref<160x128xf32, #tpu.memory_space<vmem>>, %arg7: memref<160x128xf32, #tpu.memory_space<vmem>>) attributes {dimension_semantics = [], scalar_prefetch = 0 : i64, scratch_operands = 1 : i64, tpu.core_type = #tpu.core_type<tc>} {
    %broadcast_in_dim3A = arith.constant -1.000000e+00 : f32
    %broadcast_in_dim3A_0 = vector.broadcast %broadcast_in_dim3A : f32 to vector<160x128xf32>
    %swap3A = arith.constant 0 : index
    %swap3A_1 = arith.constant 0 : index
    %swap3A_2 = vector.load %arg5[%swap3A, %swap3A_1] : memref<160x128xf32, #tpu.memory_space<vmem>>, vector<160x128xf32>
    tpu.vector_store %arg5[%swap3A, %swap3A_1], %broadcast_in_dim3A_0 {strides = array<i32>} : memref<160x128xf32, #tpu.memory_space<vmem>>, vector<160x128xf32>,
    %swap3A_3 = arith.constant 0 : index
    %swap3A_4 = arith.constant 0 : index
    %swap3A_5 = vector.load %arg6[%swap3A_3, %swap3A_4] : memref<160x128xf32, #tpu.memory_space<vmem>>, vector<160x128xf32>
    tpu.vector_store %arg6[%swap3A_3, %swap3A_4], %broadcast_in_dim3A_0 {strides = array<i32>} : memref<160x128xf32, #tpu.memory_space<vmem>>, vector<160x128xf32>,
    %get3A = arith.constant 0 : index
    %get3A_6 = arith.constant 0 : index
    %get3A_7 = vector.load %arg4[%get3A, %get3A_6] : memref<160x128xf32, #tpu.memory_space<vmem>>, vector<160x128xf32>
    %swap3A_8 = arith.constant 0 : index
    %swap3A_9 = arith.constant 0 : index
    %swap3A_10 = vector.load %arg7[%swap3A_8, %swap3A_9] : memref<160x128xf32, #tpu.memory_space<vmem>>, vector<160x128xf32>
    tpu.vector_store %arg7[%swap3A_8, %swap3A_9], %get3A_7 {strides = array<i32>} : memref<160x128xf32, #tpu.memory_space<vmem>>, vector<160x128xf32>,
    %iota3A = tpu.iota {dimensions = array<i32: 0>} : vector<160x128xi32>
    %iota3A_11 = tpu.iota {dimensions = array<i32: 1>} : vector<160x128xi32>
    %mul3A = arith.constant 128 : i32
    %mul3A_12 = vector.broadcast %mul3A : i32 to vector<160x128xi32>
    %mul3A_13 = arith.muli %iota3A, %mul3A_12 : vector<160x128xi32>
    %add3A = arith.addi %mul3A_13, %iota3A_11 : vector<160x128xi32>
    %convert_element_type3A = arith.sitofp %add3A : vector<160x128xi32> to vector<160x128xf32>
    %get3A_14 = arith.constant 0 : index
    %get3A_15 = arith.constant 0 : index
    %get3A_16 = vector.load %arg0[%get3A_14, %get3A_15] : memref<160x128xf32, #tpu.memory_space<vmem>>, vector<160x128xf32>
    %get3A_17 = arith.constant 0 : index
    %get3A_18 = arith.constant 0 : index
    %get3A_19 = vector.load %arg1[%get3A_17, %get3A_18] : memref<160x128xf32, #tpu.memory_space<vmem>>, vector<160x128xf32>
    %get3A_20 = arith.constant 0 : index
    %get3A_21 = arith.constant 0 : index
    %get3A_22 = vector.load %arg2[%get3A_20, %get3A_21] : memref<160x128xf32, #tpu.memory_space<vmem>>, vector<160x128xf32>
    %get3A_23 = arith.constant 0 : index
    %get3A_24 = arith.constant 0 : index
    %get3A_25 = vector.load %arg3[%get3A_23, %get3A_24] : memref<160x128xf32, #tpu.memory_space<vmem>>, vector<160x128xf32>
    %get3A_26 = arith.constant 0 : index
    %get3A_27 = arith.constant 0 : index
    %get3A_28 = vector.load %arg4[%get3A_26, %get3A_27] : memref<160x128xf32, #tpu.memory_space<vmem>>, vector<160x128xf32>
    %reduce_max3A = vector.shape_cast %get3A_28 : vector<160x128xf32> to vector<1x160x128xf32>
    %reduce_max3A_29 = arith.constant dense<0xFF800000> : vector<1xf32>
    %reduce_max3A_30 = vector.multi_reduction <maximumf>, %reduce_max3A, %reduce_max3A_29 [1, 2] : vector<1x160x128xf32> to vector<1xf32>
    %reduce_max3A_31 = vector.shape_cast %reduce_max3A_30 : vector<1xf32> to vector<1x1x1xf32>
    %reduce_max3A_32 = vector.extract %reduce_max3A_31[0, 0, 0] : f32 from vector<1x1x1xf32>
    %while3A = arith.constant 0.000000e+00 : f32
    %while3A_33:2 = scf.while (%while3A_34 = %while3A, %while3A_35 = %reduce_max3A_32) : (f32, f32) -> (f32, f32) {
      %gt3A = arith.constant 3.000000e-01 : f32
      %gt3A_36 = arith.cmpf ogt, %while3A_35, %gt3A : f32
      scf.condition(%gt3A_36) %while3A_34, %while3A_35 : f32, f32
    } do {
    ^bb0(%while3A_34: f32, %while3A_35: f32):
      %get3A_36 = arith.constant 0 : index
      %get3A_37 = arith.constant 0 : index
      %get3A_38 = vector.load %arg7[%get3A_36, %get3A_37] : memref<160x128xf32, #tpu.memory_space<vmem>>, vector<160x128xf32>
      %ge3A = vector.broadcast %while3A_35 : f32 to vector<160x128xf32>
      %ge3A_39 = arith.cmpf oge, %get3A_38, %ge3A : vector<160x128xf32>
      %jit3A = arith.constant 2.048000e+04 : f32
      %broadcast_in_dim3A_40 = vector.broadcast %jit3A : f32 to vector<160x128xf32>
      %select_n3A = arith.select %ge3A_39, %convert_element_type3A, %broadcast_in_dim3A_40 : vector<160x128xi1>, vector<160x128xf32>
      %reduce_min3A = vector.shape_cast %select_n3A : vector<160x128xf32> to vector<1x160x128xf32>
      %reduce_min3A_41 = arith.constant dense<0x7F800000> : vector<1xf32>
      %reduce_min3A_42 = vector.multi_reduction <minimumf>, %reduce_min3A, %reduce_min3A_41 [1, 2] : vector<1x160x128xf32> to vector<1xf32>
      %reduce_min3A_43 = vector.shape_cast %reduce_min3A_42 : vector<1xf32> to vector<1x1x1xf32>
      %reduce_min3A_44 = vector.extract %reduce_min3A_43[0, 0, 0] : f32 from vector<1x1x1xf32>
      %eq3A = vector.broadcast %reduce_min3A_44 : f32 to vector<160x128xf32>
      %eq3A_45 = arith.cmpf oeq, %convert_element_type3A, %eq3A : vector<160x128xf32>
      %jit3A_46 = arith.constant 0xFF800000 : f32
      %broadcast_in_dim3A_47 = vector.broadcast %jit3A_46 : f32 to vector<160x128xf32>
      %select_n3A_48 = arith.select %eq3A_45, %get3A_16, %broadcast_in_dim3A_47 : vector<160x128xi1>, vector<160x128xf32>
      %reduce_max3A_49 = vector.shape_cast %select_n3A_48 : vector<160x128xf32> to vector<1x160x128xf32>
      %reduce_max3A_50 = arith.constant dense<0xFF800000> : vector<1xf32>
      %reduce_max3A_51 = vector.multi_reduction <maximumf>, %reduce_max3A_49, %reduce_max3A_50 [1, 2] : vector<1x160x128xf32> to vector<1xf32>
      %reduce_max3A_52 = vector.shape_cast %reduce_max3A_51 : vector<1xf32> to vector<1x1x1xf32>
      %reduce_max3A_53 = vector.extract %reduce_max3A_52[0, 0, 0] : f32 from vector<1x1x1xf32>
      %jit3A_54 = arith.constant 0xFF800000 : f32
      %broadcast_in_dim3A_55 = vector.broadcast %jit3A_54 : f32 to vector<160x128xf32>
      %select_n3A_56 = arith.select %eq3A_45, %get3A_19, %broadcast_in_dim3A_55 : vector<160x128xi1>, vector<160x128xf32>
      %reduce_max3A_57 = vector.shape_cast %select_n3A_56 : vector<160x128xf32> to vector<1x160x128xf32>
      %reduce_max3A_58 = arith.constant dense<0xFF800000> : vector<1xf32>
      %reduce_max3A_59 = vector.multi_reduction <maximumf>, %reduce_max3A_57, %reduce_max3A_58 [1, 2] : vector<1x160x128xf32> to vector<1xf32>
      %reduce_max3A_60 = vector.shape_cast %reduce_max3A_59 : vector<1xf32> to vector<1x1x1xf32>
      %reduce_max3A_61 = vector.extract %reduce_max3A_60[0, 0, 0] : f32 from vector<1x1x1xf32>
      %jit3A_62 = arith.constant 0xFF800000 : f32
      %broadcast_in_dim3A_63 = vector.broadcast %jit3A_62 : f32 to vector<160x128xf32>
      %select_n3A_64 = arith.select %eq3A_45, %get3A_22, %broadcast_in_dim3A_63 : vector<160x128xi1>, vector<160x128xf32>
      %reduce_max3A_65 = vector.shape_cast %select_n3A_64 : vector<160x128xf32> to vector<1x160x128xf32>
      %reduce_max3A_66 = arith.constant dense<0xFF800000> : vector<1xf32>
      %reduce_max3A_67 = vector.multi_reduction <maximumf>, %reduce_max3A_65, %reduce_max3A_66 [1, 2] : vector<1x160x128xf32> to vector<1xf32>
      %reduce_max3A_68 = vector.shape_cast %reduce_max3A_67 : vector<1xf32> to vector<1x1x1xf32>
      %reduce_max3A_69 = vector.extract %reduce_max3A_68[0, 0, 0] : f32 from vector<1x1x1xf32>
      %jit3A_70 = arith.constant 0xFF800000 : f32
      %broadcast_in_dim3A_71 = vector.broadcast %jit3A_70 : f32 to vector<160x128xf32>
      %select_n3A_72 = arith.select %eq3A_45, %get3A_25, %broadcast_in_dim3A_71 : vector<160x128xi1>, vector<160x128xf32>
      %reduce_max3A_73 = vector.shape_cast %select_n3A_72 : vector<160x128xf32> to vector<1x160x128xf32>
      %reduce_max3A_74 = arith.constant dense<0xFF800000> : vector<1xf32>
      %reduce_max3A_75 = vector.multi_reduction <maximumf>, %reduce_max3A_73, %reduce_max3A_74 [1, 2] : vector<1x160x128xf32> to vector<1xf32>
      %reduce_max3A_76 = vector.shape_cast %reduce_max3A_75 : vector<1xf32> to vector<1x1x1xf32>
      %reduce_max3A_77 = vector.extract %reduce_max3A_76[0, 0, 0] : f32 from vector<1x1x1xf32>
      %sub3A = vector.broadcast %reduce_max3A_53 : f32 to vector<160x128xf32>
      %sub3A_78 = arith.subf %get3A_16, %sub3A : vector<160x128xf32>
      %sub3A_79 = vector.broadcast %reduce_max3A_61 : f32 to vector<160x128xf32>
      %sub3A_80 = arith.subf %get3A_19, %sub3A_79 : vector<160x128xf32>
      %sub3A_81 = vector.broadcast %reduce_max3A_69 : f32 to vector<160x128xf32>
      %sub3A_82 = arith.subf %get3A_22, %sub3A_81 : vector<160x128xf32>
      %mul3A_83 = arith.mulf %sub3A_78, %sub3A_78 : vector<160x128xf32>
      %mul3A_84 = arith.mulf %sub3A_80, %sub3A_80 : vector<160x128xf32>
      %add3A_85 = arith.addf %mul3A_83, %mul3A_84 : vector<160x128xf32>
      %mul3A_86 = arith.mulf %sub3A_82, %sub3A_82 : vector<160x128xf32>
      %add3A_87 = arith.addf %add3A_85, %mul3A_86 : vector<160x128xf32>
      %le3A = vector.broadcast %reduce_max3A_77 : f32 to vector<160x128xf32>
      %le3A_88 = arith.cmpf ole, %add3A_87, %le3A : vector<160x128xf32>
      %ge3A_89 = arith.constant 0.000000e+00 : f32
      %ge3A_90 = vector.broadcast %ge3A_89 : f32 to vector<160x128xf32>
      %ge3A_91 = arith.cmpf oge, %get3A_38, %ge3A_90 : vector<160x128xf32>
      %and3A = arith.andi %le3A_88, %ge3A_91 : vector<160x128xi1>
      %get3A_92 = arith.constant 0 : index
      %get3A_93 = arith.constant 0 : index
      %get3A_94 = vector.load %arg5[%get3A_92, %get3A_93] : memref<160x128xf32, #tpu.memory_space<vmem>>, vector<160x128xf32>
      %broadcast_in_dim3A_95 = vector.broadcast %while3A_34 : f32 to vector<160x128xf32>
      %select_n3A_96 = arith.select %and3A, %broadcast_in_dim3A_95, %get3A_94 : vector<160x128xi1>, vector<160x128xf32>
      %swap3A_97 = arith.constant 0 : index
      %swap3A_98 = arith.constant 0 : index
      %swap3A_99 = vector.load %arg5[%swap3A_97, %swap3A_98] : memref<160x128xf32, #tpu.memory_space<vmem>>, vector<160x128xf32>
      tpu.vector_store %arg5[%swap3A_97, %swap3A_98], %select_n3A_96 {strides = array<i32>} : memref<160x128xf32, #tpu.memory_space<vmem>>, vector<160x128xf32>,
      %get3A_100 = arith.constant 0 : index
      %get3A_101 = arith.constant 0 : index
      %get3A_102 = vector.load %arg6[%get3A_100, %get3A_101] : memref<160x128xf32, #tpu.memory_space<vmem>>, vector<160x128xf32>
      %broadcast_in_dim3A_103 = vector.broadcast %reduce_min3A_44 : f32 to vector<160x128xf32>
      %select_n3A_104 = arith.select %and3A, %broadcast_in_dim3A_103, %get3A_102 : vector<160x128xi1>, vector<160x128xf32>
      %swap3A_105 = arith.constant 0 : index
      %swap3A_106 = arith.constant 0 : index
      %swap3A_107 = vector.load %arg6[%swap3A_105, %swap3A_106] : memref<160x128xf32, #tpu.memory_space<vmem>>, vector<160x128xf32>
      tpu.vector_store %arg6[%swap3A_105, %swap3A_106], %select_n3A_104 {strides = array<i32>} : memref<160x128xf32, #tpu.memory_space<vmem>>, vector<160x128xf32>,
      %jit3A_108 = arith.constant -2.000000e+00 : f32
      %broadcast_in_dim3A_109 = vector.broadcast %jit3A_108 : f32 to vector<160x128xf32>
      %select_n3A_110 = arith.select %and3A, %broadcast_in_dim3A_109, %get3A_38 : vector<160x128xi1>, vector<160x128xf32>
      %swap3A_111 = arith.constant 0 : index
      %swap3A_112 = arith.constant 0 : index
      %swap3A_113 = vector.load %arg7[%swap3A_111, %swap3A_112] : memref<160x128xf32, #tpu.memory_space<vmem>>, vector<160x128xf32>
      tpu.vector_store %arg7[%swap3A_111, %swap3A_112], %select_n3A_110 {strides = array<i32>} : memref<160x128xf32, #tpu.memory_space<vmem>>, vector<160x128xf32>,
      %add3A_114 = arith.constant 1.000000e+00 : f32
      %add3A_115 = arith.addf %while3A_34, %add3A_114 : f32
      %reduce_max3A_116 = vector.shape_cast %select_n3A_110 : vector<160x128xf32> to vector<1x160x128xf32>
      %reduce_max3A_117 = arith.constant dense<0xFF800000> : vector<1xf32>
      %reduce_max3A_118 = vector.multi_reduction <maximumf>, %reduce_max3A_116, %reduce_max3A_117 [1, 2] : vector<1x160x128xf32> to vector<1xf32>
      %reduce_max3A_119 = vector.shape_cast %reduce_max3A_118 : vector<1xf32> to vector<1x1x1xf32>
      %reduce_max3A_120 = vector.extract %reduce_max3A_119[0, 0, 0] : f32 from vector<1x1x1xf32>
      scf.yield %add3A_115, %reduce_max3A_120 : f32, f32
    }
    return
  }
}

</mosaic_0001>

<sc_bundles>
// kernel: kernel.4.cloned.1.call-start
scs
__scs_entry_jumppad:
0x0: {  	(pc) =	sbr.rel $0x88, $3  }
0x1: {  	(tag) =	ssettag $0x0;
	lr =	simm.s32 $0x1  }
0x2: {  	[smem:$0x3F9E] =	sst lr;
	_ =	strace $0xD0000000  }
0x3: {  	_ = 	snop  }
0x4: {  	_ = 	snop  }
0x5: {  	_ = 	snop  }
0x6: {  	_ = 	snop  }
0x7: {  	_ = 	snop  }
__scs_overlays_trampoline_lowered:
0x8: {  	[smem:$0x3FAD] =	sst s0  }
0x9: {  	[smem:$0x3FAE] =	sst s1  }
0xa: {  	[smem:$0x3FAF] =	sst s2  }
0xb: {  	[smem:$0x3FB0] =	sst s3  }
0xc: {  	[smem:$0x3FB1] =	sst s4  }
0xd: {  	[smem:$0x3FB2] =	sst s5  }
0xe: {  	[smem:$0x3FB3] =	sst s6  }
0xf: {  	[smem:$0x3FB4] =	sst s7  }
0x10: {  	[smem:$0x3FB5] =	sst s8  }
0x11: {  	[smem:$0x3FB6] =	sst s9;
	s0 =	simm.s32 @!p0 $0x0  }
0x12: {  	s1 =	sld [smem:$0x3F9C];
	s0 =	simm.s32 @p0 $0x1  }
0x13: {  	[smem:$0x3FB7] =	sst s0;
	s0 =	simm.s32 @!p1 $0x0  }
0x14: {  	s2 =	sld [smem:$0x3F9B];
	s0 =	simm.s32 @p1 $0x1  }
0x15: {  	[smem:$0x3FB8] =	sst s0;
	s0 =	simm.s32 @!p2 $0x0  }
0x16: {  	s3 =	sld [smem:$0x3FDB];
	s0 =	simm.s32 @p2 $0x1  }
0x17: {  	s4 =	simm.s32 $0x1BF5;
	[smem:$0x3FBA] =	sst s0  }
0x18: {  	s0 =	sld [smem:$0x3F9D];
	_ =	swait.ge [sflag:s4], $0x0  }
0x19: {  	s7 =	sld [smem:$0x3F9E]  }
0x1a: {  	s8 =	sadd.s32 $0xFFFFE003, lr  }
0x1b: {  	s9 =	sadd.s32 $0xFFFFFEF7, lr;
	s5 =	simm.s32 $0xFFFFFFFF;
	p2 =	slt.u32 s8, $0xFFFFF086  }
0x1c: {  	p1 =	slt.u32 s9, $0xF7A;
	s5 =	simm.s32 @!p2 $0x0  }
0x1d: {  	s5 =	simm.s32 @p1 $0x1;
	p0 =	seq.s32 s7, s2  }
0x1e: {  	s7 =	smul.u32 @!p0 $0xF7A, s2;
	p2 =	seq.s32 @!p0 s5, $0x0  }
0x1f: {  	s9 =	smul.u32 $0xF7A, s1;
	s8 =	simm.s32 @!p0 $0x1BF5;
	p2 =	por !p2, p0  }
0x20: {  	[sflag:s8] =	ssyncset.s32 @!p0 $0xFFFFF086;
	s6 =	sadd.s32 @!p0 s3, s7;
	s7 =	simm.s32 @!p0 $0x108  }
0x21: {  	s3 =	sadd.s32 s3, s9;
	s6 =	sadd.s32 @!p0 $0x88, s6;
	s7 =	simm.s32 @p2 $0x1082  }
0x22: {  	[simem:s7], [sflag:s8] =	dma.local @!p0 [hbm:s6], $0xF7A  }
0x23: {  	s9 =	sor.u32 $0xD0000000, s2;
	s6 =	simm.s32 $0x108;
	_ =	swait.ge @!p0 [sflag:s8], $0x0  }
0x24: {  	s3 =	sadd.s32 $0x88, s3;
	s6 =	simm.s32 @!p1 $0x1082;
	[sflag:s4] =	ssyncset.s32 $0xFFFFF086  }
0x25: {  	[simem:s6], [sflag:s4] =	dma.local [hbm:s3], $0xF7A  }
0x26: {  	[smem:$0x3F9E] =	sst s1;
	(tag) =	ssettag s2;
	_ =	strace s9  }
0x27: {  	s1 =	sld [smem:$0x3FAE]  }
0x28: {  	s2 =	sld [smem:$0x3FAF]  }
0x29: {  	s4 =	sld [smem:$0x3FB1]  }
0x2a: {  	p0 =	seq.s32 s5, $0x0;
	s5 =	sld [smem:$0x3FB2]  }
0x2b: {  	s6 =	sld [smem:$0x3FB3]  }
0x2c: {  	s7 =	sld [smem:$0x3FB4]  }
0x2d: {  	s3 =	simm.s32 $0x108;
	s8 =	sld [smem:$0x3FB5]  }
0x2e: {  	s3 =	simm.s32 @!p0 $0x1082;
	s9 =	sld [smem:$0x3FB6]  }
0x2f: {  	lr =	sadd.s32 s0, s3;
	s0 =	sld [smem:$0x3FAD]  }
0x30: {  	s3 =	sld [smem:$0x3FB0]  }
0x31: {  	[smem:$0x3FB9] =	sst s10  }
0x32: {  	s10 =	sld [smem:$0x3FB7];
	_ =	sdelay $0x3  }
0x33: {  	p0 =	seq.s32 s10, $0x1;
	s10 =	sld [smem:$0x3FB9];
	_ =	sdelay $0x3  }
0x34: {  	[smem:$0x3FB9] =	sst s10  }
0x35: {  	s10 =	sld [smem:$0x3FB8];
	_ =	sdelay $0x3  }
0x36: {  	p1 =	seq.s32 s10, $0x1;
	s10 =	sld [smem:$0x3FB9];
	_ =	sdelay $0x3  }
0x37: {  	[smem:$0x3FB9] =	sst s10  }
0x38: {  	s10 =	sld [smem:$0x3FBA]  }
0x39: {  	_ = 	snop;
	(pc) =	sbr.ind lr, $3  }
0x3a: {  	_ = 	snop  }
0x3b: {  	_ = 	snop  }
0x3c: {  	p2 =	seq.s32 s10, $0x1;
	s10 =	sld [smem:$0x3FB9]  }
0x3d: {  	_ =	shalt  }
0x3e: {  	_ =	shalt  }
0x3f: {  	_ =	shalt  }
0x40: {  	_ =	shalt  }
0x41: {  	_ =	shalt  }
0x42: {  	_ =	shalt  }
0x43: {  	_ =	shalt  }
0x44: {  	_ =	shalt  }
0x45: {  	_ =	shalt  }
0x46: {  	_ =	shalt  }
0x47: {  	_ =	shalt  }
0x48: {  	_ =	shalt  }
0x49: {  	_ =	shalt  }
0x4a: {  	_ =	shalt  }
0x4b: {  	_ =	shalt  }
0x4c: {  	_ =	shalt  }
0x4d: {  	_ =	shalt  }
0x4e: {  	_ =	shalt  }
0x4f: {  	_ =	shalt  }
0x50: {  	_ =	shalt  }
0x51: {  	_ =	shalt  }
0x52: {  	_ =	shalt  }
0x53: {  	_ =	shalt  }
0x54: {  	_ =	shalt  }
0x55: {  	_ =	shalt  }
0x56: {  	_ =	shalt  }
0x57: {  	_ =	shalt  }
0x58: {  	_ =	shalt  }
0x59: {  	_ =	shalt  }
0x5a: {  	_ =	shalt  }
0x5b: {  	_ =	shalt  }
0x5c: {  	_ =	shalt  }
0x5d: {  	_ =	shalt  }
0x5e: {  	_ =	shalt  }
0x5f: {  	_ =	shalt  }
0x60: {  	_ =	shalt  }
0x61: {  	_ =	shalt  }
0x62: {  	_ =	shalt  }
0x63: {  	_ =	shalt  }
0x64: {  	_ =	shalt  }
0x65: {  	_ =	shalt  }
0x66: {  	_ =	shalt  }
0x67: {  	_ =	shalt  }
0x68: {  	_ =	shalt  }
0x69: {  	_ =	shalt  }
0x6a: {  	_ =	shalt  }
0x6b: {  	_ =	shalt  }
0x6c: {  	_ =	shalt  }
0x6d: {  	_ =	shalt  }
0x6e: {  	_ =	shalt  }
0x6f: {  	_ =	shalt  }
0x70: {  	_ =	shalt  }
0x71: {  	_ =	shalt  }
0x72: {  	_ =	shalt  }
0x73: {  	_ =	shalt  }
0x74: {  	_ =	shalt  }
0x75: {  	_ =	shalt  }
0x76: {  	_ =	shalt  }
0x77: {  	_ =	shalt  }
0x78: {  	_ =	shalt  }
0x79: {  	_ =	shalt  }
0x7a: {  	_ =	shalt  }
0x7b: {  	_ =	shalt  }
0x7c: {  	_ =	shalt  }
0x7d: {  	_ =	shalt  }
0x7e: {  	_ =	shalt  }
0x7f: {  	_ =	shalt  }
0x80: {  	_ =	shalt  }
0x81: {  	_ =	shalt  }
0x82: {  	_ =	shalt  }
0x83: {  	_ =	shalt  }
0x84: {  	_ =	shalt  }
0x85: {  	_ =	shalt  }
0x86: {  	_ =	shalt  }
0x87: {  	_ =	shalt  }
.Lfunc_end0:
.L_simem_size_0:
called_computation_lowered:
.L_overlay_start_0:
0x88: {  	s2 =	sld [smem:$0x3FD9]  }
0x89: {  	s3 =	sld [smem:$0x3FFE];
	_ =	sdelay $0x1  }
0x8a: {  	s1 =	srdreg.scid  }
0x8b: {  	s0 =	sand.u32 $0x1, s1  }
0x8c: {  	s14 =	sshll.u32 s0, $0xA;
	s2 =	sadd.s32 s3, s2  }
0x8d: {  	s2 =	sadd.s32 s2, s14  }
0x8e: {  	[smem:$0x3FC5] =	sst s2  }
0x8f: {  	_ = 	snop  }
0x90: {  	s2 =	sld [smem:$0x3FD0];
	_ =	sdelay $0x2  }
0x91: {  	s15 =	simm.s32 $0xA;
	s4 =	simm.s32 $0x10  }
0x92: {  	[smem:s4], [sflag:s15] =	dma.local [hbm:s2], $0x1  }
0x93: {  	_ =	swait.eq [sflag:s15], $0x1  }
0x94: {  	[sflag:s15] =	ssyncset.done $0x0  }
0x95: {  	[sflag:s15] =	ssyncadd.s32 $0xFFFFFFFF  }
0x96: {  	s16 =	sld [smem:$0x12];
	(tm) =	ssettm $0x1  }
0x97: {  	s17 =	sld [smem:$0x3FFB];
	_ =	sdelay $0x3  }
0x98: {  	_ =	strace s17  }
0x99: {  	s3 =	sld [smem:$0x3FFC];
	_ =	sdelay $0x3  }
0x9a: {  	_ =	strace s3  }
0x9b: {  	s3 =	sld [smem:$0x3FFD];
	_ =	sdelay $0x3  }
0x9c: {  	_ =	strace s3  }
0x9d: {  	_ =	strace $0x8FFFFFFF  }
0x9e: {  	s18 =	sld [smem:$0x3FDB];
	_ =	sdelay $0x1  }
0x9f: {  	s19 =	simm.s32 $_scs_section_size  }
0xa0: {  	s5 =	simm.s32 $_size__tile_overlayer_lowered;
	s6 =	simm.s32 $_tile_overlayer_lowered  }
0xa1: {  	s22 =	simm.s32 $0x1BFF;
	s21 =	sshll.u32 s6, $0x1;
	s3 =	sadd.s32 s19, s18  }
0xa2: {  	s7 =	simm.s32 $0x0;
	s20 =	sshll.u32 s5, $0x1;
	s5 =	sadd.s32 s21, s3  }
0xa3: {  	[timem:s7], [sflag:s22] =	dma.local [hbm:s5], s20  }
0xa4: {  	_ =	swait.ge [sflag:s22], s20  }
0xa5: {  	s4 =	ssub.s32 $0x0, s20;
	[sflag:s22] =	ssyncset.done $0x0  }
0xa6: {  	[sflag:s22] =	ssyncadd.s32 s4;
	_ =	sdelay $0x1  }
0xa7: {  	s23 =	simm.s32 $0x1B8B  }
0xa8: {  	_ =	swait.ge [sflag:s23], $0x1  }
0xa9: {  	[sflag:s23] =	ssyncset.done $0x0  }
0xaa: {  	s25 =	simm.s32 $0x1B8E;
	s24 =	sld [smem:$0x3FFE];
	[sflag:s23] =	ssyncadd.s32 $0xFFFFFFFF  }
0xab: {  	s26 =	simm.s32 $execute0_lowered;
	[smem:$0x3FD2] =	sst s25  }
0xac: {  	s5 =	sshll.u32 s26, $0x1;
	_ =	strace $0x80000046;
	[dreg:$0x1] =	wrdreg $0xFFFFFFFF  }
0xad: {  	s28 =	simm.s32 $_size_execute0_lowered;
	s3 =	sadd.s32 s3, s5;
	[dreg:$0x0] =	wrdreg $0x0  }
0xae: {  	s5 =	sshll.u32 s28, $0x1;
	[dreg:$0x2] =	wrdreg s3  }
0xaf: {  	[dreg:$0x3] =	wrdreg s5  }
0xb0: {  	[dreg:$0x4] =	wrdreg $0xC0  }
0xb1: {  	_ =	task [dreg:s7], $0x5FFFF  }
0xb2: {  	[dreg:$0x1] =	wrdreg $0xFFFFFFFF  }
0xb3: {  	[dreg:$0x0] =	wrdreg $0x60  }
0xb4: {  	[dreg:$0x2] =	wrdreg s16  }
0xb5: {  	[dreg:$0x3] =	wrdreg s24  }
0xb6: {  	[dreg:$0x4] =	wrdreg $0x9  }
0xb7: {  	_ =	task.clear_ibuf [dreg:s7], $0x5FFFF;
	_ =	strace $0x90000046  }
0xb8: {  	s29 =	simm.s32 $0x9;
	_ =	strace $0x80000048  }
0xb9: {  	_ =	swait.ge [sflag:s29], $0x1  }
0xba: {  	[sflag:s29] =	ssyncadd.s32 $0xFFFFFFFF  }
0xbb: {  	_ =	strace $0x90000048  }
0xbc: {  	_ =	sfence  }
0xbd: {  	s30 =	sld [smem:$0x0];
	_ =	sdelay $0x2  }
0xbe: {  	s31 =	sshll.u32 s1, $0xD;
	s1 =	sshrl.u32 s1, $0x2  }
0xbf: {  	s3 =	sand.u32 $0x4000, s31;
	s1 =	sadd.s32 s1, s30  }
0xc0: {  	s0 =	sor.u32 s3, s0;
	s1 =	sshll.u32 s1, $0x11  }
0xc1: {  	s0 =	sor.u32 s1, s0  }
0xc2: {  	s0 =	sadd.s32 $0x8F2B, s0  }
0xc3: {  	[sflag:s0] =	ssyncadd.remote.s32 $0x1  }
0xc4: {  	_ =	sfence.sel $0xFFFF  }
0xc5: {  	[dreg:$0x0] =	wrdreg $0xFFFFFFFF;
	(pc) =	sbr.abs _section_cstart, $3  }
0xc6: {  	[dreg:$0x1] =	wrdreg $0xFFFFFFFF  }
0xc7: {  	_ =	task.clear_ibuf [dreg:s7], $0x2FFFF;
	_ =	strace $0x9FFFFFFF  }
0xc8: {  	(tm) =	ssettm $0x7FFFFFFF  }
0xc9: {  	_ =	shalt  }
tec
execute0_lowered:
.L_overlay_start_1:
0x0: {  	(tag) =	ssettag $0x1  }
0x1: {  	s0 =	rddreg [dreg:$0x0]  }
0x2: {  	s6 =	rddreg [dreg:$0x1];
	s1 =	simm.s32 $0x0  }
0x3: {  	s4 =	srdreg.scid;
	s2 =	stileid.u32;
	s10 =	simm.s32 $0x80  }
0x4: {  	s11 =	simm.s32 $0x400;
	s12 =	simm.s32 $0x800;
	s13 =	simm.s32 $0x1  }
0x5: {  	s14 =	simm.s32 $0xC00;
	s15 =	simm.s32 $0x1000;
	s16 =	simm.s32 $0x480  }
0x6: {  	s17 =	simm.s32 $0x880;
	s18 =	simm.s32 $0xC80;
	s19 =	simm.s32 $0x1080  }
0x7: {  	s20 =	simm.s32 $0x500;
	s21 =	simm.s32 $0x900;
	s22 =	simm.s32 $0xD00  }
0x8: {  	s23 =	simm.s32 $0x1100;
	s28 =	simm.s32 $0x1180;
	s29 =	simm.s32 $0x600  }
0x9: {  	s30 =	simm.s32 $0xA00;
	s31 =	simm.s32 $0xE00;
	[smem:$0x7FF] =	sst s1  }
0xa: {  	s3 =	sadd.s32 $0x2800, s6;
	s7 =	sand.u32 $0x1, s4;
	s4 =	sadd.s32 $0x1E00, s6  }
0xb: {  	s8 =	sshll.u32 s2, $0x8;
	s5 =	sadd.s32 $0x1400, s6;
	s9 =	sshll.u32 s7, $0x7  }
0xc: {  	_ =	strace $0x80000047;
	s7 =	ssub.s32 $0x2, s7;
	s8 =	sor.u32 s9, s8  }
0xd: {  	s24 =	sshrl.u32 s7, $0x1;
	s9 =	sadd.s32 s8, s6;
	s0 =	sadd.s32 s0, s8  }
0xe: {  	s25 =	ssub.s32 s7, s24;
	s24 =	simm.s32 $0x580;
	[dreg:$0x3] =	wrdreg s0  }
0xf: {  	s26 =	sadd.s32 $0x3200, s9;
	s6 =	sadd.s32 $0x4200, s9;
	s7 =	sadd.s32 $0x5200, s9  }
0x10: {  	s8 =	smax.u32 s25, $0x1;
	s9 =	simm.s32 $0x2;
	s25 =	simm.s32 $0x980  }
0x11: {  	s0 =	simm.s32 $0x1200;
	[dreg:$0x4] =	wrdreg s26;
	s26 =	simm.s32 $0xD80  }
.LBB2_1:
0x12: {  	s2 =	rddreg [dreg:$0x3]  }
0x13: {  	[tilespmem:s1], [sflag:$0x2] =	stream.linear.gather [hbm4b:s2+s1], $0x280, $0x38;
	[tilespmem:$0x1400] =	vst v63  }
0x14: {  	_ =	swait.ge [sflag:s9], $0x280  }
0x15: {  	[sflag:s9] =	ssyncset.done $0x0  }
0x16: {  	[sflag:s9] =	ssyncadd.s32 $0xFFFFFD80  }
0x17: {  	v0 =	vld [tilespmem:$0x0]  }
0x18: {  	v1 =	vld [tilespmem:$0x10]  }
0x19: {  	v2 =	vld [tilespmem:$0x20]  }
0x1a: {  	v3 =	vld [tilespmem:$0x30]  }
0x1b: {  	v4 =	vld [tilespmem:$0x40]  }
0x1c: {  	v5 =	vld [tilespmem:$0x50];
	vm0 =	vgt.s32 v0, $0x0  }
0x1d: {  	v6 =	vld [tilespmem:$0x60];
	vm9 =	vgt.s32 v1, $0x0;
	v0 =	vnsel vm0, $0x0, v0  }
0x1e: {  	v30 =	vld [tilespmem:$0x70];
	vm10 =	vgt.s32 v2, $0x0;
	v29 =	vnsel vm9, $0x0, v1;
	[tilespmem:$0x400] =	vst v0  }
0x1f: {  	v32 =	vld [tilespmem:$0x80];
	vm11 =	vgt.s32 v3, $0x0;
	v31 =	vnsel vm10, $0x0, v2;
	[tilespmem:$0x410] =	vst v29  }
0x20: {  	v34 =	vld [tilespmem:$0x90];
	vm12 =	vgt.s32 v4, $0x0;
	v33 =	vnsel vm11, $0x0, v3;
	[tilespmem:$0x420] =	vst v31  }
0x21: {  	v36 =	vld [tilespmem:$0xA0];
	vm13 =	vgt.s32 v5, $0x0;
	v35 =	vnsel vm12, $0x0, v4;
	[tilespmem:$0x430] =	vst v33  }
0x22: {  	v38 =	vld [tilespmem:$0xB0];
	vm14 =	vgt.s32 v6, $0x0;
	v37 =	vnsel vm13, $0x0, v5;
	[tilespmem:$0x440] =	vst v35  }
0x23: {  	v40 =	vld [tilespmem:$0xC0];
	vm15 =	vgt.s32 v30, $0x0;
	v39 =	vnsel vm14, $0x0, v6;
	[tilespmem:$0x450] =	vst v37  }
0x24: {  	v42 =	vld [tilespmem:$0xD0];
	vm4 =	vgt.s32 v32, $0x0;
	v41 =	vnsel vm15, $0x0, v30;
	[tilespmem:$0x460] =	vst v39  }
0x25: {  	v44 =	vld [tilespmem:$0xE0];
	vm5 =	vgt.s32 v34, $0x0;
	v43 =	vnsel vm4, $0x0, v32;
	[tilespmem:$0x470] =	vst v41  }
0x26: {  	v46 =	vld [tilespmem:$0xF0];
	vm6 =	vgt.s32 v36, $0x0;
	v45 =	vnsel vm5, $0x0, v34;
	[tilespmem:$0x480] =	vst v43  }
0x27: {  	v48 =	vld [tilespmem:$0x100];
	vm7 =	vgt.s32 v38, $0x0;
	v47 =	vnsel vm6, $0x0, v36;
	[tilespmem:$0x490] =	vst v45  }
0x28: {  	v50 =	vld [tilespmem:$0x110];
	vm8 =	vgt.s32 v40, $0x0;
	v49 =	vnsel vm7, $0x0, v38;
	[tilespmem:$0x4A0] =	vst v47  }
0x29: {  	v52 =	vld [tilespmem:$0x120];
	v51 =	vnsel vm8, $0x0, v40;
	vm9 =	vgt.s32 v42, $0x0;
	[tilespmem:$0x4B0] =	vst v49  }
0x2a: {  	v54 =	vld [tilespmem:$0x130];
	vm10 =	vgt.s32 v44, $0x0;
	[tilespmem:$0x4C0] =	vst v51;
	v53 =	vnsel vm9, $0x0, v42  }
0x2b: {  	v56 =	vld [tilespmem:$0x140];
	vm11 =	vgt.s32 v46, $0x0;
	v55 =	vnsel vm10, $0x0, v44;
	[tilespmem:$0x4D0] =	vst v53  }
0x2c: {  	v58 =	vld [tilespmem:$0x150];
	vm12 =	vgt.s32 v48, $0x0;
	v57 =	vnsel vm11, $0x0, v46;
	[tilespmem:$0x4E0] =	vst v55  }
0x2d: {  	v60 =	vld [tilespmem:$0x160];
	vm13 =	vgt.s32 v50, $0x0;
	v59 =	vnsel vm12, $0x0, v48;
	[tilespmem:$0x4F0] =	vst v57  }
0x2e: {  	v62 =	vld [tilespmem:$0x170];
	vm14 =	vgt.s32 v52, $0x0;
	v61 =	vnsel vm13, $0x0, v50;
	[tilespmem:$0x500] =	vst v59  }
0x2f: {  	v9 =	vld [tilespmem:$0x180];
	vm15 =	vgt.s32 v54, $0x0;
	v63 =	vnsel vm14, $0x0, v52;
	[tilespmem:$0x510] =	vst v61  }
0x30: {  	v11 =	vld [tilespmem:$0x190];
	vm4 =	vgt.s32 v56, $0x0;
	v10 =	vnsel vm15, $0x0, v54;
	[tilespmem:$0x520] =	vst v63  }
0x31: {  	v13 =	vld [tilespmem:$0x1A0];
	vm5 =	vgt.s32 v58, $0x0;
	v12 =	vnsel vm4, $0x0, v56;
	[tilespmem:$0x530] =	vst v10  }
0x32: {  	v15 =	vld [tilespmem:$0x1B0];
	vm6 =	vgt.s32 v60, $0x0;
	v14 =	vnsel vm5, $0x0, v58;
	[tilespmem:$0x540] =	vst v12  }
0x33: {  	v17 =	vld [tilespmem:$0x1C0];
	vm7 =	vgt.s32 v62, $0x0;
	v16 =	vnsel vm6, $0x0, v60;
	[tilespmem:$0x550] =	vst v14  }
0x34: {  	v19 =	vld [tilespmem:$0x1D0];
	vm8 =	vgt.s32 v9, $0x0;
	v18 =	vnsel vm7, $0x0, v62;
	[tilespmem:$0x560] =	vst v16  }
0x35: {  	v21 =	vld [tilespmem:$0x1E0];
	v20 =	vnsel vm8, $0x0, v9;
	vm9 =	vgt.s32 v11, $0x0;
	[tilespmem:$0x570] =	vst v18  }
0x36: {  	v23 =	vld [tilespmem:$0x1F0];
	vm10 =	vgt.s32 v13, $0x0;
	[tilespmem:$0x580] =	vst v20;
	v22 =	vnsel vm9, $0x0, v11  }
0x37: {  	v25 =	vld [tilespmem:$0x200];
	vm11 =	vgt.s32 v15, $0x0;
	v24 =	vnsel vm10, $0x0, v13;
	[tilespmem:$0x590] =	vst v22  }
0x38: {  	v27 =	vld [tilespmem:$0x210];
	vm12 =	vgt.s32 v17, $0x0;
	v26 =	vnsel vm11, $0x0, v15;
	[tilespmem:$0x5A0] =	vst v24  }
0x39: {  	vm13 =	vgt.s32 v19, $0x0;
	v29 =	vld [tilespmem:$0x220];
	v28 =	vnsel vm12, $0x0, v17;
	[tilespmem:$0x5B0] =	vst v26  }
0x3a: {  	vm14 =	vgt.s32 v21, $0x0;
	v31 =	vld [tilespmem:$0x230];
	v30 =	vnsel vm13, $0x0, v19;
	[tilespmem:$0x5C0] =	vst v28  }
0x3b: {  	vm15 =	vgt.s32 v23, $0x0;
	v33 =	vld [tilespmem:$0x240];
	v32 =	vnsel vm14, $0x0, v21;
	[tilespmem:$0x5D0] =	vst v30  }
0x3c: {  	vm4 =	vgt.s32 v25, $0x0;
	v35 =	vld [tilespmem:$0x250];
	v34 =	vnsel vm15, $0x0, v23;
	[tilespmem:$0x5E0] =	vst v32  }
0x3d: {  	vm5 =	vgt.s32 v27, $0x0;
	v37 =	vld [tilespmem:$0x260];
	v36 =	vnsel vm4, $0x0, v25;
	[tilespmem:$0x5F0] =	vst v34  }
0x3e: {  	v39 =	vld [tilespmem:$0x270];
	v38 =	vnsel vm5, $0x0, v27;
	[tilespmem:$0x600] =	vst v36;
	vm6 =	vgt.s32 v29, $0x0  }
0x3f: {  	[tilespmem:$0x610] =	vst v38;
	vm7 =	vgt.s32 v31, $0x0;
	v40 =	vnsel vm6, $0x0, v29  }
0x40: {  	vm8 =	vgt.s32 v33, $0x0;
	v41 =	vnsel vm7, $0x0, v31;
	[tilespmem:$0x620] =	vst v40  }
0x41: {  	vm9 =	vgt.s32 v35, $0x0;
	v42 =	vnsel vm8, $0x0, v33;
	[tilespmem:$0x630] =	vst v41  }
0x42: {  	vm10 =	vgt.s32 v37, $0x0;
	v43 =	vnsel vm9, $0x0, v35;
	[tilespmem:$0x640] =	vst v42  }
0x43: {  	vm11 =	vgt.s32 v39, $0x0;
	v44 =	vnsel vm10, $0x0, v37;
	[tilespmem:$0x650] =	vst v43  }
0x44: {  	v45 =	vnsel vm11, $0x0, v39;
	[tilespmem:$0x660] =	vst v44  }
0x45: {  	[tilespmem:$0x670] =	vst v45  }
0x46: {  	[tilespmem:s12], [sflag:$0x1] =	stream.indirect.gather [hbm4b:s3+s10], $0x1, s11, s10, $0xb8;
	[tilespmem:$0x1400] =	vst v63  }
0x47: {  	_ =	swait.ge [sflag:s13], $0x80  }
0x48: {  	[sflag:s13] =	ssyncset.done $0x0  }
0x49: {  	[sflag:s13] =	ssyncadd.s32 $0xFFFFFF80  }
0x4a: {  	[tilespmem:s14], [sflag:$0x1] =	stream.indirect.gather [hbm4b:s4+s10], $0x1, s11, s10, $0xb8;
	[tilespmem:$0x1400] =	vst v63  }
0x4b: {  	_ =	swait.ge [sflag:s13], $0x80  }
0x4c: {  	[sflag:s13] =	ssyncset.done $0x0  }
0x4d: {  	[sflag:s13] =	ssyncadd.s32 $0xFFFFFF80  }
0x4e: {  	[tilespmem:s15], [sflag:$0x1] =	stream.indirect.gather [hbm4b:s5+s10], $0x1, s11, s10, $0xb8;
	[tilespmem:$0x1400] =	vst v63  }
0x4f: {  	_ =	swait.ge [sflag:s13], $0x80  }
0x50: {  	[sflag:s13] =	ssyncset.done $0x0  }
0x51: {  	[sflag:s13] =	ssyncadd.s32 $0xFFFFFF80  }
0x52: {  	[tilespmem:s17], [sflag:$0x1] =	stream.indirect.gather [hbm4b:s3+s10], $0x1, s16, s10, $0xb8;
	[tilespmem:$0x1400] =	vst v63  }
0x53: {  	_ =	swait.ge [sflag:s13], $0x80  }
0x54: {  	[sflag:s13] =	ssyncset.done $0x0  }
0x55: {  	[sflag:s13] =	ssyncadd.s32 $0xFFFFFF80  }
0x56: {  	[tilespmem:s18], [sflag:$0x1] =	stream.indirect.gather [hbm4b:s4+s10], $0x1, s16, s10, $0xb8;
	[tilespmem:$0x1400] =	vst v63  }
0x57: {  	_ =	swait.ge [sflag:s13], $0x80  }
0x58: {  	[sflag:s13] =	ssyncset.done $0x0  }
0x59: {  	[sflag:s13] =	ssyncadd.s32 $0xFFFFFF80  }
0x5a: {  	[tilespmem:s19], [sflag:$0x1] =	stream.indirect.gather [hbm4b:s5+s10], $0x1, s16, s10, $0xb8;
	[tilespmem:$0x1400] =	vst v63  }
0x5b: {  	_ =	swait.ge [sflag:s13], $0x80  }
0x5c: {  	[sflag:s13] =	ssyncset.done $0x0  }
0x5d: {  	[sflag:s13] =	ssyncadd.s32 $0xFFFFFF80  }
0x5e: {  	[tilespmem:s21], [sflag:$0x1] =	stream.indirect.gather [hbm4b:s3+s10], $0x1, s20, s10, $0xb8;
	[tilespmem:$0x1400] =	vst v63  }
0x5f: {  	_ =	swait.ge [sflag:s13], $0x80  }
0x60: {  	[sflag:s13] =	ssyncset.done $0x0  }
0x61: {  	[sflag:s13] =	ssyncadd.s32 $0xFFFFFF80  }
0x62: {  	[tilespmem:s22], [sflag:$0x1] =	stream.indirect.gather [hbm4b:s4+s10], $0x1, s20, s10, $0xb8;
	[tilespmem:$0x1400] =	vst v63  }
0x63: {  	_ =	swait.ge [sflag:s13], $0x80  }
0x64: {  	[sflag:s13] =	ssyncset.done $0x0  }
0x65: {  	[sflag:s13] =	ssyncadd.s32 $0xFFFFFF80  }
0x66: {  	[tilespmem:s23], [sflag:$0x1] =	stream.indirect.gather [hbm4b:s5+s10], $0x1, s20, s10, $0xb8;
	[tilespmem:$0x1400] =	vst v63  }
0x67: {  	_ =	swait.ge [sflag:s13], $0x80  }
0x68: {  	[sflag:s13] =	ssyncset.done $0x0  }
0x69: {  	[sflag:s13] =	ssyncadd.s32 $0xFFFFFF80  }
0x6a: {  	[tilespmem:s25], [sflag:$0x1] =	stream.indirect.gather [hbm4b:s3+s10], $0x1, s24, s10, $0xb8;
	[tilespmem:$0x1400] =	vst v63  }
0x6b: {  	_ =	swait.ge [sflag:s13], $0x80  }
0x6c: {  	[sflag:s13] =	ssyncset.done $0x0  }
0x6d: {  	[sflag:s13] =	ssyncadd.s32 $0xFFFFFF80  }
0x6e: {  	[tilespmem:s26], [sflag:$0x1] =	stream.indirect.gather [hbm4b:s4+s10], $0x1, s24, s10, $0xb8;
	[tilespmem:$0x1400] =	vst v63  }
0x6f: {  	_ =	swait.ge [sflag:s13], $0x80  }
0x70: {  	[sflag:s13] =	ssyncset.done $0x0  }
0x71: {  	[sflag:s13] =	ssyncadd.s32 $0xFFFFFF80  }
0x72: {  	[tilespmem:s28], [sflag:$0x1] =	stream.indirect.gather [hbm4b:s5+s10], $0x1, s24, s10, $0xb8;
	[tilespmem:$0x1400] =	vst v63  }
0x73: {  	_ =	swait.ge [sflag:s13], $0x80  }
0x74: {  	[sflag:s13] =	ssyncset.done $0x0  }
0x75: {  	[sflag:s13] =	ssyncadd.s32 $0xFFFFFF80  }
0x76: {  	[tilespmem:s30], [sflag:$0x1] =	stream.indirect.gather [hbm4b:s3+s10], $0x1, s29, s10, $0xb8;
	[tilespmem:$0x1400] =	vst v63  }
0x77: {  	_ =	swait.ge [sflag:s13], $0x80  }
0x78: {  	[sflag:s13] =	ssyncset.done $0x0  }
0x79: {  	[sflag:s13] =	ssyncadd.s32 $0xFFFFFF80  }
0x7a: {  	[tilespmem:s31], [sflag:$0x1] =	stream.indirect.gather [hbm4b:s4+s10], $0x1, s29, s10, $0xb8;
	[tilespmem:$0x1400] =	vst v63  }
0x7b: {  	_ =	swait.ge [sflag:s13], $0x80  }
0x7c: {  	[sflag:s13] =	ssyncset.done $0x0  }
0x7d: {  	[sflag:s13] =	ssyncadd.s32 $0xFFFFFF80  }
0x7e: {  	[tilespmem:s0], [sflag:$0x1] =	stream.indirect.gather [hbm4b:s5+s10], $0x1, s29, s10, $0xb8;
	[tilespmem:$0x1400] =	vst v63  }
0x7f: {  	_ =	swait.ge [sflag:s13], $0x80  }
0x80: {  	[sflag:s13] =	ssyncset.done $0x0  }
0x81: {  	[sflag:s13] =	ssyncadd.s32 $0xFFFFFF80  }
0x82: {  	v46 =	vld [tilespmem:$0x0]  }
0x83: {  	v47 =	vld [tilespmem:$0x800]  }
0x84: {  	v48 =	vld [tilespmem:$0xC00]  }
0x85: {  	v49 =	vld [tilespmem:$0x1000]  }
0x86: {  	v50 =	vld [tilespmem:$0x10]  }
0x87: {  	v51 =	vld [tilespmem:$0x810]  }
0x88: {  	v52 =	vld [tilespmem:$0xC10]  }
0x89: {  	v7 =	vld [tilespmem:$0x1010]  }
0x8a: {  	v8 =	vld [tilespmem:$0x20]  }
0x8b: {  	v9 =	vld [tilespmem:$0x820]  }
0x8c: {  	v10 =	vld [tilespmem:$0xC20]  }
0x8d: {  	v11 =	vld [tilespmem:$0x1020]  }
0x8e: {  	v12 =	vld [tilespmem:$0x30]  }
0x8f: {  	v13 =	vld [tilespmem:$0x830]  }
0x90: {  	v14 =	vld [tilespmem:$0xC30]  }
0x91: {  	v15 =	vld [tilespmem:$0x1030]  }
0x92: {  	v16 =	vld [tilespmem:$0x40]  }
0x93: {  	v17 =	vld [tilespmem:$0x840]  }
0x94: {  	v18 =	vld [tilespmem:$0xC40]  }
0x95: {  	v19 =	vld [tilespmem:$0x1040]  }
0x96: {  	v20 =	vld [tilespmem:$0x50]  }
0x97: {  	v21 =	vld [tilespmem:$0x850]  }
0x98: {  	v22 =	vld [tilespmem:$0xC50]  }
0x99: {  	v23 =	vld [tilespmem:$0x1050]  }
0x9a: {  	v24 =	vld [tilespmem:$0x60]  }
0x9b: {  	v25 =	vld [tilespmem:$0x860]  }
0x9c: {  	v26 =	vld [tilespmem:$0xC60]  }
0x9d: {  	v27 =	vld [tilespmem:$0x1060]  }
0x9e: {  	v28 =	vld [tilespmem:$0x70]  }
0x9f: {  	v29 =	vld [tilespmem:$0x870]  }
0xa0: {  	v30 =	vld [tilespmem:$0xC70]  }
0xa1: {  	v31 =	vld [tilespmem:$0x1070]  }
0xa2: {  	v32 =	vld [tilespmem:$0x80]  }
0xa3: {  	v33 =	vld [tilespmem:$0x880]  }
0xa4: {  	v34 =	vld [tilespmem:$0xC80]  }
0xa5: {  	v35 =	vld [tilespmem:$0x1080]  }
0xa6: {  	v36 =	vld [tilespmem:$0x90]  }
0xa7: {  	v37 =	vld [tilespmem:$0x890]  }
0xa8: {  	v38 =	vld [tilespmem:$0xC90]  }
0xa9: {  	v39 =	vld [tilespmem:$0x1090]  }
0xaa: {  	v40 =	vld [tilespmem:$0xA0]  }
0xab: {  	v41 =	vld [tilespmem:$0x8A0]  }
0xac: {  	v42 =	vld [tilespmem:$0xCA0]  }
0xad: {  	v43 =	vld [tilespmem:$0x10A0]  }
0xae: {  	v0 =	vld [tilespmem:$0xB0];
	vm12 =	vlt.s32 v46, $0x0  }
0xaf: {  	v44 =	vld [tilespmem:$0x8B0];
	v1 =	vsel vm12, $0x0, v47  }
0xb0: {  	v2 =	vld [tilespmem:$0xCB0];
	v53 =	vsel vm12, $0x0, v48;
	[tilespmem:$0x800] =	vst v1  }
0xb1: {  	v3 =	vld [tilespmem:$0x10B0];
	vm13 =	vlt.s32 v50, $0x0;
	v54 =	vsel vm12, $0x0, v49;
	[tilespmem:$0xC00] =	vst v53  }
0xb2: {  	v4 =	vld [tilespmem:$0xC0];
	v55 =	vsel vm13, $0x0, v51;
	[tilespmem:$0x1000] =	vst v54  }
0xb3: {  	v5 =	vld [tilespmem:$0x8C0];
	v56 =	vsel vm13, $0x0, v52;
	[tilespmem:$0x810] =	vst v55  }
0xb4: {  	v6 =	vld [tilespmem:$0xCC0];
	vm14 =	vlt.s32 v8, $0x0;
	v57 =	vsel vm13, $0x0, v7;
	[tilespmem:$0xC10] =	vst v56  }
0xb5: {  	v8 =	vld [tilespmem:$0xD0];
	v58 =	vsel vm14, $0x0, v9;
	[tilespmem:$0x1010] =	vst v57  }
0xb6: {  	vm15 =	vlt.s32 v12, $0x0;
	v12 =	vld [tilespmem:$0xE0];
	v59 =	vsel vm14, $0x0, v10;
	[tilespmem:$0x820] =	vst v58  }
0xb7: {  	vm4 =	vlt.s32 v16, $0x0;
	v16 =	vld [tilespmem:$0xF0];
	v60 =	vsel vm14, $0x0, v11;
	[tilespmem:$0xC20] =	vst v59  }
0xb8: {  	vm5 =	vlt.s32 v20, $0x0;
	v20 =	vld [tilespmem:$0x100];
	v61 =	vsel vm15, $0x0, v13;
	[tilespmem:$0x1020] =	vst v60  }
0xb9: {  	vm6 =	vlt.s32 v24, $0x0;
	v24 =	vld [tilespmem:$0x110];
	v62 =	vsel vm15, $0x0, v14;
	[tilespmem:$0x830] =	vst v61  }
0xba: {  	vm7 =	vlt.s32 v28, $0x0;
	v28 =	vld [tilespmem:$0x120];
	v63 =	vsel vm15, $0x0, v15;
	[tilespmem:$0xC30] =	vst v62  }
0xbb: {  	vm8 =	vlt.s32 v32, $0x0;
	v32 =	vld [tilespmem:$0x130];
	v17 =	vsel vm4, $0x0, v17;
	[tilespmem:$0x1030] =	vst v63  }
0xbc: {  	vm11 =	vlt.s32 v0, $0x0;
	v0 =	vld [tilespmem:$0x930];
	v18 =	vsel vm4, $0x0, v18;
	[tilespmem:$0x840] =	vst v17  }
0xbd: {  	vm10 =	vlt.s32 v40, $0x0;
	v40 =	vld [tilespmem:$0xD40];
	v19 =	vsel vm4, $0x0, v19;
	[tilespmem:$0xC40] =	vst v18  }
0xbe: {  	v7 =	vld [tilespmem:$0x10C0];
	v45 =	vsel vm5, $0x0, v21;
	[tilespmem:$0x1040] =	vst v19  }
0xbf: {  	v9 =	vld [tilespmem:$0x8D0];
	v46 =	vsel vm5, $0x0, v22;
	[tilespmem:$0x850] =	vst v45  }
0xc0: {  	v10 =	vld [tilespmem:$0xCD0];
	v47 =	vsel vm5, $0x0, v23;
	[tilespmem:$0xC50] =	vst v46  }
0xc1: {  	v11 =	vld [tilespmem:$0x10D0];
	v48 =	vsel vm6, $0x0, v25;
	[tilespmem:$0x1050] =	vst v47  }
0xc2: {  	v13 =	vld [tilespmem:$0x8E0];
	v49 =	vsel vm6, $0x0, v26;
	[tilespmem:$0x860] =	vst v48  }
0xc3: {  	v14 =	vld [tilespmem:$0xCE0];
	v50 =	vsel vm6, $0x0, v27;
	[tilespmem:$0xC60] =	vst v49  }
0xc4: {  	v15 =	vld [tilespmem:$0x10E0];
	v51 =	vsel vm7, $0x0, v29;
	[tilespmem:$0x1060] =	vst v50  }
0xc5: {  	v21 =	vld [tilespmem:$0x900];
	v52 =	vsel vm7, $0x0, v30;
	[tilespmem:$0x870] =	vst v51  }
0xc6: {  	vm9 =	vlt.s32 v36, $0x0;
	v22 =	vld [tilespmem:$0xD00];
	v36 =	vsel vm11, $0x0, v3;
	[tilespmem:$0xC70] =	vst v52  }
0xc7: {  	v23 =	vld [tilespmem:$0x1100];
	v53 =	vsel vm7, $0x0, v31;
	[tilespmem:$0x10B0] =	vst v36  }
0xc8: {  	v25 =	vld [tilespmem:$0x910];
	v54 =	vsel vm8, $0x0, v33;
	[tilespmem:$0x1070] =	vst v53  }
0xc9: {  	v26 =	vld [tilespmem:$0xD10];
	v55 =	vsel vm8, $0x0, v34;
	[tilespmem:$0x880] =	vst v54  }
0xca: {  	v27 =	vld [tilespmem:$0x1110];
	v56 =	vsel vm8, $0x0, v35;
	[tilespmem:$0xC80] =	vst v55  }
0xcb: {  	v29 =	vld [tilespmem:$0x920];
	v57 =	vsel vm9, $0x0, v37;
	[tilespmem:$0x1080] =	vst v56  }
0xcc: {  	v30 =	vld [tilespmem:$0xD20];
	v58 =	vsel vm9, $0x0, v38;
	[tilespmem:$0x890] =	vst v57  }
0xcd: {  	v3 =	vld [tilespmem:$0x140];
	v59 =	vsel vm9, $0x0, v39;
	[tilespmem:$0xC90] =	vst v58  }
0xce: {  	v17 =	vld [tilespmem:$0x8F0];
	v60 =	vsel vm10, $0x0, v41;
	[tilespmem:$0x1090] =	vst v59  }
0xcf: {  	v18 =	vld [tilespmem:$0xCF0];
	v61 =	vsel vm10, $0x0, v42;
	[tilespmem:$0x8A0] =	vst v60  }
0xd0: {  	v19 =	vld [tilespmem:$0x10F0];
	v62 =	vsel vm10, $0x0, v43;
	[tilespmem:$0xCA0] =	vst v61  }
0xd1: {  	v31 =	vld [tilespmem:$0x1120];
	v63 =	vsel vm11, $0x0, v44;
	[tilespmem:$0x10A0] =	vst v62  }
0xd2: {  	vm12 =	vlt.s32 v4, $0x0;
	v33 =	vld [tilespmem:$0xD30];
	v35 =	vsel vm11, $0x0, v2;
	[tilespmem:$0x8B0] =	vst v63  }
0xd3: {  	v2 =	vld [tilespmem:$0x1130];
	v37 =	vsel vm12, $0x0, v5;
	[tilespmem:$0xCB0] =	vst v35  }
0xd4: {  	v38 =	vld [tilespmem:$0x940];
	v39 =	vsel vm12, $0x0, v6;
	[tilespmem:$0x8C0] =	vst v37  }
0xd5: {  	v6 =	vld [tilespmem:$0x1140];
	[tilespmem:$0xCC0] =	vst v39;
	vm13 =	vlt.s32 v8, $0x0;
	v41 =	vsel vm12, $0x0, v7  }
0xd6: {  	v44 =	vld [tilespmem:$0x950];
	v42 =	vsel vm13, $0x0, v9;
	[tilespmem:$0x10C0] =	vst v41  }
0xd7: {  	v46 =	vld [tilespmem:$0xD50];
	v43 =	vsel vm13, $0x0, v10;
	[tilespmem:$0x8D0] =	vst v42  }
0xd8: {  	v50 =	vld [tilespmem:$0x960];
	vm14 =	vlt.s32 v12, $0x0;
	v45 =	vsel vm13, $0x0, v11;
	[tilespmem:$0xCD0] =	vst v43  }
0xd9: {  	v52 =	vld [tilespmem:$0xD60];
	v47 =	vsel vm14, $0x0, v13;
	[tilespmem:$0x10D0] =	vst v45  }
0xda: {  	v56 =	vld [tilespmem:$0x970];
	v48 =	vsel vm14, $0x0, v14;
	[tilespmem:$0x8E0] =	vst v47  }
0xdb: {  	v58 =	vld [tilespmem:$0xD70];
	vm4 =	vlt.s32 v20, $0x0;
	v49 =	vsel vm14, $0x0, v15;
	[tilespmem:$0xCE0] =	vst v48  }
0xdc: {  	v61 =	vld [tilespmem:$0x180];
	v55 =	vsel vm4, $0x0, v21;
	[tilespmem:$0x10E0] =	vst v49  }
0xdd: {  	v63 =	vld [tilespmem:$0x980];
	v57 =	vsel vm4, $0x0, v22;
	[tilespmem:$0x900] =	vst v55  }
0xde: {  	v35 =	vld [tilespmem:$0x1190];
	vm5 =	vlt.s32 v24, $0x0;
	v59 =	vsel vm4, $0x0, v23;
	[tilespmem:$0xD00] =	vst v57  }
0xdf: {  	v37 =	vld [tilespmem:$0x1A0];
	v60 =	vsel vm5, $0x0, v25;
	[tilespmem:$0x1100] =	vst v59  }
0xe0: {  	v39 =	vld [tilespmem:$0x9A0];
	v62 =	vsel vm5, $0x0, v26;
	[tilespmem:$0x910] =	vst v60  }
0xe1: {  	vm6 =	vlt.s32 v28, $0x0;
	vm7 =	vlt.s32 v32, $0x0;
	v32 =	vld [tilespmem:$0xD90];
	v26 =	vsel vm5, $0x0, v27;
	[tilespmem:$0xD10] =	vst v62  }
0xe2: {  	vm15 =	vlt.s32 v16, $0x0;
	v16 =	vld [tilespmem:$0xE20];
	v27 =	vsel vm6, $0x0, v29;
	[tilespmem:$0x1110] =	vst v26  }
0xe3: {  	v24 =	vld [tilespmem:$0xE30];
	v28 =	vsel vm6, $0x0, v30;
	[tilespmem:$0x920] =	vst v27  }
0xe4: {  	v7 =	vld [tilespmem:$0x150];
	v0 =	vsel vm7, $0x0, v0;
	[tilespmem:$0xD20] =	vst v28  }
0xe5: {  	v10 =	vld [tilespmem:$0x1150];
	v51 =	vsel vm15, $0x0, v17;
	[tilespmem:$0x930] =	vst v0  }
0xe6: {  	v11 =	vld [tilespmem:$0x160];
	v53 =	vsel vm15, $0x0, v18;
	[tilespmem:$0x8F0] =	vst v51  }
0xe7: {  	v14 =	vld [tilespmem:$0x1160];
	v54 =	vsel vm15, $0x0, v19;
	[tilespmem:$0xCF0] =	vst v53  }
0xe8: {  	v15 =	vld [tilespmem:$0x170];
	v30 =	vsel vm6, $0x0, v31;
	[tilespmem:$0x10F0] =	vst v54  }
0xe9: {  	v21 =	vld [tilespmem:$0xD80];
	v34 =	vsel vm7, $0x0, v33;
	[tilespmem:$0x1120] =	vst v30  }
0xea: {  	v22 =	vld [tilespmem:$0x1180];
	vm8 =	vlt.s32 v3, $0x0;
	v36 =	vsel vm7, $0x0, v2;
	[tilespmem:$0xD30] =	vst v34  }
0xeb: {  	v29 =	vld [tilespmem:$0x190];
	v38 =	vsel vm8, $0x0, v38;
	[tilespmem:$0x1130] =	vst v36  }
0xec: {  	v18 =	vld [tilespmem:$0x1170];
	v40 =	vsel vm8, $0x0, v40;
	[tilespmem:$0x940] =	vst v38  }
0xed: {  	v31 =	vld [tilespmem:$0x990];
	v42 =	vsel vm8, $0x0, v6;
	[tilespmem:$0xD40] =	vst v40;
	vm12 =	vlt.s32 v61, $0x0  }
0xee: {  	v41 =	vld [tilespmem:$0xDA0];
	[tilespmem:$0x1140] =	vst v42;
	vm14 =	vlt.s32 v37, $0x0;
	v62 =	vsel vm12, $0x0, v63  }
0xef: {  	v43 =	vld [tilespmem:$0x11A0];
	v34 =	vsel vm14, $0x0, v39;
	[tilespmem:$0x980] =	vst v62  }
0xf0: {  	v45 =	vld [tilespmem:$0x1B0];
	[tilespmem:$0x9A0] =	vst v34;
	v20 =	vsel vm12, $0x0, v21  }
0xf1: {  	v47 =	vld [tilespmem:$0x9B0];
	vm9 =	vlt.s32 v7, $0x0;
	v26 =	vsel vm12, $0x0, v22;
	[tilespmem:$0xD80] =	vst v20  }
0xf2: {  	v49 =	vld [tilespmem:$0xDB0];
	v44 =	vsel vm9, $0x0, v44;
	[tilespmem:$0x1180] =	vst v26  }
0xf3: {  	v55 =	vld [tilespmem:$0x9C0];
	v46 =	vsel vm9, $0x0, v46;
	[tilespmem:$0x950] =	vst v44  }
0xf4: {  	v57 =	vld [tilespmem:$0xDC0];
	vm10 =	vlt.s32 v11, $0x0;
	v48 =	vsel vm9, $0x0, v10;
	[tilespmem:$0xD50] =	vst v46  }
0xf5: {  	v59 =	vld [tilespmem:$0x11C0];
	v50 =	vsel vm10, $0x0, v50;
	[tilespmem:$0x1150] =	vst v48  }
0xf6: {  	v27 =	vld [tilespmem:$0x11D0];
	v52 =	vsel vm10, $0x0, v52;
	[tilespmem:$0x960] =	vst v50  }
0xf7: {  	v33 =	vld [tilespmem:$0xDE0];
	vm11 =	vlt.s32 v15, $0x0;
	v54 =	vsel vm10, $0x0, v14;
	[tilespmem:$0xD60] =	vst v52  }
0xf8: {  	v51 =	vld [tilespmem:$0x11B0];
	v56 =	vsel vm11, $0x0, v56;
	[tilespmem:$0x1160] =	vst v54  }
0xf9: {  	v53 =	vld [tilespmem:$0x1C0];
	v58 =	vsel vm11, $0x0, v58;
	[tilespmem:$0x970] =	vst v56  }
0xfa: {  	v61 =	vld [tilespmem:$0x1D0];
	vm13 =	vlt.s32 v29, $0x0;
	v60 =	vsel vm11, $0x0, v18;
	[tilespmem:$0xD70] =	vst v58  }
0xfb: {  	v37 =	vld [tilespmem:$0x1F0];
	v28 =	vsel vm13, $0x0, v31;
	[tilespmem:$0x1170] =	vst v60  }
0xfc: {  	v63 =	vld [tilespmem:$0x9D0];
	v30 =	vsel vm13, $0x0, v32;
	[tilespmem:$0x990] =	vst v28  }
0xfd: {  	v39 =	vld [tilespmem:$0x9F0];
	v32 =	vsel vm13, $0x0, v35;
	[tilespmem:$0xD90] =	vst v30  }
0xfe: {  	v34 =	vld [tilespmem:$0x1240];
	v36 =	vsel vm14, $0x0, v41;
	[tilespmem:$0x1190] =	vst v32  }
0xff: {  	v21 =	vld [tilespmem:$0xDD0];
	v38 =	vsel vm14, $0x0, v43;
	vm15 =	vlt.s32 v45, $0x0;
	[tilespmem:$0xDA0] =	vst v36  }
0x100: {  	v29 =	vld [tilespmem:$0x1E0];
	[tilespmem:$0x11A0] =	vst v38;
	v40 =	vsel vm15, $0x0, v47  }
0x101: {  	v22 =	vld [tilespmem:$0xA30];
	v42 =	vsel vm15, $0x0, v49;
	[tilespmem:$0x9B0] =	vst v40  }
0x102: {  	v31 =	vld [tilespmem:$0x9E0];
	v44 =	vsel vm15, $0x0, v51;
	vm4 =	vlt.s32 v53, $0x0;
	[tilespmem:$0xDB0] =	vst v42  }
0x103: {  	v35 =	vld [tilespmem:$0x11E0];
	[tilespmem:$0x11B0] =	vst v44;
	v46 =	vsel vm4, $0x0, v55  }
0x104: {  	v41 =	vld [tilespmem:$0xDF0];
	v48 =	vsel vm4, $0x0, v57;
	[tilespmem:$0x9C0] =	vst v46  }
0x105: {  	v43 =	vld [tilespmem:$0x11F0];
	vm5 =	vlt.s32 v61, $0x0;
	v50 =	vsel vm4, $0x0, v59;
	[tilespmem:$0xDC0] =	vst v48  }
0x106: {  	v45 =	vld [tilespmem:$0x200];
	v52 =	vsel vm5, $0x0, v63;
	[tilespmem:$0x11C0] =	vst v50  }
0x107: {  	v18 =	vld [tilespmem:$0x1220];
	vm7 =	vlt.s32 v37, $0x0;
	v56 =	vsel vm5, $0x0, v27;
	[tilespmem:$0x9D0] =	vst v52  }
0x108: {  	v20 =	vld [tilespmem:$0x230];
	v15 =	vsel vm7, $0x0, v39;
	[tilespmem:$0x11D0] =	vst v56  }
0x109: {  	v26 =	vld [tilespmem:$0x1230];
	[tilespmem:$0x9F0] =	vst v15;
	v54 =	vsel vm5, $0x0, v21;
	vm6 =	vlt.s32 v29, $0x0  }
0x10a: {  	v47 =	vld [tilespmem:$0xA00];
	[tilespmem:$0xDD0] =	vst v54;
	v58 =	vsel vm6, $0x0, v31  }
0x10b: {  	v49 =	vld [tilespmem:$0xE00];
	v60 =	vsel vm6, $0x0, v33;
	[tilespmem:$0x9E0] =	vst v58  }
0x10c: {  	v51 =	vld [tilespmem:$0x1200];
	v62 =	vsel vm6, $0x0, v35;
	[tilespmem:$0xDE0] =	vst v60  }
0x10d: {  	v53 =	vld [tilespmem:$0x210];
	v17 =	vsel vm7, $0x0, v41;
	[tilespmem:$0x11E0] =	vst v62  }
0x10e: {  	v61 =	vld [tilespmem:$0x220];
	v19 =	vsel vm7, $0x0, v43;
	vm8 =	vlt.s32 v45, $0x0;
	[tilespmem:$0xDF0] =	vst v17  }
0x10f: {  	v28 =	vld [tilespmem:$0x240];
	[tilespmem:$0x11F0] =	vst v19;
	v21 =	vsel vm8, $0x0, v47  }
0x110: {  	v55 =	vld [tilespmem:$0xA10];
	v23 =	vsel vm8, $0x0, v49;
	[tilespmem:$0xA00] =	vst v21  }
0x111: {  	v57 =	vld [tilespmem:$0xE10];
	vm11 =	vlt.s32 v20, $0x0;
	v25 =	vsel vm8, $0x0, v51;
	[tilespmem:$0xE00] =	vst v23  }
0x112: {  	v59 =	vld [tilespmem:$0x1210];
	v39 =	vsel vm11, $0x0, v22;
	[tilespmem:$0x1200] =	vst v25  }
0x113: {  	v63 =	vld [tilespmem:$0xA20];
	v41 =	vsel vm11, $0x0, v24;
	[tilespmem:$0xA30] =	vst v39  }
0x114: {  	v30 =	vld [tilespmem:$0xA40];
	vm9 =	vlt.s32 v53, $0x0;
	v43 =	vsel vm11, $0x0, v26;
	[tilespmem:$0xE30] =	vst v41  }
0x115: {  	v32 =	vld [tilespmem:$0xE40];
	v27 =	vsel vm9, $0x0, v55;
	[tilespmem:$0x1230] =	vst v43  }
0x116: {  	v36 =	vld [tilespmem:$0x250];
	v29 =	vsel vm9, $0x0, v57;
	[tilespmem:$0xA10] =	vst v27  }
0x117: {  	v38 =	vld [tilespmem:$0xA50];
	vm10 =	vlt.s32 v61, $0x0;
	v31 =	vsel vm9, $0x0, v59;
	[tilespmem:$0xE10] =	vst v29  }
0x118: {  	v40 =	vld [tilespmem:$0xE50];
	v33 =	vsel vm10, $0x0, v63;
	[tilespmem:$0x1210] =	vst v31  }
0x119: {  	v42 =	vld [tilespmem:$0x1250];
	v35 =	vsel vm10, $0x0, v16;
	[tilespmem:$0xA20] =	vst v33  }
0x11a: {  	v44 =	vld [tilespmem:$0x260];
	vm12 =	vlt.s32 v28, $0x0;
	v37 =	vsel vm10, $0x0, v18;
	[tilespmem:$0xE20] =	vst v35  }
0x11b: {  	v46 =	vld [tilespmem:$0xA60];
	v45 =	vsel vm12, $0x0, v30;
	[tilespmem:$0x1220] =	vst v37  }
0x11c: {  	v48 =	vld [tilespmem:$0xE60];
	v47 =	vsel vm12, $0x0, v32;
	[tilespmem:$0xA40] =	vst v45  }
0x11d: {  	v50 =	vld [tilespmem:$0x1260];
	vm13 =	vlt.s32 v36, $0x0;
	v49 =	vsel vm12, $0x0, v34;
	[tilespmem:$0xE40] =	vst v47  }
0x11e: {  	v52 =	vld [tilespmem:$0x270];
	v51 =	vsel vm13, $0x0, v38;
	[tilespmem:$0x1240] =	vst v49  }
0x11f: {  	v56 =	vld [tilespmem:$0xE70];
	v53 =	vsel vm13, $0x0, v40;
	[tilespmem:$0xA50] =	vst v51  }
0x120: {  	v54 =	vld [tilespmem:$0xA70];
	v55 =	vsel vm13, $0x0, v42;
	vm14 =	vlt.s32 v44, $0x0;
	[tilespmem:$0xE50] =	vst v53  }
0x121: {  	v58 =	vld [tilespmem:$0x1270];
	[tilespmem:$0x1250] =	vst v55;
	v57 =	vsel vm14, $0x0, v46  }
0x122: {  	v59 =	vsel vm14, $0x0, v48;
	[tilespmem:$0xA60] =	vst v57  }
0x123: {  	v60 =	vsel vm14, $0x0, v50;
	vm15 =	vlt.s32 v52, $0x0;
	[tilespmem:$0xE60] =	vst v59  }
0x124: {  	[tilespmem:$0x1260] =	vst v60;
	v62 =	vsel vm15, $0x0, v56  }
0x125: {  	v61 =	vsel vm15, $0x0, v54;
	[tilespmem:$0xE70] =	vst v62  }
0x126: {  	[tilespmem:$0xA70] =	vst v61;
	v63 =	vsel vm15, $0x0, v58  }
0x127: {  	s2 =	rddreg [dreg:$0x4];
	[tilespmem:$0x1270] =	vst v63  }
0x128: {  	[hbm4b:s2+s1] =	stream.linear.scatter [tilespmem:s12], [sflag:$0x2], $0x280, $0x38;
	[tilespmem:$0x1400] =	vst v63  }
0x129: {  	_ =	swait.ge [sflag:s9], $0x280  }
0x12a: {  	[sflag:s9] =	ssyncset.done $0x0  }
0x12b: {  	[sflag:s9] =	ssyncadd.s32 $0xFFFFFD80  }
0x12c: {  	[hbm4b:s6+s1] =	stream.linear.scatter [tilespmem:s14], [sflag:$0x2], $0x280, $0x38;
	[tilespmem:$0x1400] =	vst v63  }
0x12d: {  	_ =	swait.ge [sflag:s9], $0x280  }
0x12e: {  	p0 =	sne.s32 s8, $0x1;
	[sflag:s9] =	ssyncset.done $0x0  }
.Ltmp0:
0x12f: {  	[sflag:s9] =	ssyncadd.s32 $0xFFFFFD80;
	(pc) =	sbr.rel @p0 .LBB2_1-.Ltmp0, $4  }
0x130: {  	[hbm4b:s7+s1] =	stream.linear.scatter [tilespmem:s15], [sflag:$0x2], $0x280, $0x38;
	[tilespmem:$0x1400] =	vst v63  }
0x131: {  	_ =	swait.ge [sflag:s9], $0x280  }
0x132: {  	[sflag:s9] =	ssyncset.done $0x0  }
0x133: {  	s8 =	sadd.s32 $0xFFFFFFFF, s8;
	[sflag:s9] =	ssyncadd.s32 $0xFFFFFD80  }
0x134: {  	_ =	sfence.sel $0x180000  }
0x135: {  	[bflag:$0x0] =	sbarrier.arrive $0xFFFF  }
0x136: {  	_ =	strace $0x90000047  }
0x137: {  	s0 =	stileid.u32;
	[bflag:$0x2] =	sbarrier.arrive $0xFFFF  }
0x138: {  	p0 =	sne.s32 s0, $0x0;
	s0 =	rddreg [dreg:$0x2]  }
0x139: {  	s0 =	sadd.s32 @!p0 $0x100000, s0  }
0x13a: {  	[sflag:s0] =	ssyncadd.tile.s32 @!p0 $0x1;
	_ =	shalt  }
.Lfunc_end2:
_tile_overlayer_lowered:
.L_overlay_start_2:
0x13b: {  	(tag) =	ssettag $0x2  }
0x13c: {  	s0 =	rddreg [dreg:$0x0];
	s2 =	stileid.u32  }
0x13d: {  	s1 =	rddreg [dreg:$0x1];
	p0 =	sne.s32 s2, $0x0  }
0x13e: {  	s3 =	rddreg [dreg:$0x2];
	[bflag:$0x3] =	sbarrier.arrive $0xFFFF;
	s2 =	simm.s32 @!p0 $0x1C02  }
0x13f: {  	[timem:s3], [sflag:s2] =	dma.local @!p0 [hbm:s0], s1  }
0x140: {  	s0 =	simm.s32 @!p0 $0x2  }
0x141: {  	_ =	swait.ge @!p0 [sflag:s0], s1  }
0x142: {  	s1 =	ssub.s32 @!p0 $0x0, s1;
	[sflag:s0] =	ssyncset.done @!p0 $0x0  }
0x143: {  	[sflag:s0] =	ssyncadd.s32 @!p0 s1  }
0x144: {  	[bflag:$0x3] =	sbarrier.arrive $0xFFFF  }
0x145: {  	_ =	shalt  }

</sc_bundles>
